<compile_context>
chip_gen: v7x
topology: tpu7x:2x2x1
jax: 0.10.2.dev20260603
libtpu: 0.0.44.dev20260713+nightly
codegen_flags: <defaults>
</compile_context>

<pallas_src>
import functools

import jax
import jax.numpy as jnp
from jax import lax
from jax.experimental import pallas as pl
from jax.experimental.pallas import tpu as pltpu
from jax.experimental.pallas import tpu_sc as plsc

_B, _L, _E, _OV = 16384, 200, 64, 256
_IV = 1_000_000

_NW = 32
_BPW = _B // _NW
_CHUNK = 2
_T = _BPW // _CHUNK
_SUBLEN = 80
_NSUB = (_CHUNK * _L) // _SUBLEN
_GROUPS = _E // 16
_UNROLL = 8


_CB = 16384
_NGR = 62
_TAIL = 512
_REM = _IV - (_NGR - 1) * _CB - _TAIL


def _relayout_tc(tabT):

    def body(in_hbm, out_hbm, x0, x1, s0, s1, si0, si1, so0, so1):
        j = pl.program_id(0)

        def in_desc(jj, xbuf, sem, n):
            return pltpu.make_async_copy(
                in_hbm.at[:, pl.ds(jj * _CB, n)], xbuf.at[:, pl.ds(0, n)], sem)

        def out_desc(jj, sbuf, sem, n):
            return pltpu.make_async_copy(
                sbuf.at[pl.ds(0, n), :], out_hbm.at[pl.ds(jj * _CB, n), :], sem)

        def step(x, si, s, so, xn, sin_, sprev, soprev):
            @pl.when(j == 0)
            def _():
                in_desc(0, x, si, _CB).start()

            @pl.when(j < _NGR - 1)
            def _():
                in_desc(j, x, si, _CB).wait()

            @pl.when(j == _NGR - 1)
            def _():
                in_desc(j, x, si, _TAIL).wait()

            @pl.when(j + 1 < _NGR - 1)
            def _():
                in_desc(j + 1, xn, sin_, _CB).start()

            @pl.when(j + 1 == _NGR - 1)
            def _():
                in_desc(j + 1, xn, sin_, _TAIL).start()

            @pl.when(j >= 2)
            def _():
                out_desc(j - 2, s, so, _CB).wait()

            @pl.when(j < _NGR - 1)
            def _():
                s[:, 0:_E] = jnp.transpose(x[...], (1, 0))
                out_desc(j, s, so, _CB).start()

            @pl.when(j == _NGR - 1)
            def _():
                s[0:_TAIL, 0:_E] = jnp.transpose(x[:, 0:_TAIL], (1, 0))
                out_desc(j, s, so, _TAIL).start()
                out_desc(j, s, so, _TAIL).wait()
                out_desc(j - 1, sprev, soprev, _CB).wait()

        @pl.when(j % 2 == 0)
        def _():
            step(x0, si0, s0, so0, x1, si1, s1, so1)

        @pl.when(j % 2 == 1)
        def _():
            step(x1, si1, s1, so1, x0, si0, s0, so0)

    return pl.pallas_call(
        body,
        grid=(_NGR,),
        in_specs=[pl.BlockSpec(memory_space=pl.ANY)],
        out_specs=pl.BlockSpec(memory_space=pl.ANY),
        out_shape=jax.ShapeDtypeStruct((_IV, 128), jnp.float32),
        scratch_shapes=[
            pltpu.VMEM((_E, _CB), jnp.float32),
            pltpu.VMEM((_E, _CB), jnp.float32),
            pltpu.VMEM((_CB, 128), jnp.float32),
            pltpu.VMEM((_CB, 128), jnp.float32),
            pltpu.SemaphoreType.DMA,
            pltpu.SemaphoreType.DMA,
            pltpu.SemaphoreType.DMA,
            pltpu.SemaphoreType.DMA,
        ],
    )(tabT)


def _fix_tail(tab128, tail64):

    def body(out_alias_hbm, x_ref, out_hbm, st, sem):
        st[:, 0:_E] = x_ref[...]
        cp = pltpu.make_async_copy(
            st, out_hbm.at[pl.ds(_IV - _REM, _REM), :], sem)
        cp.start()
        cp.wait()

    return pl.pallas_call(
        body,
        grid=(1,),
        in_specs=[
            pl.BlockSpec(memory_space=pl.ANY),
            pl.BlockSpec((_REM, _E), lambda i: (0, 0)),
        ],
        out_specs=pl.BlockSpec(memory_space=pl.ANY),
        out_shape=jax.ShapeDtypeStruct((_IV, 128), jnp.float32),
        input_output_aliases={0: 0},
        scratch_shapes=[
            pltpu.VMEM((_REM, 128), jnp.float32),
            pltpu.SemaphoreType.DMA,
        ],
    )(tab128, tail64)


def _embed_sum_sc(idx3, emb_table):
    mesh = plsc.VectorSubcoreMesh(core_axis_name="c", subcore_axis_name="s")

    @functools.partial(
        pl.kernel,
        out_type=jax.ShapeDtypeStruct((_B, _E), jnp.float32),
        mesh=mesh,
        scratch_types=[
            pltpu.VMEM((2, _NSUB, _SUBLEN), jnp.int32),
            pltpu.VMEM((2, _CHUNK * _L, _E), jnp.float32),
            pltpu.VMEM((_BPW, _E), jnp.float32),
            pltpu.SemaphoreType.DMA,
            pltpu.SemaphoreType.DMA,
        ],
        compiler_params=pltpu.CompilerParams(use_tc_tiling_on_sc=False),
    )
    def k(idx_hbm, table_hbm, out_hbm, idx_v, rows_v, out_v, sem0, sem1):
        wid = lax.axis_index("s") * 2 + lax.axis_index("c")
        row0 = wid * _T

        def fire(t, buf, sem):
            pltpu.sync_copy(idx_hbm.at[row0 + t], idx_v.at[buf])
            for j in range(_NSUB):
                pltpu.async_copy(
                    table_hbm.at[idx_v.at[buf, j]],
                    rows_v.at[buf, pl.ds(j * _SUBLEN, _SUBLEN)],
                    sem,
                )

        def drain(buf, sem):
            for j in range(_NSUB):
                pltpu.make_async_copy(
                    table_hbm.at[idx_v.at[buf, j]],
                    rows_v.at[buf, pl.ds(j * _SUBLEN, _SUBLEN)],
                    sem,
                ).wait()

        def accum(t, buf):
            for c in range(_CHUNK):
                base = c * _L

                def body(jj, accs):
                    j = base + jj * _UNROLL
                    new = []
                    for g in range(_GROUPS):
                        a = accs[g]
                        for u in range(_UNROLL):
                            a = a + rows_v[buf, j + u, pl.ds(g * 16, 16)]
                        new.append(a)
                    return tuple(new)

                zero = jnp.zeros((16,), jnp.float32)
                accs = lax.fori_loop(0, _L // _UNROLL, body, (zero,) * _GROUPS)
                for g in range(_GROUPS):
                    out_v[t * _CHUNK + c, pl.ds(g * 16, 16)] = accs[g]

        fire(0, 0, sem0)

        def pair(i, carry):
            t0 = 2 * i
            fire(t0 + 1, 1, sem1)
            drain(0, sem0)
            accum(t0, 0)

            @pl.when(t0 + 2 < _T)
            def _():
                fire(t0 + 2, 0, sem0)

            drain(1, sem1)
            accum(t0 + 1, 1)
            return carry

        lax.fori_loop(0, _T // 2, pair, 0)
        pltpu.sync_copy(out_v, out_hbm.at[pl.ds(wid * _BPW, _BPW)])

    return k(idx3, emb_table)


def _heads_tc(hid, w_outT, b_out2, w_val2, b_val2, u):
    blk = 2048
    grid = _B // blk

    def body(hid_ref, w_ref, b_ref, wv_ref, bv_ref, u_ref,
             comms_ref, probs_ref, val_ref):
        h = hid_ref[...]
        logits = jnp.dot(h, w_ref[...], preferred_element_type=jnp.float32)
        logits = logits + b_ref[...]
        p = jax.nn.sigmoid(logits)
        probs_ref[...] = p
        comms_ref[...] = (u_ref[...] < p).astype(jnp.float32)
        v = jnp.sum(h * wv_ref[...], axis=1, keepdims=True) + bv_ref[0, 0]
        val_ref[...] = v

    return pl.pallas_call(
        body,
        grid=(grid,),
        in_specs=[
            pl.BlockSpec((blk, _E), lambda i: (i, 0)),
            pl.BlockSpec((_E, _OV), lambda i: (0, 0)),
            pl.BlockSpec((1, _OV), lambda i: (0, 0)),
            pl.BlockSpec((1, _E), lambda i: (0, 0)),
            pl.BlockSpec(memory_space=pltpu.SMEM),
            pl.BlockSpec((blk, _OV), lambda i: (i, 0)),
        ],
        out_specs=[
            pl.BlockSpec((blk, _OV), lambda i: (i, 0)),
            pl.BlockSpec((blk, _OV), lambda i: (i, 0)),
            pl.BlockSpec((blk, 1), lambda i: (i, 0)),
        ],
        out_shape=[
            jax.ShapeDtypeStruct((_B, _OV), jnp.float32),
            jax.ShapeDtypeStruct((_B, _OV), jnp.float32),
            jax.ShapeDtypeStruct((_B, 1), jnp.float32),
        ],
    )(hid, w_outT, b_out2, w_val2, b_val2, u)


def kernel(goldstandard, emb_table, W_out, b_out, W_val, b_val):
    idx3 = (goldstandard * 2).reshape(_B // _CHUNK, _NSUB, _SUBLEN)
    tab128 = _relayout_tc(emb_table.T)
    tab128 = _fix_tail(tab128, emb_table[_IV - _REM:, :])
    table_lin = tab128.reshape(2 * _IV, _E)
    hid = _embed_sum_sc(idx3, table_lin)
    u = jax.random.uniform(jax.random.key(1), (_B, _OV), jnp.float32)
    comms, probs, value = _heads_tc(
        hid,
        W_out.T,
        b_out.reshape(1, _OV),
        W_val,
        b_val.reshape(1, 1),
        u,
    )
    return comms, probs, value

# --- scband reference (transcript-rebuilt; emitter-appended) ---
"""Pipeline reference for scband-tourist-6382321402525 (READ-ONLY COPY).

The authoritative reference and input builder live on the scoring server;
editing this copy changes nothing except your own understanding.
"""

import jax, jax.numpy as jnp
import numpy as np

IN_VOCAB = 1000000
EMBED = 64
OUT_VOCAB = 256
B, L = 16384, 200


def setup_inputs(seed: int = 0) -> dict:
    key = jax.random.key(seed)
    k1, k2, k3, k4 = jax.random.split(key, 4)
    goldstandard = jax.random.randint(k1, (B, L), 0, IN_VOCAB, dtype=jnp.int32)
    emb_table = jax.random.normal(k2, (IN_VOCAB, EMBED), dtype=jnp.float32) * 0.02
    emb_table = emb_table.at[0].set(0.0)  # padding_idx=0
    W_out = jax.random.normal(k3, (OUT_VOCAB, EMBED), dtype=jnp.float32) * (1.0 / np.sqrt(EMBED))
    b_out = jnp.zeros((OUT_VOCAB,), dtype=jnp.float32)
    W_val = jax.random.normal(k4, (1, EMBED), dtype=jnp.float32) * (1.0 / np.sqrt(EMBED))
    b_val = jnp.zeros((1,), dtype=jnp.float32)
    return {
        "goldstandard": goldstandard,
        "emb_table": emb_table,
        "W_out": W_out,
        "b_out": b_out,
        "W_val": W_val,
        "b_val": b_val,
    }


def reference(goldstandard, emb_table, W_out, b_out, W_val, b_val):
    # emb_obsv(X['goldstandard']) with padding_idx=0 (row 0 is zero), then sum over seq dim
    goldstandard_hid = jnp.take(emb_table, goldstandard, axis=0)  # [B, L, E]
    hid = goldstandard_hid.sum(axis=1)  # [B, E]
    # out_comms + sigmoid
    logits = hid @ W_out.T + b_out  # [B, OUT_VOCAB]
    probs = jax.nn.sigmoid(logits)
    # bernoulli sample of comms (non-differentiable)
    comms = jax.random.bernoulli(jax.random.key(1), probs).astype(jnp.float32)
    # value head
    value = hid @ W_val.T + b_val  # [B, 1]
    return comms, probs, value

if __name__ == "__main__":
    import jax
    _d = setup_inputs()
    print(jax.jit(kernel)(*tuple(_d.values())))

</pallas_src>

<mosaic_0001>
#map = affine_map<(d0, d1) -> (0, 0, 0)>
#map1 = affine_map<(d0, d1) -> (0, 0)>
module attributes {stable_mosaic.version = 14 : i64} {
  func.func @k(%arg0: i32, %arg1: i32, %arg2: memref<8192x5x80xi32, #tpu.memory_space<hbm>>, %arg3: memref<2000000x64xf32, #tpu.memory_space<hbm>>, %arg4: memref<16384x64xf32, #tpu.memory_space<hbm>>, %arg5: memref<2x5x80xi32, #tpu.memory_space<vmem>>, %arg6: memref<2x400x64xf32, #tpu.memory_space<vmem>>, %arg7: memref<512x64xf32, #tpu.memory_space<vmem>>, %arg8: memref<!tpu.dma_semaphore, #tpu.memory_space<semaphore_mem>>, %arg9: memref<!tpu.dma_semaphore, #tpu.memory_space<semaphore_mem>>) attributes {dimension_semantics = [#tpu.dimension_semantics<core_parallel>, #tpu.dimension_semantics<subcore_parallel>], iteration_bounds = array<i64: 2, 16>, scalar_prefetch = 0 : i64, scratch_operands = 5 : i64, tpu.core_type = #tpu.core_type<sc_vector_subcore>, window_params = [{transform_indices = #map}, {transform_indices = #map1}, {transform_indices = #map1}]} {
    %mul3A = arith.constant 2 : i32
    %mul3A_0 = arith.muli %arg1, %mul3A : i32
    %add3A = arith.addi %mul3A_0, %arg0 : i32
    %mul3A_1 = arith.constant 256 : i32
    %mul3A_2 = arith.muli %add3A, %mul3A_1 : i32
    %add3A_3 = arith.constant 0 : i32
    %add3A_4 = arith.addi %mul3A_2, %add3A_3 : i32
    %run_scoped3A = arith.constant 0 : i32
    "tpu.region"() ({
      %run_scoped3A_76 = tpu.sem_alloc : memref<!tpu.dma_semaphore, #tpu.memory_space<semaphore_mem>>
      %dma_start3A_77 = arith.constant 0 : i32
      %dma_start3A_78 = arith.constant 0 : i32
      %dma_start3A_79 = tpu.memref_slice %arg5[%run_scoped3A, %dma_start3A_77, %dma_start3A_78] : memref<2x5x80xi32, #tpu.memory_space<vmem>> -> memref<1x5x80xi32, #tpu.memory_space<vmem>>
      %dma_start3A_80 = tpu.memref_squeeze %dma_start3A_79 : memref<1x5x80xi32, #tpu.memory_space<vmem>> -> memref<5x80xi32, #tpu.memory_space<vmem>>
      %dma_start3A_81 = arith.constant 0 : i32
      %dma_start3A_82 = arith.constant 0 : i32
      %dma_start3A_83 = tpu.memref_slice %arg2[%add3A_4, %dma_start3A_81, %dma_start3A_82] : memref<8192x5x80xi32, #tpu.memory_space<hbm>> -> memref<1x5x80xi32, #tpu.memory_space<hbm>>
      %dma_start3A_84 = tpu.memref_squeeze %dma_start3A_83 : memref<1x5x80xi32, #tpu.memory_space<hbm>> -> memref<5x80xi32, #tpu.memory_space<hbm>>
      %dma_start3A_85 = arith.constant 0 : i32
      %dma_start3A_86 = arith.constant 0 : i32
      %dma_start3A_87 = tpu.memref_slice %arg5[%run_scoped3A, %dma_start3A_85, %dma_start3A_86] : memref<2x5x80xi32, #tpu.memory_space<vmem>> -> memref<1x5x80xi32, #tpu.memory_space<vmem>>
      %dma_start3A_88 = tpu.memref_squeeze %dma_start3A_87 : memref<1x5x80xi32, #tpu.memory_space<vmem>> -> memref<5x80xi32, #tpu.memory_space<vmem>>
      %dma_start3A_89 = arith.constant 0 : i32
      %dma_start3A_90 = arith.constant 0 : i32
      %dma_start3A_91 = tpu.memref_slice %arg2[%add3A_4, %dma_start3A_89, %dma_start3A_90] : memref<8192x5x80xi32, #tpu.memory_space<hbm>> -> memref<1x5x80xi32, #tpu.memory_space<hbm>>
      %dma_start3A_92 = tpu.memref_squeeze %dma_start3A_91 : memref<1x5x80xi32, #tpu.memory_space<hbm>> -> memref<5x80xi32, #tpu.memory_space<hbm>>
      tpu.enqueue_dma source(%dma_start3A_92 : memref<5x80xi32, #tpu.memory_space<hbm>>) target(%dma_start3A_88 : memref<5x80xi32, #tpu.memory_space<vmem>>) target_semaphore(%run_scoped3A_76 : memref<!tpu.dma_semaphore, #tpu.memory_space<semaphore_mem>>)
      %dma_wait3A = arith.constant 0 : i32
      %dma_wait3A_93 = arith.constant 0 : i32
      %dma_wait3A_94 = tpu.memref_slice %arg5[%run_scoped3A, %dma_wait3A, %dma_wait3A_93] : memref<2x5x80xi32, #tpu.memory_space<vmem>> -> memref<1x5x80xi32, #tpu.memory_space<vmem>>
      %dma_wait3A_95 = tpu.memref_squeeze %dma_wait3A_94 : memref<1x5x80xi32, #tpu.memory_space<vmem>> -> memref<5x80xi32, #tpu.memory_space<vmem>>
      %dma_wait3A_96 = arith.constant 0 : i32
      %dma_wait3A_97 = arith.constant 0 : i32
      %dma_wait3A_98 = tpu.memref_slice %arg2[%add3A_4, %dma_wait3A_96, %dma_wait3A_97] : memref<8192x5x80xi32, #tpu.memory_space<hbm>> -> memref<1x5x80xi32, #tpu.memory_space<hbm>>
      %dma_wait3A_99 = tpu.memref_squeeze %dma_wait3A_98 : memref<1x5x80xi32, #tpu.memory_space<hbm>> -> memref<5x80xi32, #tpu.memory_space<hbm>>
      %dma_wait3A_100 = arith.constant 0 : i32
      %dma_wait3A_101 = arith.constant 0 : i32
      %dma_wait3A_102 = tpu.memref_slice %arg5[%run_scoped3A, %dma_wait3A_100, %dma_wait3A_101] : memref<2x5x80xi32, #tpu.memory_space<vmem>> -> memref<1x5x80xi32, #tpu.memory_space<vmem>>
      %dma_wait3A_103 = tpu.memref_squeeze %dma_wait3A_102 : memref<1x5x80xi32, #tpu.memory_space<vmem>> -> memref<5x80xi32, #tpu.memory_space<vmem>>
      %dma_wait3A_104 = arith.constant 0 : i32
      %dma_wait3A_105 = arith.constant 0 : i32
      %dma_wait3A_106 = tpu.memref_slice %arg2[%add3A_4, %dma_wait3A_104, %dma_wait3A_105] : memref<8192x5x80xi32, #tpu.memory_space<hbm>> -> memref<1x5x80xi32, #tpu.memory_space<hbm>>
      %dma_wait3A_107 = tpu.memref_squeeze %dma_wait3A_106 : memref<1x5x80xi32, #tpu.memory_space<hbm>> -> memref<5x80xi32, #tpu.memory_space<hbm>>
      tpu.wait_dma2 semaphore(%run_scoped3A_76 : memref<!tpu.dma_semaphore, #tpu.memory_space<semaphore_mem>>) src(%dma_wait3A_107 : memref<5x80xi32, #tpu.memory_space<hbm>>) dst(%dma_wait3A_103 : memref<5x80xi32, #tpu.memory_space<vmem>>)
      tpu.yield
    }) : () -> ()
    %dma_start3A = arith.constant 0 : i32
    %dma_start3A_5 = arith.constant 0 : i32
    %dma_start3A_6 = arith.constant 0 : i32
    %dma_start3A_7 = arith.constant 0 : i32
    %dma_start3A_8 = arith.constant 0 : i32
    %dma_start3A_9 = tpu.memref_slice %arg6[%dma_start3A_6, %dma_start3A_7, %dma_start3A_8] : memref<2x400x64xf32, #tpu.memory_space<vmem>> -> memref<1x80x64xf32, #tpu.memory_space<vmem>>
    %dma_start3A_10 = tpu.memref_squeeze %dma_start3A_9 : memref<1x80x64xf32, #tpu.memory_space<vmem>> -> memref<80x64xf32, #tpu.memory_space<vmem>>
    %dma_start3A_11 = arith.constant 0 : i32
    %dma_start3A_12 = tpu.memref_slice %arg5[%dma_start3A, %dma_start3A_5, %dma_start3A_11] : memref<2x5x80xi32, #tpu.memory_space<vmem>> -> memref<1x1x80xi32, #tpu.memory_space<vmem>>
    %dma_start3A_13 = tpu.memref_squeeze %dma_start3A_12 : memref<1x1x80xi32, #tpu.memory_space<vmem>> -> memref<80xi32, #tpu.memory_space<vmem>>
    %dma_start3A_14 = arith.constant 0 : i32
    %dma_start3A_15 = arith.constant 0 : i32
    %dma_start3A_16 = tpu.memref_slice %arg3[%dma_start3A_14, %dma_start3A_15] : memref<2000000x64xf32, #tpu.memory_space<hbm>> -> memref<2000000x64xf32, #tpu.memory_space<hbm>>
    tpu.enqueue_indirect_dma source(%dma_start3A_16 : memref<2000000x64xf32, #tpu.memory_space<hbm>>) target(%dma_start3A_10 : memref<80x64xf32, #tpu.memory_space<vmem>>) offsets(%dma_start3A_13 : memref<80xi32, #tpu.memory_space<vmem>>) semaphore(%arg8 : memref<!tpu.dma_semaphore, #tpu.memory_space<semaphore_mem>>)
    %dma_start3A_17 = arith.constant 0 : i32
    %dma_start3A_18 = arith.constant 1 : i32
    %dma_start3A_19 = arith.constant 0 : i32
    %dma_start3A_20 = arith.constant 80 : i32
    %dma_start3A_21 = arith.constant 0 : i32
    %dma_start3A_22 = tpu.memref_slice %arg6[%dma_start3A_19, %dma_start3A_20, %dma_start3A_21] : memref<2x400x64xf32, #tpu.memory_space<vmem>> -> memref<1x80x64xf32, #tpu.memory_space<vmem>>
    %dma_start3A_23 = tpu.memref_squeeze %dma_start3A_22 : memref<1x80x64xf32, #tpu.memory_space<vmem>> -> memref<80x64xf32, #tpu.memory_space<vmem>>
    %dma_start3A_24 = arith.constant 0 : i32
    %dma_start3A_25 = tpu.memref_slice %arg5[%dma_start3A_17, %dma_start3A_18, %dma_start3A_24] : memref<2x5x80xi32, #tpu.memory_space<vmem>> -> memref<1x1x80xi32, #tpu.memory_space<vmem>>
    %dma_start3A_26 = tpu.memref_squeeze %dma_start3A_25 : memref<1x1x80xi32, #tpu.memory_space<vmem>> -> memref<80xi32, #tpu.memory_space<vmem>>
    %dma_start3A_27 = arith.constant 0 : i32
    %dma_start3A_28 = arith.constant 0 : i32
    %dma_start3A_29 = tpu.memref_slice %arg3[%dma_start3A_27, %dma_start3A_28] : memref<2000000x64xf32, #tpu.memory_space<hbm>> -> memref<2000000x64xf32, #tpu.memory_space<hbm>>
    tpu.enqueue_indirect_dma source(%dma_start3A_29 : memref<2000000x64xf32, #tpu.memory_space<hbm>>) target(%dma_start3A_23 : memref<80x64xf32, #tpu.memory_space<vmem>>) offsets(%dma_start3A_26 : memref<80xi32, #tpu.memory_space<vmem>>) semaphore(%arg8 : memref<!tpu.dma_semaphore, #tpu.memory_space<semaphore_mem>>)
    %dma_start3A_30 = arith.constant 0 : i32
    %dma_start3A_31 = arith.constant 2 : i32
    %dma_start3A_32 = arith.constant 0 : i32
    %dma_start3A_33 = arith.constant 160 : i32
    %dma_start3A_34 = arith.constant 0 : i32
    %dma_start3A_35 = tpu.memref_slice %arg6[%dma_start3A_32, %dma_start3A_33, %dma_start3A_34] : memref<2x400x64xf32, #tpu.memory_space<vmem>> -> memref<1x80x64xf32, #tpu.memory_space<vmem>>
    %dma_start3A_36 = tpu.memref_squeeze %dma_start3A_35 : memref<1x80x64xf32, #tpu.memory_space<vmem>> -> memref<80x64xf32, #tpu.memory_space<vmem>>
    %dma_start3A_37 = arith.constant 0 : i32
    %dma_start3A_38 = tpu.memref_slice %arg5[%dma_start3A_30, %dma_start3A_31, %dma_start3A_37] : memref<2x5x80xi32, #tpu.memory_space<vmem>> -> memref<1x1x80xi32, #tpu.memory_space<vmem>>
    %dma_start3A_39 = tpu.memref_squeeze %dma_start3A_38 : memref<1x1x80xi32, #tpu.memory_space<vmem>> -> memref<80xi32, #tpu.memory_space<vmem>>
    %dma_start3A_40 = arith.constant 0 : i32
    %dma_start3A_41 = arith.constant 0 : i32
    %dma_start3A_42 = tpu.memref_slice %arg3[%dma_start3A_40, %dma_start3A_41] : memref<2000000x64xf32, #tpu.memory_space<hbm>> -> memref<2000000x64xf32, #tpu.memory_space<hbm>>
    tpu.enqueue_indirect_dma source(%dma_start3A_42 : memref<2000000x64xf32, #tpu.memory_space<hbm>>) target(%dma_start3A_36 : memref<80x64xf32, #tpu.memory_space<vmem>>) offsets(%dma_start3A_39 : memref<80xi32, #tpu.memory_space<vmem>>) semaphore(%arg8 : memref<!tpu.dma_semaphore, #tpu.memory_space<semaphore_mem>>)
    %dma_start3A_43 = arith.constant 0 : i32
    %dma_start3A_44 = arith.constant 3 : i32
    %dma_start3A_45 = arith.constant 0 : i32
    %dma_start3A_46 = arith.constant 240 : i32
    %dma_start3A_47 = arith.constant 0 : i32
    %dma_start3A_48 = tpu.memref_slice %arg6[%dma_start3A_45, %dma_start3A_46, %dma_start3A_47] : memref<2x400x64xf32, #tpu.memory_space<vmem>> -> memref<1x80x64xf32, #tpu.memory_space<vmem>>
    %dma_start3A_49 = tpu.memref_squeeze %dma_start3A_48 : memref<1x80x64xf32, #tpu.memory_space<vmem>> -> memref<80x64xf32, #tpu.memory_space<vmem>>
    %dma_start3A_50 = arith.constant 0 : i32
    %dma_start3A_51 = tpu.memref_slice %arg5[%dma_start3A_43, %dma_start3A_44, %dma_start3A_50] : memref<2x5x80xi32, #tpu.memory_space<vmem>> -> memref<1x1x80xi32, #tpu.memory_space<vmem>>
    %dma_start3A_52 = tpu.memref_squeeze %dma_start3A_51 : memref<1x1x80xi32, #tpu.memory_space<vmem>> -> memref<80xi32, #tpu.memory_space<vmem>>
    %dma_start3A_53 = arith.constant 0 : i32
    %dma_start3A_54 = arith.constant 0 : i32
    %dma_start3A_55 = tpu.memref_slice %arg3[%dma_start3A_53, %dma_start3A_54] : memref<2000000x64xf32, #tpu.memory_space<hbm>> -> memref<2000000x64xf32, #tpu.memory_space<hbm>>
    tpu.enqueue_indirect_dma source(%dma_start3A_55 : memref<2000000x64xf32, #tpu.memory_space<hbm>>) target(%dma_start3A_49 : memref<80x64xf32, #tpu.memory_space<vmem>>) offsets(%dma_start3A_52 : memref<80xi32, #tpu.memory_space<vmem>>) semaphore(%arg8 : memref<!tpu.dma_semaphore, #tpu.memory_space<semaphore_mem>>)
    %dma_start3A_56 = arith.constant 0 : i32
    %dma_start3A_57 = arith.constant 4 : i32
    %dma_start3A_58 = arith.constant 0 : i32
    %dma_start3A_59 = arith.constant 320 : i32
    %dma_start3A_60 = arith.constant 0 : i32
    %dma_start3A_61 = tpu.memref_slice %arg6[%dma_start3A_58, %dma_start3A_59, %dma_start3A_60] : memref<2x400x64xf32, #tpu.memory_space<vmem>> -> memref<1x80x64xf32, #tpu.memory_space<vmem>>
    %dma_start3A_62 = tpu.memref_squeeze %dma_start3A_61 : memref<1x80x64xf32, #tpu.memory_space<vmem>> -> memref<80x64xf32, #tpu.memory_space<vmem>>
    %dma_start3A_63 = arith.constant 0 : i32
    %dma_start3A_64 = tpu.memref_slice %arg5[%dma_start3A_56, %dma_start3A_57, %dma_start3A_63] : memref<2x5x80xi32, #tpu.memory_space<vmem>> -> memref<1x1x80xi32, #tpu.memory_space<vmem>>
    %dma_start3A_65 = tpu.memref_squeeze %dma_start3A_64 : memref<1x1x80xi32, #tpu.memory_space<vmem>> -> memref<80xi32, #tpu.memory_space<vmem>>
    %dma_start3A_66 = arith.constant 0 : i32
    %dma_start3A_67 = arith.constant 0 : i32
    %dma_start3A_68 = tpu.memref_slice %arg3[%dma_start3A_66, %dma_start3A_67] : memref<2000000x64xf32, #tpu.memory_space<hbm>> -> memref<2000000x64xf32, #tpu.memory_space<hbm>>
    tpu.enqueue_indirect_dma source(%dma_start3A_68 : memref<2000000x64xf32, #tpu.memory_space<hbm>>) target(%dma_start3A_62 : memref<80x64xf32, #tpu.memory_space<vmem>>) offsets(%dma_start3A_65 : memref<80xi32, #tpu.memory_space<vmem>>) semaphore(%arg8 : memref<!tpu.dma_semaphore, #tpu.memory_space<semaphore_mem>>)
    %scan3A = arith.constant 0 : i32
    %scan3A_69 = arith.constant 0 : i32
    %scan3A_70 = arith.constant 128 : i32
    %scan3A_71 = arith.addi %scan3A_69, %scan3A_70 : i32
    %scan3A_72 = arith.constant 1 : i32
    scf.for %scan3A_76 = %scan3A_69 to %scan3A_71 step %scan3A_72  : i32 {
      %mul3A_77 = arith.constant 2 : i32
      %mul3A_78 = arith.muli %mul3A_77, %scan3A_76 : i32
      %add3A_79 = arith.constant 1 : i32
      %add3A_80 = arith.addi %mul3A_78, %add3A_79 : i32
      %add3A_81 = arith.addi %mul3A_2, %add3A_80 : i32
      %run_scoped3A_82 = arith.constant 1 : i32
      "tpu.region"() ({
        %run_scoped3A_457 = tpu.sem_alloc : memref<!tpu.dma_semaphore, #tpu.memory_space<semaphore_mem>>
        %dma_start3A_458 = arith.constant 0 : i32
        %dma_start3A_459 = arith.constant 0 : i32
        %dma_start3A_460 = tpu.memref_slice %arg5[%run_scoped3A_82, %dma_start3A_458, %dma_start3A_459] : memref<2x5x80xi32, #tpu.memory_space<vmem>> -> memref<1x5x80xi32, #tpu.memory_space<vmem>>
        %dma_start3A_461 = tpu.memref_squeeze %dma_start3A_460 : memref<1x5x80xi32, #tpu.memory_space<vmem>> -> memref<5x80xi32, #tpu.memory_space<vmem>>
        %dma_start3A_462 = arith.constant 0 : i32
        %dma_start3A_463 = arith.constant 0 : i32
        %dma_start3A_464 = tpu.memref_slice %arg2[%add3A_81, %dma_start3A_462, %dma_start3A_463] : memref<8192x5x80xi32, #tpu.memory_space<hbm>> -> memref<1x5x80xi32, #tpu.memory_space<hbm>>
        %dma_start3A_465 = tpu.memref_squeeze %dma_start3A_464 : memref<1x5x80xi32, #tpu.memory_space<hbm>> -> memref<5x80xi32, #tpu.memory_space<hbm>>
        %dma_start3A_466 = arith.constant 0 : i32
        %dma_start3A_467 = arith.constant 0 : i32
        %dma_start3A_468 = tpu.memref_slice %arg5[%run_scoped3A_82, %dma_start3A_466, %dma_start3A_467] : memref<2x5x80xi32, #tpu.memory_space<vmem>> -> memref<1x5x80xi32, #tpu.memory_space<vmem>>
        %dma_start3A_469 = tpu.memref_squeeze %dma_start3A_468 : memref<1x5x80xi32, #tpu.memory_space<vmem>> -> memref<5x80xi32, #tpu.memory_space<vmem>>
        %dma_start3A_470 = arith.constant 0 : i32
        %dma_start3A_471 = arith.constant 0 : i32
        %dma_start3A_472 = tpu.memref_slice %arg2[%add3A_81, %dma_start3A_470, %dma_start3A_471] : memref<8192x5x80xi32, #tpu.memory_space<hbm>> -> memref<1x5x80xi32, #tpu.memory_space<hbm>>
        %dma_start3A_473 = tpu.memref_squeeze %dma_start3A_472 : memref<1x5x80xi32, #tpu.memory_space<hbm>> -> memref<5x80xi32, #tpu.memory_space<hbm>>
        tpu.enqueue_dma source(%dma_start3A_473 : memref<5x80xi32, #tpu.memory_space<hbm>>) target(%dma_start3A_469 : memref<5x80xi32, #tpu.memory_space<vmem>>) target_semaphore(%run_scoped3A_457 : memref<!tpu.dma_semaphore, #tpu.memory_space<semaphore_mem>>)
        %dma_wait3A_474 = arith.constant 0 : i32
        %dma_wait3A_475 = arith.constant 0 : i32
        %dma_wait3A_476 = tpu.memref_slice %arg5[%run_scoped3A_82, %dma_wait3A_474, %dma_wait3A_475] : memref<2x5x80xi32, #tpu.memory_space<vmem>> -> memref<1x5x80xi32, #tpu.memory_space<vmem>>
        %dma_wait3A_477 = tpu.memref_squeeze %dma_wait3A_476 : memref<1x5x80xi32, #tpu.memory_space<vmem>> -> memref<5x80xi32, #tpu.memory_space<vmem>>
        %dma_wait3A_478 = arith.constant 0 : i32
        %dma_wait3A_479 = arith.constant 0 : i32
        %dma_wait3A_480 = tpu.memref_slice %arg2[%add3A_81, %dma_wait3A_478, %dma_wait3A_479] : memref<8192x5x80xi32, #tpu.memory_space<hbm>> -> memref<1x5x80xi32, #tpu.memory_space<hbm>>
        %dma_wait3A_481 = tpu.memref_squeeze %dma_wait3A_480 : memref<1x5x80xi32, #tpu.memory_space<hbm>> -> memref<5x80xi32, #tpu.memory_space<hbm>>
        %dma_wait3A_482 = arith.constant 0 : i32
        %dma_wait3A_483 = arith.constant 0 : i32
        %dma_wait3A_484 = tpu.memref_slice %arg5[%run_scoped3A_82, %dma_wait3A_482, %dma_wait3A_483] : memref<2x5x80xi32, #tpu.memory_space<vmem>> -> memref<1x5x80xi32, #tpu.memory_space<vmem>>
        %dma_wait3A_485 = tpu.memref_squeeze %dma_wait3A_484 : memref<1x5x80xi32, #tpu.memory_space<vmem>> -> memref<5x80xi32, #tpu.memory_space<vmem>>
        %dma_wait3A_486 = arith.constant 0 : i32
        %dma_wait3A_487 = arith.constant 0 : i32
        %dma_wait3A_488 = tpu.memref_slice %arg2[%add3A_81, %dma_wait3A_486, %dma_wait3A_487] : memref<8192x5x80xi32, #tpu.memory_space<hbm>> -> memref<1x5x80xi32, #tpu.memory_space<hbm>>
        %dma_wait3A_489 = tpu.memref_squeeze %dma_wait3A_488 : memref<1x5x80xi32, #tpu.memory_space<hbm>> -> memref<5x80xi32, #tpu.memory_space<hbm>>
        tpu.wait_dma2 semaphore(%run_scoped3A_457 : memref<!tpu.dma_semaphore, #tpu.memory_space<semaphore_mem>>) src(%dma_wait3A_489 : memref<5x80xi32, #tpu.memory_space<hbm>>) dst(%dma_wait3A_485 : memref<5x80xi32, #tpu.memory_space<vmem>>)
        tpu.yield
      }) : () -> ()
      %dma_start3A_83 = arith.constant 1 : i32
      %dma_start3A_84 = arith.constant 0 : i32
      %dma_start3A_85 = arith.constant 1 : i32
      %dma_start3A_86 = arith.constant 0 : i32
      %dma_start3A_87 = arith.constant 0 : i32
      %dma_start3A_88 = tpu.memref_slice %arg6[%dma_start3A_85, %dma_start3A_86, %dma_start3A_87] : memref<2x400x64xf32, #tpu.memory_space<vmem>> -> memref<1x80x64xf32, #tpu.memory_space<vmem>>
      %dma_start3A_89 = tpu.memref_squeeze %dma_start3A_88 : memref<1x80x64xf32, #tpu.memory_space<vmem>> -> memref<80x64xf32, #tpu.memory_space<vmem>>
      %dma_start3A_90 = arith.constant 0 : i32
      %dma_start3A_91 = tpu.memref_slice %arg5[%dma_start3A_83, %dma_start3A_84, %dma_start3A_90] : memref<2x5x80xi32, #tpu.memory_space<vmem>> -> memref<1x1x80xi32, #tpu.memory_space<vmem>>
      %dma_start3A_92 = tpu.memref_squeeze %dma_start3A_91 : memref<1x1x80xi32, #tpu.memory_space<vmem>> -> memref<80xi32, #tpu.memory_space<vmem>>
      %dma_start3A_93 = arith.constant 0 : i32
      %dma_start3A_94 = arith.constant 0 : i32
      %dma_start3A_95 = tpu.memref_slice %arg3[%dma_start3A_93, %dma_start3A_94] : memref<2000000x64xf32, #tpu.memory_space<hbm>> -> memref<2000000x64xf32, #tpu.memory_space<hbm>>
      tpu.enqueue_indirect_dma source(%dma_start3A_95 : memref<2000000x64xf32, #tpu.memory_space<hbm>>) target(%dma_start3A_89 : memref<80x64xf32, #tpu.memory_space<vmem>>) offsets(%dma_start3A_92 : memref<80xi32, #tpu.memory_space<vmem>>) semaphore(%arg9 : memref<!tpu.dma_semaphore, #tpu.memory_space<semaphore_mem>>)
      %dma_start3A_96 = arith.constant 1 : i32
      %dma_start3A_97 = arith.constant 1 : i32
      %dma_start3A_98 = arith.constant 1 : i32
      %dma_start3A_99 = arith.constant 80 : i32
      %dma_start3A_100 = arith.constant 0 : i32
      %dma_start3A_101 = tpu.memref_slice %arg6[%dma_start3A_98, %dma_start3A_99, %dma_start3A_100] : memref<2x400x64xf32, #tpu.memory_space<vmem>> -> memref<1x80x64xf32, #tpu.memory_space<vmem>>
      %dma_start3A_102 = tpu.memref_squeeze %dma_start3A_101 : memref<1x80x64xf32, #tpu.memory_space<vmem>> -> memref<80x64xf32, #tpu.memory_space<vmem>>
      %dma_start3A_103 = arith.constant 0 : i32
      %dma_start3A_104 = tpu.memref_slice %arg5[%dma_start3A_96, %dma_start3A_97, %dma_start3A_103] : memref<2x5x80xi32, #tpu.memory_space<vmem>> -> memref<1x1x80xi32, #tpu.memory_space<vmem>>
      %dma_start3A_105 = tpu.memref_squeeze %dma_start3A_104 : memref<1x1x80xi32, #tpu.memory_space<vmem>> -> memref<80xi32, #tpu.memory_space<vmem>>
      %dma_start3A_106 = arith.constant 0 : i32
      %dma_start3A_107 = arith.constant 0 : i32
      %dma_start3A_108 = tpu.memref_slice %arg3[%dma_start3A_106, %dma_start3A_107] : memref<2000000x64xf32, #tpu.memory_space<hbm>> -> memref<2000000x64xf32, #tpu.memory_space<hbm>>
      tpu.enqueue_indirect_dma source(%dma_start3A_108 : memref<2000000x64xf32, #tpu.memory_space<hbm>>) target(%dma_start3A_102 : memref<80x64xf32, #tpu.memory_space<vmem>>) offsets(%dma_start3A_105 : memref<80xi32, #tpu.memory_space<vmem>>) semaphore(%arg9 : memref<!tpu.dma_semaphore, #tpu.memory_space<semaphore_mem>>)
      %dma_start3A_109 = arith.constant 1 : i32
      %dma_start3A_110 = arith.constant 2 : i32
      %dma_start3A_111 = arith.constant 1 : i32
      %dma_start3A_112 = arith.constant 160 : i32
      %dma_start3A_113 = arith.constant 0 : i32
      %dma_start3A_114 = tpu.memref_slice %arg6[%dma_start3A_111, %dma_start3A_112, %dma_start3A_113] : memref<2x400x64xf32, #tpu.memory_space<vmem>> -> memref<1x80x64xf32, #tpu.memory_space<vmem>>
      %dma_start3A_115 = tpu.memref_squeeze %dma_start3A_114 : memref<1x80x64xf32, #tpu.memory_space<vmem>> -> memref<80x64xf32, #tpu.memory_space<vmem>>
      %dma_start3A_116 = arith.constant 0 : i32
      %dma_start3A_117 = tpu.memref_slice %arg5[%dma_start3A_109, %dma_start3A_110, %dma_start3A_116] : memref<2x5x80xi32, #tpu.memory_space<vmem>> -> memref<1x1x80xi32, #tpu.memory_space<vmem>>
      %dma_start3A_118 = tpu.memref_squeeze %dma_start3A_117 : memref<1x1x80xi32, #tpu.memory_space<vmem>> -> memref<80xi32, #tpu.memory_space<vmem>>
      %dma_start3A_119 = arith.constant 0 : i32
      %dma_start3A_120 = arith.constant 0 : i32
      %dma_start3A_121 = tpu.memref_slice %arg3[%dma_start3A_119, %dma_start3A_120] : memref<2000000x64xf32, #tpu.memory_space<hbm>> -> memref<2000000x64xf32, #tpu.memory_space<hbm>>
      tpu.enqueue_indirect_dma source(%dma_start3A_121 : memref<2000000x64xf32, #tpu.memory_space<hbm>>) target(%dma_start3A_115 : memref<80x64xf32, #tpu.memory_space<vmem>>) offsets(%dma_start3A_118 : memref<80xi32, #tpu.memory_space<vmem>>) semaphore(%arg9 : memref<!tpu.dma_semaphore, #tpu.memory_space<semaphore_mem>>)
      %dma_start3A_122 = arith.constant 1 : i32
      %dma_start3A_123 = arith.constant 3 : i32
      %dma_start3A_124 = arith.constant 1 : i32
      %dma_start3A_125 = arith.constant 240 : i32
      %dma_start3A_126 = arith.constant 0 : i32
      %dma_start3A_127 = tpu.memref_slice %arg6[%dma_start3A_124, %dma_start3A_125, %dma_start3A_126] : memref<2x400x64xf32, #tpu.memory_space<vmem>> -> memref<1x80x64xf32, #tpu.memory_space<vmem>>
      %dma_start3A_128 = tpu.memref_squeeze %dma_start3A_127 : memref<1x80x64xf32, #tpu.memory_space<vmem>> -> memref<80x64xf32, #tpu.memory_space<vmem>>
      %dma_start3A_129 = arith.constant 0 : i32
      %dma_start3A_130 = tpu.memref_slice %arg5[%dma_start3A_122, %dma_start3A_123, %dma_start3A_129] : memref<2x5x80xi32, #tpu.memory_space<vmem>> -> memref<1x1x80xi32, #tpu.memory_space<vmem>>
      %dma_start3A_131 = tpu.memref_squeeze %dma_start3A_130 : memref<1x1x80xi32, #tpu.memory_space<vmem>> -> memref<80xi32, #tpu.memory_space<vmem>>
      %dma_start3A_132 = arith.constant 0 : i32
      %dma_start3A_133 = arith.constant 0 : i32
      %dma_start3A_134 = tpu.memref_slice %arg3[%dma_start3A_132, %dma_start3A_133] : memref<2000000x64xf32, #tpu.memory_space<hbm>> -> memref<2000000x64xf32, #tpu.memory_space<hbm>>
      tpu.enqueue_indirect_dma source(%dma_start3A_134 : memref<2000000x64xf32, #tpu.memory_space<hbm>>) target(%dma_start3A_128 : memref<80x64xf32, #tpu.memory_space<vmem>>) offsets(%dma_start3A_131 : memref<80xi32, #tpu.memory_space<vmem>>) semaphore(%arg9 : memref<!tpu.dma_semaphore, #tpu.memory_space<semaphore_mem>>)
      %dma_start3A_135 = arith.constant 1 : i32
      %dma_start3A_136 = arith.constant 4 : i32
      %dma_start3A_137 = arith.constant 1 : i32
      %dma_start3A_138 = arith.constant 320 : i32
      %dma_start3A_139 = arith.constant 0 : i32
      %dma_start3A_140 = tpu.memref_slice %arg6[%dma_start3A_137, %dma_start3A_138, %dma_start3A_139] : memref<2x400x64xf32, #tpu.memory_space<vmem>> -> memref<1x80x64xf32, #tpu.memory_space<vmem>>
      %dma_start3A_141 = tpu.memref_squeeze %dma_start3A_140 : memref<1x80x64xf32, #tpu.memory_space<vmem>> -> memref<80x64xf32, #tpu.memory_space<vmem>>
      %dma_start3A_142 = arith.constant 0 : i32
      %dma_start3A_143 = tpu.memref_slice %arg5[%dma_start3A_135, %dma_start3A_136, %dma_start3A_142] : memref<2x5x80xi32, #tpu.memory_space<vmem>> -> memref<1x1x80xi32, #tpu.memory_space<vmem>>
      %dma_start3A_144 = tpu.memref_squeeze %dma_start3A_143 : memref<1x1x80xi32, #tpu.memory_space<vmem>> -> memref<80xi32, #tpu.memory_space<vmem>>
      %dma_start3A_145 = arith.constant 0 : i32
      %dma_start3A_146 = arith.constant 0 : i32
      %dma_start3A_147 = tpu.memref_slice %arg3[%dma_start3A_145, %dma_start3A_146] : memref<2000000x64xf32, #tpu.memory_space<hbm>> -> memref<2000000x64xf32, #tpu.memory_space<hbm>>
      tpu.enqueue_indirect_dma source(%dma_start3A_147 : memref<2000000x64xf32, #tpu.memory_space<hbm>>) target(%dma_start3A_141 : memref<80x64xf32, #tpu.memory_space<vmem>>) offsets(%dma_start3A_144 : memref<80xi32, #tpu.memory_space<vmem>>) semaphore(%arg9 : memref<!tpu.dma_semaphore, #tpu.memory_space<semaphore_mem>>)
      %dma_wait3A = arith.constant 0 : i32
      %dma_wait3A_148 = arith.constant 0 : i32
      %dma_wait3A_149 = arith.constant 0 : i32
      %dma_wait3A_150 = arith.constant 0 : i32
      %dma_wait3A_151 = arith.constant 0 : i32
      %dma_wait3A_152 = tpu.memref_slice %arg6[%dma_wait3A_149, %dma_wait3A_150, %dma_wait3A_151] : memref<2x400x64xf32, #tpu.memory_space<vmem>> -> memref<1x80x64xf32, #tpu.memory_space<vmem>>
      %dma_wait3A_153 = tpu.memref_squeeze %dma_wait3A_152 : memref<1x80x64xf32, #tpu.memory_space<vmem>> -> memref<80x64xf32, #tpu.memory_space<vmem>>
      %dma_wait3A_154 = arith.constant 0 : i32
      %dma_wait3A_155 = tpu.memref_slice %arg5[%dma_wait3A, %dma_wait3A_148, %dma_wait3A_154] : memref<2x5x80xi32, #tpu.memory_space<vmem>> -> memref<1x1x80xi32, #tpu.memory_space<vmem>>
      %dma_wait3A_156 = tpu.memref_squeeze %dma_wait3A_155 : memref<1x1x80xi32, #tpu.memory_space<vmem>> -> memref<80xi32, #tpu.memory_space<vmem>>
      %dma_wait3A_157 = arith.constant 0 : i32
      %dma_wait3A_158 = arith.constant 0 : i32
      %dma_wait3A_159 = tpu.memref_slice %arg3[%dma_wait3A_157, %dma_wait3A_158] : memref<2000000x64xf32, #tpu.memory_space<hbm>> -> memref<2000000x64xf32, #tpu.memory_space<hbm>>
      tpu.wait_indirect_dma semaphore(%arg8 : memref<!tpu.dma_semaphore, #tpu.memory_space<semaphore_mem>>) src(%dma_wait3A_159 : memref<2000000x64xf32, #tpu.memory_space<hbm>>) dst(%dma_wait3A_153 : memref<80x64xf32, #tpu.memory_space<vmem>>)
      %dma_wait3A_160 = arith.constant 0 : i32
      %dma_wait3A_161 = arith.constant 1 : i32
      %dma_wait3A_162 = arith.constant 0 : i32
      %dma_wait3A_163 = arith.constant 80 : i32
      %dma_wait3A_164 = arith.constant 0 : i32
      %dma_wait3A_165 = tpu.memref_slice %arg6[%dma_wait3A_162, %dma_wait3A_163, %dma_wait3A_164] : memref<2x400x64xf32, #tpu.memory_space<vmem>> -> memref<1x80x64xf32, #tpu.memory_space<vmem>>
      %dma_wait3A_166 = tpu.memref_squeeze %dma_wait3A_165 : memref<1x80x64xf32, #tpu.memory_space<vmem>> -> memref<80x64xf32, #tpu.memory_space<vmem>>
      %dma_wait3A_167 = arith.constant 0 : i32
      %dma_wait3A_168 = tpu.memref_slice %arg5[%dma_wait3A_160, %dma_wait3A_161, %dma_wait3A_167] : memref<2x5x80xi32, #tpu.memory_space<vmem>> -> memref<1x1x80xi32, #tpu.memory_space<vmem>>
      %dma_wait3A_169 = tpu.memref_squeeze %dma_wait3A_168 : memref<1x1x80xi32, #tpu.memory_space<vmem>> -> memref<80xi32, #tpu.memory_space<vmem>>
      %dma_wait3A_170 = arith.constant 0 : i32
      %dma_wait3A_171 = arith.constant 0 : i32
      %dma_wait3A_172 = tpu.memref_slice %arg3[%dma_wait3A_170, %dma_wait3A_171] : memref<2000000x64xf32, #tpu.memory_space<hbm>> -> memref<2000000x64xf32, #tpu.memory_space<hbm>>
      tpu.wait_indirect_dma semaphore(%arg8 : memref<!tpu.dma_semaphore, #tpu.memory_space<semaphore_mem>>) src(%dma_wait3A_172 : memref<2000000x64xf32, #tpu.memory_space<hbm>>) dst(%dma_wait3A_166 : memref<80x64xf32, #tpu.memory_space<vmem>>)
      %dma_wait3A_173 = arith.constant 0 : i32
      %dma_wait3A_174 = arith.constant 2 : i32
      %dma_wait3A_175 = arith.constant 0 : i32
      %dma_wait3A_176 = arith.constant 160 : i32
      %dma_wait3A_177 = arith.constant 0 : i32
      %dma_wait3A_178 = tpu.memref_slice %arg6[%dma_wait3A_175, %dma_wait3A_176, %dma_wait3A_177] : memref<2x400x64xf32, #tpu.memory_space<vmem>> -> memref<1x80x64xf32, #tpu.memory_space<vmem>>
      %dma_wait3A_179 = tpu.memref_squeeze %dma_wait3A_178 : memref<1x80x64xf32, #tpu.memory_space<vmem>> -> memref<80x64xf32, #tpu.memory_space<vmem>>
      %dma_wait3A_180 = arith.constant 0 : i32
      %dma_wait3A_181 = tpu.memref_slice %arg5[%dma_wait3A_173, %dma_wait3A_174, %dma_wait3A_180] : memref<2x5x80xi32, #tpu.memory_space<vmem>> -> memref<1x1x80xi32, #tpu.memory_space<vmem>>
      %dma_wait3A_182 = tpu.memref_squeeze %dma_wait3A_181 : memref<1x1x80xi32, #tpu.memory_space<vmem>> -> memref<80xi32, #tpu.memory_space<vmem>>
      %dma_wait3A_183 = arith.constant 0 : i32
      %dma_wait3A_184 = arith.constant 0 : i32
      %dma_wait3A_185 = tpu.memref_slice %arg3[%dma_wait3A_183, %dma_wait3A_184] : memref<2000000x64xf32, #tpu.memory_space<hbm>> -> memref<2000000x64xf32, #tpu.memory_space<hbm>>
      tpu.wait_indirect_dma semaphore(%arg8 : memref<!tpu.dma_semaphore, #tpu.memory_space<semaphore_mem>>) src(%dma_wait3A_185 : memref<2000000x64xf32, #tpu.memory_space<hbm>>) dst(%dma_wait3A_179 : memref<80x64xf32, #tpu.memory_space<vmem>>)
      %dma_wait3A_186 = arith.constant 0 : i32
      %dma_wait3A_187 = arith.constant 3 : i32
      %dma_wait3A_188 = arith.constant 0 : i32
      %dma_wait3A_189 = arith.constant 240 : i32
      %dma_wait3A_190 = arith.constant 0 : i32
      %dma_wait3A_191 = tpu.memref_slice %arg6[%dma_wait3A_188, %dma_wait3A_189, %dma_wait3A_190] : memref<2x400x64xf32, #tpu.memory_space<vmem>> -> memref<1x80x64xf32, #tpu.memory_space<vmem>>
      %dma_wait3A_192 = tpu.memref_squeeze %dma_wait3A_191 : memref<1x80x64xf32, #tpu.memory_space<vmem>> -> memref<80x64xf32, #tpu.memory_space<vmem>>
      %dma_wait3A_193 = arith.constant 0 : i32
      %dma_wait3A_194 = tpu.memref_slice %arg5[%dma_wait3A_186, %dma_wait3A_187, %dma_wait3A_193] : memref<2x5x80xi32, #tpu.memory_space<vmem>> -> memref<1x1x80xi32, #tpu.memory_space<vmem>>
      %dma_wait3A_195 = tpu.memref_squeeze %dma_wait3A_194 : memref<1x1x80xi32, #tpu.memory_space<vmem>> -> memref<80xi32, #tpu.memory_space<vmem>>
      %dma_wait3A_196 = arith.constant 0 : i32
      %dma_wait3A_197 = arith.constant 0 : i32
      %dma_wait3A_198 = tpu.memref_slice %arg3[%dma_wait3A_196, %dma_wait3A_197] : memref<2000000x64xf32, #tpu.memory_space<hbm>> -> memref<2000000x64xf32, #tpu.memory_space<hbm>>
      tpu.wait_indirect_dma semaphore(%arg8 : memref<!tpu.dma_semaphore, #tpu.memory_space<semaphore_mem>>) src(%dma_wait3A_198 : memref<2000000x64xf32, #tpu.memory_space<hbm>>) dst(%dma_wait3A_192 : memref<80x64xf32, #tpu.memory_space<vmem>>)
      %dma_wait3A_199 = arith.constant 0 : i32
      %dma_wait3A_200 = arith.constant 4 : i32
      %dma_wait3A_201 = arith.constant 0 : i32
      %dma_wait3A_202 = arith.constant 320 : i32
      %dma_wait3A_203 = arith.constant 0 : i32
      %dma_wait3A_204 = tpu.memref_slice %arg6[%dma_wait3A_201, %dma_wait3A_202, %dma_wait3A_203] : memref<2x400x64xf32, #tpu.memory_space<vmem>> -> memref<1x80x64xf32, #tpu.memory_space<vmem>>
      %dma_wait3A_205 = tpu.memref_squeeze %dma_wait3A_204 : memref<1x80x64xf32, #tpu.memory_space<vmem>> -> memref<80x64xf32, #tpu.memory_space<vmem>>
      %dma_wait3A_206 = arith.constant 0 : i32
      %dma_wait3A_207 = tpu.memref_slice %arg5[%dma_wait3A_199, %dma_wait3A_200, %dma_wait3A_206] : memref<2x5x80xi32, #tpu.memory_space<vmem>> -> memref<1x1x80xi32, #tpu.memory_space<vmem>>
      %dma_wait3A_208 = tpu.memref_squeeze %dma_wait3A_207 : memref<1x1x80xi32, #tpu.memory_space<vmem>> -> memref<80xi32, #tpu.memory_space<vmem>>
      %dma_wait3A_209 = arith.constant 0 : i32
      %dma_wait3A_210 = arith.constant 0 : i32
      %dma_wait3A_211 = tpu.memref_slice %arg3[%dma_wait3A_209, %dma_wait3A_210] : memref<2000000x64xf32, #tpu.memory_space<hbm>> -> memref<2000000x64xf32, #tpu.memory_space<hbm>>
      tpu.wait_indirect_dma semaphore(%arg8 : memref<!tpu.dma_semaphore, #tpu.memory_space<semaphore_mem>>) src(%dma_wait3A_211 : memref<2000000x64xf32, #tpu.memory_space<hbm>>) dst(%dma_wait3A_205 : memref<80x64xf32, #tpu.memory_space<vmem>>)
      %broadcast_in_dim3A = arith.constant 0.000000e+00 : f32
      %broadcast_in_dim3A_212 = vector.broadcast %broadcast_in_dim3A : f32 to vector<16xf32>
      %scan3A_213 = arith.constant 0 : i32
      %scan3A_214 = arith.constant 25 : i32
      %scan3A_215 = arith.addi %scan3A_213, %scan3A_214 : i32
      %scan3A_216 = arith.constant 1 : i32
      %scan3A_217:4 = scf.for %scan3A_457 = %scan3A_213 to %scan3A_215 step %scan3A_216 iter_args(%scan3A_458 = %broadcast_in_dim3A_212, %scan3A_459 = %broadcast_in_dim3A_212, %scan3A_460 = %broadcast_in_dim3A_212, %scan3A_461 = %broadcast_in_dim3A_212) -> (vector<16xf32>, vector<16xf32>, vector<16xf32>, vector<16xf32>)  : i32 {
        %mul3A_462 = arith.constant 8 : i32
        %mul3A_463 = arith.muli %scan3A_457, %mul3A_462 : i32
        %add3A_464 = arith.constant 0 : i32
        %add3A_465 = arith.addi %add3A_464, %mul3A_463 : i32
        %add3A_466 = arith.constant 0 : i32
        %add3A_467 = arith.addi %add3A_465, %add3A_466 : i32
        %get3A = arith.constant 0 : i32
        %get3A_468 = arith.index_cast %get3A : i32 to index
        %get3A_469 = arith.index_cast %add3A_467 : i32 to index
        %get3A_470 = arith.constant 0 : index
        %get3A_471 = tpu.vector_load %arg6[%get3A_468, %get3A_469, %get3A_470] {strides = array<i32>} : memref<2x400x64xf32, #tpu.memory_space<vmem>>, vector<1x1x16xf32>,
        %get3A_472 = vector.shape_cast %get3A_471 : vector<1x1x16xf32> to vector<16xf32>
        %add3A_473 = arith.addf %scan3A_458, %get3A_472 : vector<16xf32>
        %add3A_474 = arith.constant 1 : i32
        %add3A_475 = arith.addi %add3A_465, %add3A_474 : i32
        %get3A_476 = arith.constant 0 : i32
        %get3A_477 = arith.index_cast %get3A_476 : i32 to index
        %get3A_478 = arith.index_cast %add3A_475 : i32 to index
        %get3A_479 = arith.constant 0 : index
        %get3A_480 = tpu.vector_load %arg6[%get3A_477, %get3A_478, %get3A_479] {strides = array<i32>} : memref<2x400x64xf32, #tpu.memory_space<vmem>>, vector<1x1x16xf32>,
        %get3A_481 = vector.shape_cast %get3A_480 : vector<1x1x16xf32> to vector<16xf32>
        %add3A_482 = arith.addf %add3A_473, %get3A_481 : vector<16xf32>
        %add3A_483 = arith.constant 2 : i32
        %add3A_484 = arith.addi %add3A_465, %add3A_483 : i32
        %get3A_485 = arith.constant 0 : i32
        %get3A_486 = arith.index_cast %get3A_485 : i32 to index
        %get3A_487 = arith.index_cast %add3A_484 : i32 to index
        %get3A_488 = arith.constant 0 : index
        %get3A_489 = tpu.vector_load %arg6[%get3A_486, %get3A_487, %get3A_488] {strides = array<i32>} : memref<2x400x64xf32, #tpu.memory_space<vmem>>, vector<1x1x16xf32>,
        %get3A_490 = vector.shape_cast %get3A_489 : vector<1x1x16xf32> to vector<16xf32>
        %add3A_491 = arith.addf %add3A_482, %get3A_490 : vector<16xf32>
        %add3A_492 = arith.constant 3 : i32
        %add3A_493 = arith.addi %add3A_465, %add3A_492 : i32
        %get3A_494 = arith.constant 0 : i32
        %get3A_495 = arith.index_cast %get3A_494 : i32 to index
        %get3A_496 = arith.index_cast %add3A_493 : i32 to index
        %get3A_497 = arith.constant 0 : index
        %get3A_498 = tpu.vector_load %arg6[%get3A_495, %get3A_496, %get3A_497] {strides = array<i32>} : memref<2x400x64xf32, #tpu.memory_space<vmem>>, vector<1x1x16xf32>,
        %get3A_499 = vector.shape_cast %get3A_498 : vector<1x1x16xf32> to vector<16xf32>
        %add3A_500 = arith.addf %add3A_491, %get3A_499 : vector<16xf32>
        %add3A_501 = arith.constant 4 : i32
        %add3A_502 = arith.addi %add3A_465, %add3A_501 : i32
        %get3A_503 = arith.constant 0 : i32
        %get3A_504 = arith.index_cast %get3A_503 : i32 to index
        %get3A_505 = arith.index_cast %add3A_502 : i32 to index
        %get3A_506 = arith.constant 0 : index
        %get3A_507 = tpu.vector_load %arg6[%get3A_504, %get3A_505, %get3A_506] {strides = array<i32>} : memref<2x400x64xf32, #tpu.memory_space<vmem>>, vector<1x1x16xf32>,
        %get3A_508 = vector.shape_cast %get3A_507 : vector<1x1x16xf32> to vector<16xf32>
        %add3A_509 = arith.addf %add3A_500, %get3A_508 : vector<16xf32>
        %add3A_510 = arith.constant 5 : i32
        %add3A_511 = arith.addi %add3A_465, %add3A_510 : i32
        %get3A_512 = arith.constant 0 : i32
        %get3A_513 = arith.index_cast %get3A_512 : i32 to index
        %get3A_514 = arith.index_cast %add3A_511 : i32 to index
        %get3A_515 = arith.constant 0 : index
        %get3A_516 = tpu.vector_load %arg6[%get3A_513, %get3A_514, %get3A_515] {strides = array<i32>} : memref<2x400x64xf32, #tpu.memory_space<vmem>>, vector<1x1x16xf32>,
        %get3A_517 = vector.shape_cast %get3A_516 : vector<1x1x16xf32> to vector<16xf32>
        %add3A_518 = arith.addf %add3A_509, %get3A_517 : vector<16xf32>
        %add3A_519 = arith.constant 6 : i32
        %add3A_520 = arith.addi %add3A_465, %add3A_519 : i32
        %get3A_521 = arith.constant 0 : i32
        %get3A_522 = arith.index_cast %get3A_521 : i32 to index
        %get3A_523 = arith.index_cast %add3A_520 : i32 to index
        %get3A_524 = arith.constant 0 : index
        %get3A_525 = tpu.vector_load %arg6[%get3A_522, %get3A_523, %get3A_524] {strides = array<i32>} : memref<2x400x64xf32, #tpu.memory_space<vmem>>, vector<1x1x16xf32>,
        %get3A_526 = vector.shape_cast %get3A_525 : vector<1x1x16xf32> to vector<16xf32>
        %add3A_527 = arith.addf %add3A_518, %get3A_526 : vector<16xf32>
        %add3A_528 = arith.constant 7 : i32
        %add3A_529 = arith.addi %add3A_465, %add3A_528 : i32
        %get3A_530 = arith.constant 0 : i32
        %get3A_531 = arith.index_cast %get3A_530 : i32 to index
        %get3A_532 = arith.index_cast %add3A_529 : i32 to index
        %get3A_533 = arith.constant 0 : index
        %get3A_534 = tpu.vector_load %arg6[%get3A_531, %get3A_532, %get3A_533] {strides = array<i32>} : memref<2x400x64xf32, #tpu.memory_space<vmem>>, vector<1x1x16xf32>,
        %get3A_535 = vector.shape_cast %get3A_534 : vector<1x1x16xf32> to vector<16xf32>
        %add3A_536 = arith.addf %add3A_527, %get3A_535 : vector<16xf32>
        %add3A_537 = arith.constant 0 : i32
        %add3A_538 = arith.addi %add3A_465, %add3A_537 : i32
        %get3A_539 = arith.constant 0 : i32
        %get3A_540 = arith.index_cast %get3A_539 : i32 to index
        %get3A_541 = arith.index_cast %add3A_538 : i32 to index
        %get3A_542 = arith.constant 16 : index
        %get3A_543 = tpu.vector_load %arg6[%get3A_540, %get3A_541, %get3A_542] {strides = array<i32>} : memref<2x400x64xf32, #tpu.memory_space<vmem>>, vector<1x1x16xf32>,
        %get3A_544 = vector.shape_cast %get3A_543 : vector<1x1x16xf32> to vector<16xf32>
        %add3A_545 = arith.addf %scan3A_459, %get3A_544 : vector<16xf32>
        %add3A_546 = arith.constant 1 : i32
        %add3A_547 = arith.addi %add3A_465, %add3A_546 : i32
        %get3A_548 = arith.constant 0 : i32
        %get3A_549 = arith.index_cast %get3A_548 : i32 to index
        %get3A_550 = arith.index_cast %add3A_547 : i32 to index
        %get3A_551 = arith.constant 16 : index
        %get3A_552 = tpu.vector_load %arg6[%get3A_549, %get3A_550, %get3A_551] {strides = array<i32>} : memref<2x400x64xf32, #tpu.memory_space<vmem>>, vector<1x1x16xf32>,
        %get3A_553 = vector.shape_cast %get3A_552 : vector<1x1x16xf32> to vector<16xf32>
        %add3A_554 = arith.addf %add3A_545, %get3A_553 : vector<16xf32>
        %add3A_555 = arith.constant 2 : i32
        %add3A_556 = arith.addi %add3A_465, %add3A_555 : i32
        %get3A_557 = arith.constant 0 : i32
        %get3A_558 = arith.index_cast %get3A_557 : i32 to index
        %get3A_559 = arith.index_cast %add3A_556 : i32 to index
        %get3A_560 = arith.constant 16 : index
        %get3A_561 = tpu.vector_load %arg6[%get3A_558, %get3A_559, %get3A_560] {strides = array<i32>} : memref<2x400x64xf32, #tpu.memory_space<vmem>>, vector<1x1x16xf32>,
        %get3A_562 = vector.shape_cast %get3A_561 : vector<1x1x16xf32> to vector<16xf32>
        %add3A_563 = arith.addf %add3A_554, %get3A_562 : vector<16xf32>
        %add3A_564 = arith.constant 3 : i32
        %add3A_565 = arith.addi %add3A_465, %add3A_564 : i32
        %get3A_566 = arith.constant 0 : i32
        %get3A_567 = arith.index_cast %get3A_566 : i32 to index
        %get3A_568 = arith.index_cast %add3A_565 : i32 to index
        %get3A_569 = arith.constant 16 : index
        %get3A_570 = tpu.vector_load %arg6[%get3A_567, %get3A_568, %get3A_569] {strides = array<i32>} : memref<2x400x64xf32, #tpu.memory_space<vmem>>, vector<1x1x16xf32>,
        %get3A_571 = vector.shape_cast %get3A_570 : vector<1x1x16xf32> to vector<16xf32>
        %add3A_572 = arith.addf %add3A_563, %get3A_571 : vector<16xf32>
        %add3A_573 = arith.constant 4 : i32
        %add3A_574 = arith.addi %add3A_465, %add3A_573 : i32
        %get3A_575 = arith.constant 0 : i32
        %get3A_576 = arith.index_cast %get3A_575 : i32 to index
        %get3A_577 = arith.index_cast %add3A_574 : i32 to index
        %get3A_578 = arith.constant 16 : index
        %get3A_579 = tpu.vector_load %arg6[%get3A_576, %get3A_577, %get3A_578] {strides = array<i32>} : memref<2x400x64xf32, #tpu.memory_space<vmem>>, vector<1x1x16xf32>,
        %get3A_580 = vector.shape_cast %get3A_579 : vector<1x1x16xf32> to vector<16xf32>
        %add3A_581 = arith.addf %add3A_572, %get3A_580 : vector<16xf32>
        %add3A_582 = arith.constant 5 : i32
        %add3A_583 = arith.addi %add3A_465, %add3A_582 : i32
        %get3A_584 = arith.constant 0 : i32
        %get3A_585 = arith.index_cast %get3A_584 : i32 to index
        %get3A_586 = arith.index_cast %add3A_583 : i32 to index
        %get3A_587 = arith.constant 16 : index
        %get3A_588 = tpu.vector_load %arg6[%get3A_585, %get3A_586, %get3A_587] {strides = array<i32>} : memref<2x400x64xf32, #tpu.memory_space<vmem>>, vector<1x1x16xf32>,
        %get3A_589 = vector.shape_cast %get3A_588 : vector<1x1x16xf32> to vector<16xf32>
        %add3A_590 = arith.addf %add3A_581, %get3A_589 : vector<16xf32>
        %add3A_591 = arith.constant 6 : i32
        %add3A_592 = arith.addi %add3A_465, %add3A_591 : i32
        %get3A_593 = arith.constant 0 : i32
        %get3A_594 = arith.index_cast %get3A_593 : i32 to index
        %get3A_595 = arith.index_cast %add3A_592 : i32 to index
        %get3A_596 = arith.constant 16 : index
        %get3A_597 = tpu.vector_load %arg6[%get3A_594, %get3A_595, %get3A_596] {strides = array<i32>} : memref<2x400x64xf32, #tpu.memory_space<vmem>>, vector<1x1x16xf32>,
        %get3A_598 = vector.shape_cast %get3A_597 : vector<1x1x16xf32> to vector<16xf32>
        %add3A_599 = arith.addf %add3A_590, %get3A_598 : vector<16xf32>
        %add3A_600 = arith.constant 7 : i32
        %add3A_601 = arith.addi %add3A_465, %add3A_600 : i32
        %get3A_602 = arith.constant 0 : i32
        %get3A_603 = arith.index_cast %get3A_602 : i32 to index
        %get3A_604 = arith.index_cast %add3A_601 : i32 to index
        %get3A_605 = arith.constant 16 : index
        %get3A_606 = tpu.vector_load %arg6[%get3A_603, %get3A_604, %get3A_605] {strides = array<i32>} : memref<2x400x64xf32, #tpu.memory_space<vmem>>, vector<1x1x16xf32>,
        %get3A_607 = vector.shape_cast %get3A_606 : vector<1x1x16xf32> to vector<16xf32>
        %add3A_608 = arith.addf %add3A_599, %get3A_607 : vector<16xf32>
        %add3A_609 = arith.constant 0 : i32
        %add3A_610 = arith.addi %add3A_465, %add3A_609 : i32
        %get3A_611 = arith.constant 0 : i32
        %get3A_612 = arith.index_cast %get3A_611 : i32 to index
        %get3A_613 = arith.index_cast %add3A_610 : i32 to index
        %get3A_614 = arith.constant 32 : index
        %get3A_615 = tpu.vector_load %arg6[%get3A_612, %get3A_613, %get3A_614] {strides = array<i32>} : memref<2x400x64xf32, #tpu.memory_space<vmem>>, vector<1x1x16xf32>,
        %get3A_616 = vector.shape_cast %get3A_615 : vector<1x1x16xf32> to vector<16xf32>
        %add3A_617 = arith.addf %scan3A_460, %get3A_616 : vector<16xf32>
        %add3A_618 = arith.constant 1 : i32
        %add3A_619 = arith.addi %add3A_465, %add3A_618 : i32
        %get3A_620 = arith.constant 0 : i32
        %get3A_621 = arith.index_cast %get3A_620 : i32 to index
        %get3A_622 = arith.index_cast %add3A_619 : i32 to index
        %get3A_623 = arith.constant 32 : index
        %get3A_624 = tpu.vector_load %arg6[%get3A_621, %get3A_622, %get3A_623] {strides = array<i32>} : memref<2x400x64xf32, #tpu.memory_space<vmem>>, vector<1x1x16xf32>,
        %get3A_625 = vector.shape_cast %get3A_624 : vector<1x1x16xf32> to vector<16xf32>
        %add3A_626 = arith.addf %add3A_617, %get3A_625 : vector<16xf32>
        %add3A_627 = arith.constant 2 : i32
        %add3A_628 = arith.addi %add3A_465, %add3A_627 : i32
        %get3A_629 = arith.constant 0 : i32
        %get3A_630 = arith.index_cast %get3A_629 : i32 to index
        %get3A_631 = arith.index_cast %add3A_628 : i32 to index
        %get3A_632 = arith.constant 32 : index
        %get3A_633 = tpu.vector_load %arg6[%get3A_630, %get3A_631, %get3A_632] {strides = array<i32>} : memref<2x400x64xf32, #tpu.memory_space<vmem>>, vector<1x1x16xf32>,
        %get3A_634 = vector.shape_cast %get3A_633 : vector<1x1x16xf32> to vector<16xf32>
        %add3A_635 = arith.addf %add3A_626, %get3A_634 : vector<16xf32>
        %add3A_636 = arith.constant 3 : i32
        %add3A_637 = arith.addi %add3A_465, %add3A_636 : i32
        %get3A_638 = arith.constant 0 : i32
        %get3A_639 = arith.index_cast %get3A_638 : i32 to index
        %get3A_640 = arith.index_cast %add3A_637 : i32 to index
        %get3A_641 = arith.constant 32 : index
        %get3A_642 = tpu.vector_load %arg6[%get3A_639, %get3A_640, %get3A_641] {strides = array<i32>} : memref<2x400x64xf32, #tpu.memory_space<vmem>>, vector<1x1x16xf32>,
        %get3A_643 = vector.shape_cast %get3A_642 : vector<1x1x16xf32> to vector<16xf32>
        %add3A_644 = arith.addf %add3A_635, %get3A_643 : vector<16xf32>
        %add3A_645 = arith.constant 4 : i32
        %add3A_646 = arith.addi %add3A_465, %add3A_645 : i32
        %get3A_647 = arith.constant 0 : i32
        %get3A_648 = arith.index_cast %get3A_647 : i32 to index
        %get3A_649 = arith.index_cast %add3A_646 : i32 to index
        %get3A_650 = arith.constant 32 : index
        %get3A_651 = tpu.vector_load %arg6[%get3A_648, %get3A_649, %get3A_650] {strides = array<i32>} : memref<2x400x64xf32, #tpu.memory_space<vmem>>, vector<1x1x16xf32>,
        %get3A_652 = vector.shape_cast %get3A_651 : vector<1x1x16xf32> to vector<16xf32>
        %add3A_653 = arith.addf %add3A_644, %get3A_652 : vector<16xf32>
        %add3A_654 = arith.constant 5 : i32
        %add3A_655 = arith.addi %add3A_465, %add3A_654 : i32
        %get3A_656 = arith.constant 0 : i32
        %get3A_657 = arith.index_cast %get3A_656 : i32 to index
        %get3A_658 = arith.index_cast %add3A_655 : i32 to index
        %get3A_659 = arith.constant 32 : index
        %get3A_660 = tpu.vector_load %arg6[%get3A_657, %get3A_658, %get3A_659] {strides = array<i32>} : memref<2x400x64xf32, #tpu.memory_space<vmem>>, vector<1x1x16xf32>,
        %get3A_661 = vector.shape_cast %get3A_660 : vector<1x1x16xf32> to vector<16xf32>
        %add3A_662 = arith.addf %add3A_653, %get3A_661 : vector<16xf32>
        %add3A_663 = arith.constant 6 : i32
        %add3A_664 = arith.addi %add3A_465, %add3A_663 : i32
        %get3A_665 = arith.constant 0 : i32
        %get3A_666 = arith.index_cast %get3A_665 : i32 to index
        %get3A_667 = arith.index_cast %add3A_664 : i32 to index
        %get3A_668 = arith.constant 32 : index
        %get3A_669 = tpu.vector_load %arg6[%get3A_666, %get3A_667, %get3A_668] {strides = array<i32>} : memref<2x400x64xf32, #tpu.memory_space<vmem>>, vector<1x1x16xf32>,
        %get3A_670 = vector.shape_cast %get3A_669 : vector<1x1x16xf32> to vector<16xf32>
        %add3A_671 = arith.addf %add3A_662, %get3A_670 : vector<16xf32>
        %add3A_672 = arith.constant 7 : i32
        %add3A_673 = arith.addi %add3A_465, %add3A_672 : i32
        %get3A_674 = arith.constant 0 : i32
        %get3A_675 = arith.index_cast %get3A_674 : i32 to index
        %get3A_676 = arith.index_cast %add3A_673 : i32 to index
        %get3A_677 = arith.constant 32 : index
        %get3A_678 = tpu.vector_load %arg6[%get3A_675, %get3A_676, %get3A_677] {strides = array<i32>} : memref<2x400x64xf32, #tpu.memory_space<vmem>>, vector<1x1x16xf32>,
        %get3A_679 = vector.shape_cast %get3A_678 : vector<1x1x16xf32> to vector<16xf32>
        %add3A_680 = arith.addf %add3A_671, %get3A_679 : vector<16xf32>
        %add3A_681 = arith.constant 0 : i32
        %add3A_682 = arith.addi %add3A_465, %add3A_681 : i32
        %get3A_683 = arith.constant 0 : i32
        %get3A_684 = arith.index_cast %get3A_683 : i32 to index
        %get3A_685 = arith.index_cast %add3A_682 : i32 to index
        %get3A_686 = arith.constant 48 : index
        %get3A_687 = tpu.vector_load %arg6[%get3A_684, %get3A_685, %get3A_686] {strides = array<i32>} : memref<2x400x64xf32, #tpu.memory_space<vmem>>, vector<1x1x16xf32>,
        %get3A_688 = vector.shape_cast %get3A_687 : vector<1x1x16xf32> to vector<16xf32>
        %add3A_689 = arith.addf %scan3A_461, %get3A_688 : vector<16xf32>
        %add3A_690 = arith.constant 1 : i32
        %add3A_691 = arith.addi %add3A_465, %add3A_690 : i32
        %get3A_692 = arith.constant 0 : i32
        %get3A_693 = arith.index_cast %get3A_692 : i32 to index
        %get3A_694 = arith.index_cast %add3A_691 : i32 to index
        %get3A_695 = arith.constant 48 : index
        %get3A_696 = tpu.vector_load %arg6[%get3A_693, %get3A_694, %get3A_695] {strides = array<i32>} : memref<2x400x64xf32, #tpu.memory_space<vmem>>, vector<1x1x16xf32>,
        %get3A_697 = vector.shape_cast %get3A_696 : vector<1x1x16xf32> to vector<16xf32>
        %add3A_698 = arith.addf %add3A_689, %get3A_697 : vector<16xf32>
        %add3A_699 = arith.constant 2 : i32
        %add3A_700 = arith.addi %add3A_465, %add3A_699 : i32
        %get3A_701 = arith.constant 0 : i32
        %get3A_702 = arith.index_cast %get3A_701 : i32 to index
        %get3A_703 = arith.index_cast %add3A_700 : i32 to index
        %get3A_704 = arith.constant 48 : index
        %get3A_705 = tpu.vector_load %arg6[%get3A_702, %get3A_703, %get3A_704] {strides = array<i32>} : memref<2x400x64xf32, #tpu.memory_space<vmem>>, vector<1x1x16xf32>,
        %get3A_706 = vector.shape_cast %get3A_705 : vector<1x1x16xf32> to vector<16xf32>
        %add3A_707 = arith.addf %add3A_698, %get3A_706 : vector<16xf32>
        %add3A_708 = arith.constant 3 : i32
        %add3A_709 = arith.addi %add3A_465, %add3A_708 : i32
        %get3A_710 = arith.constant 0 : i32
        %get3A_711 = arith.index_cast %get3A_710 : i32 to index
        %get3A_712 = arith.index_cast %add3A_709 : i32 to index
        %get3A_713 = arith.constant 48 : index
        %get3A_714 = tpu.vector_load %arg6[%get3A_711, %get3A_712, %get3A_713] {strides = array<i32>} : memref<2x400x64xf32, #tpu.memory_space<vmem>>, vector<1x1x16xf32>,
        %get3A_715 = vector.shape_cast %get3A_714 : vector<1x1x16xf32> to vector<16xf32>
        %add3A_716 = arith.addf %add3A_707, %get3A_715 : vector<16xf32>
        %add3A_717 = arith.constant 4 : i32
        %add3A_718 = arith.addi %add3A_465, %add3A_717 : i32
        %get3A_719 = arith.constant 0 : i32
        %get3A_720 = arith.index_cast %get3A_719 : i32 to index
        %get3A_721 = arith.index_cast %add3A_718 : i32 to index
        %get3A_722 = arith.constant 48 : index
        %get3A_723 = tpu.vector_load %arg6[%get3A_720, %get3A_721, %get3A_722] {strides = array<i32>} : memref<2x400x64xf32, #tpu.memory_space<vmem>>, vector<1x1x16xf32>,
        %get3A_724 = vector.shape_cast %get3A_723 : vector<1x1x16xf32> to vector<16xf32>
        %add3A_725 = arith.addf %add3A_716, %get3A_724 : vector<16xf32>
        %add3A_726 = arith.constant 5 : i32
        %add3A_727 = arith.addi %add3A_465, %add3A_726 : i32
        %get3A_728 = arith.constant 0 : i32
        %get3A_729 = arith.index_cast %get3A_728 : i32 to index
        %get3A_730 = arith.index_cast %add3A_727 : i32 to index
        %get3A_731 = arith.constant 48 : index
        %get3A_732 = tpu.vector_load %arg6[%get3A_729, %get3A_730, %get3A_731] {strides = array<i32>} : memref<2x400x64xf32, #tpu.memory_space<vmem>>, vector<1x1x16xf32>,
        %get3A_733 = vector.shape_cast %get3A_732 : vector<1x1x16xf32> to vector<16xf32>
        %add3A_734 = arith.addf %add3A_725, %get3A_733 : vector<16xf32>
        %add3A_735 = arith.constant 6 : i32
        %add3A_736 = arith.addi %add3A_465, %add3A_735 : i32
        %get3A_737 = arith.constant 0 : i32
        %get3A_738 = arith.index_cast %get3A_737 : i32 to index
        %get3A_739 = arith.index_cast %add3A_736 : i32 to index
        %get3A_740 = arith.constant 48 : index
        %get3A_741 = tpu.vector_load %arg6[%get3A_738, %get3A_739, %get3A_740] {strides = array<i32>} : memref<2x400x64xf32, #tpu.memory_space<vmem>>, vector<1x1x16xf32>,
        %get3A_742 = vector.shape_cast %get3A_741 : vector<1x1x16xf32> to vector<16xf32>
        %add3A_743 = arith.addf %add3A_734, %get3A_742 : vector<16xf32>
        %add3A_744 = arith.constant 7 : i32
        %add3A_745 = arith.addi %add3A_465, %add3A_744 : i32
        %get3A_746 = arith.constant 0 : i32
        %get3A_747 = arith.index_cast %get3A_746 : i32 to index
        %get3A_748 = arith.index_cast %add3A_745 : i32 to index
        %get3A_749 = arith.constant 48 : index
        %get3A_750 = tpu.vector_load %arg6[%get3A_747, %get3A_748, %get3A_749] {strides = array<i32>} : memref<2x400x64xf32, #tpu.memory_space<vmem>>, vector<1x1x16xf32>,
        %get3A_751 = vector.shape_cast %get3A_750 : vector<1x1x16xf32> to vector<16xf32>
        %add3A_752 = arith.addf %add3A_743, %get3A_751 : vector<16xf32>
        scf.yield %add3A_536, %add3A_608, %add3A_680, %add3A_752 : vector<16xf32>, vector<16xf32>, vector<16xf32>, vector<16xf32>
      }
      %scan3A_218 = arith.constant 25 : i32
      %mul3A_219 = arith.constant 2 : i32
      %mul3A_220 = arith.muli %mul3A_78, %mul3A_219 : i32
      %add3A_221 = arith.constant 0 : i32
      %add3A_222 = arith.addi %mul3A_220, %add3A_221 : i32
      %swap3A = arith.index_cast %add3A_222 : i32 to index
      %swap3A_223 = arith.constant 0 : index
      %swap3A_224 = tpu.vector_load %arg7[%swap3A, %swap3A_223] {strides = array<i32>} : memref<512x64xf32, #tpu.memory_space<vmem>>, vector<1x16xf32>,
      %swap3A_225 = vector.shape_cast %swap3A_224 : vector<1x16xf32> to vector<16xf32>
      %swap3A_226 = vector.shape_cast %scan3A_217#0 : vector<16xf32> to vector<1x16xf32>
      tpu.vector_store %arg7[%swap3A, %swap3A_223], %swap3A_226 {strides = array<i32>} : memref<512x64xf32, #tpu.memory_space<vmem>>, vector<1x16xf32>,
      %mul3A_227 = arith.constant 2 : i32
      %mul3A_228 = arith.muli %mul3A_78, %mul3A_227 : i32
      %add3A_229 = arith.constant 0 : i32
      %add3A_230 = arith.addi %mul3A_228, %add3A_229 : i32
      %swap3A_231 = arith.index_cast %add3A_230 : i32 to index
      %swap3A_232 = arith.constant 16 : index
      %swap3A_233 = tpu.vector_load %arg7[%swap3A_231, %swap3A_232] {strides = array<i32>} : memref<512x64xf32, #tpu.memory_space<vmem>>, vector<1x16xf32>,
      %swap3A_234 = vector.shape_cast %swap3A_233 : vector<1x16xf32> to vector<16xf32>
      %swap3A_235 = vector.shape_cast %scan3A_217#1 : vector<16xf32> to vector<1x16xf32>
      tpu.vector_store %arg7[%swap3A_231, %swap3A_232], %swap3A_235 {strides = array<i32>} : memref<512x64xf32, #tpu.memory_space<vmem>>, vector<1x16xf32>,
      %mul3A_236 = arith.constant 2 : i32
      %mul3A_237 = arith.muli %mul3A_78, %mul3A_236 : i32
      %add3A_238 = arith.constant 0 : i32
      %add3A_239 = arith.addi %mul3A_237, %add3A_238 : i32
      %swap3A_240 = arith.index_cast %add3A_239 : i32 to index
      %swap3A_241 = arith.constant 32 : index
      %swap3A_242 = tpu.vector_load %arg7[%swap3A_240, %swap3A_241] {strides = array<i32>} : memref<512x64xf32, #tpu.memory_space<vmem>>, vector<1x16xf32>,
      %swap3A_243 = vector.shape_cast %swap3A_242 : vector<1x16xf32> to vector<16xf32>
      %swap3A_244 = vector.shape_cast %scan3A_217#2 : vector<16xf32> to vector<1x16xf32>
      tpu.vector_store %arg7[%swap3A_240, %swap3A_241], %swap3A_244 {strides = array<i32>} : memref<512x64xf32, #tpu.memory_space<vmem>>, vector<1x16xf32>,
      %mul3A_245 = arith.constant 2 : i32
      %mul3A_246 = arith.muli %mul3A_78, %mul3A_245 : i32
      %add3A_247 = arith.constant 0 : i32
      %add3A_248 = arith.addi %mul3A_246, %add3A_247 : i32
      %swap3A_249 = arith.index_cast %add3A_248 : i32 to index
      %swap3A_250 = arith.constant 48 : index
      %swap3A_251 = tpu.vector_load %arg7[%swap3A_249, %swap3A_250] {strides = array<i32>} : memref<512x64xf32, #tpu.memory_space<vmem>>, vector<1x16xf32>,
      %swap3A_252 = vector.shape_cast %swap3A_251 : vector<1x16xf32> to vector<16xf32>
      %swap3A_253 = vector.shape_cast %scan3A_217#3 : vector<16xf32> to vector<1x16xf32>
      tpu.vector_store %arg7[%swap3A_249, %swap3A_250], %swap3A_253 {strides = array<i32>} : memref<512x64xf32, #tpu.memory_space<vmem>>, vector<1x16xf32>,
      %broadcast_in_dim3A_254 = arith.constant 0.000000e+00 : f32
      %broadcast_in_dim3A_255 = vector.broadcast %broadcast_in_dim3A_254 : f32 to vector<16xf32>
      %scan3A_256 = arith.constant 0 : i32
      %scan3A_257 = arith.constant 25 : i32
      %scan3A_258 = arith.addi %scan3A_256, %scan3A_257 : i32
      %scan3A_259 = arith.constant 1 : i32
      %scan3A_260:4 = scf.for %scan3A_457 = %scan3A_256 to %scan3A_258 step %scan3A_259 iter_args(%scan3A_458 = %broadcast_in_dim3A_255, %scan3A_459 = %broadcast_in_dim3A_255, %scan3A_460 = %broadcast_in_dim3A_255, %scan3A_461 = %broadcast_in_dim3A_255) -> (vector<16xf32>, vector<16xf32>, vector<16xf32>, vector<16xf32>)  : i32 {
        %mul3A_462 = arith.constant 8 : i32
        %mul3A_463 = arith.muli %scan3A_457, %mul3A_462 : i32
        %add3A_464 = arith.constant 200 : i32
        %add3A_465 = arith.addi %add3A_464, %mul3A_463 : i32
        %add3A_466 = arith.constant 0 : i32
        %add3A_467 = arith.addi %add3A_465, %add3A_466 : i32
        %get3A = arith.constant 0 : i32
        %get3A_468 = arith.index_cast %get3A : i32 to index
        %get3A_469 = arith.index_cast %add3A_467 : i32 to index
        %get3A_470 = arith.constant 0 : index
        %get3A_471 = tpu.vector_load %arg6[%get3A_468, %get3A_469, %get3A_470] {strides = array<i32>} : memref<2x400x64xf32, #tpu.memory_space<vmem>>, vector<1x1x16xf32>,
        %get3A_472 = vector.shape_cast %get3A_471 : vector<1x1x16xf32> to vector<16xf32>
        %add3A_473 = arith.addf %scan3A_458, %get3A_472 : vector<16xf32>
        %add3A_474 = arith.constant 1 : i32
        %add3A_475 = arith.addi %add3A_465, %add3A_474 : i32
        %get3A_476 = arith.constant 0 : i32
        %get3A_477 = arith.index_cast %get3A_476 : i32 to index
        %get3A_478 = arith.index_cast %add3A_475 : i32 to index
        %get3A_479 = arith.constant 0 : index
        %get3A_480 = tpu.vector_load %arg6[%get3A_477, %get3A_478, %get3A_479] {strides = array<i32>} : memref<2x400x64xf32, #tpu.memory_space<vmem>>, vector<1x1x16xf32>,
        %get3A_481 = vector.shape_cast %get3A_480 : vector<1x1x16xf32> to vector<16xf32>
        %add3A_482 = arith.addf %add3A_473, %get3A_481 : vector<16xf32>
        %add3A_483 = arith.constant 2 : i32
        %add3A_484 = arith.addi %add3A_465, %add3A_483 : i32
        %get3A_485 = arith.constant 0 : i32
        %get3A_486 = arith.index_cast %get3A_485 : i32 to index
        %get3A_487 = arith.index_cast %add3A_484 : i32 to index
        %get3A_488 = arith.constant 0 : index
        %get3A_489 = tpu.vector_load %arg6[%get3A_486, %get3A_487, %get3A_488] {strides = array<i32>} : memref<2x400x64xf32, #tpu.memory_space<vmem>>, vector<1x1x16xf32>,
        %get3A_490 = vector.shape_cast %get3A_489 : vector<1x1x16xf32> to vector<16xf32>
        %add3A_491 = arith.addf %add3A_482, %get3A_490 : vector<16xf32>
        %add3A_492 = arith.constant 3 : i32
        %add3A_493 = arith.addi %add3A_465, %add3A_492 : i32
        %get3A_494 = arith.constant 0 : i32
        %get3A_495 = arith.index_cast %get3A_494 : i32 to index
        %get3A_496 = arith.index_cast %add3A_493 : i32 to index
        %get3A_497 = arith.constant 0 : index
        %get3A_498 = tpu.vector_load %arg6[%get3A_495, %get3A_496, %get3A_497] {strides = array<i32>} : memref<2x400x64xf32, #tpu.memory_space<vmem>>, vector<1x1x16xf32>,
        %get3A_499 = vector.shape_cast %get3A_498 : vector<1x1x16xf32> to vector<16xf32>
        %add3A_500 = arith.addf %add3A_491, %get3A_499 : vector<16xf32>
        %add3A_501 = arith.constant 4 : i32
        %add3A_502 = arith.addi %add3A_465, %add3A_501 : i32
        %get3A_503 = arith.constant 0 : i32
        %get3A_504 = arith.index_cast %get3A_503 : i32 to index
        %get3A_505 = arith.index_cast %add3A_502 : i32 to index
        %get3A_506 = arith.constant 0 : index
        %get3A_507 = tpu.vector_load %arg6[%get3A_504, %get3A_505, %get3A_506] {strides = array<i32>} : memref<2x400x64xf32, #tpu.memory_space<vmem>>, vector<1x1x16xf32>,
        %get3A_508 = vector.shape_cast %get3A_507 : vector<1x1x16xf32> to vector<16xf32>
        %add3A_509 = arith.addf %add3A_500, %get3A_508 : vector<16xf32>
        %add3A_510 = arith.constant 5 : i32
        %add3A_511 = arith.addi %add3A_465, %add3A_510 : i32
        %get3A_512 = arith.constant 0 : i32
        %get3A_513 = arith.index_cast %get3A_512 : i32 to index
        %get3A_514 = arith.index_cast %add3A_511 : i32 to index
        %get3A_515 = arith.constant 0 : index
        %get3A_516 = tpu.vector_load %arg6[%get3A_513, %get3A_514, %get3A_515] {strides = array<i32>} : memref<2x400x64xf32, #tpu.memory_space<vmem>>, vector<1x1x16xf32>,
        %get3A_517 = vector.shape_cast %get3A_516 : vector<1x1x16xf32> to vector<16xf32>
        %add3A_518 = arith.addf %add3A_509, %get3A_517 : vector<16xf32>
        %add3A_519 = arith.constant 6 : i32
        %add3A_520 = arith.addi %add3A_465, %add3A_519 : i32
        %get3A_521 = arith.constant 0 : i32
        %get3A_522 = arith.index_cast %get3A_521 : i32 to index
        %get3A_523 = arith.index_cast %add3A_520 : i32 to index
        %get3A_524 = arith.constant 0 : index
        %get3A_525 = tpu.vector_load %arg6[%get3A_522, %get3A_523, %get3A_524] {strides = array<i32>} : memref<2x400x64xf32, #tpu.memory_space<vmem>>, vector<1x1x16xf32>,
        %get3A_526 = vector.shape_cast %get3A_525 : vector<1x1x16xf32> to vector<16xf32>
        %add3A_527 = arith.addf %add3A_518, %get3A_526 : vector<16xf32>
        %add3A_528 = arith.constant 7 : i32
        %add3A_529 = arith.addi %add3A_465, %add3A_528 : i32
        %get3A_530 = arith.constant 0 : i32
        %get3A_531 = arith.index_cast %get3A_530 : i32 to index
        %get3A_532 = arith.index_cast %add3A_529 : i32 to index
        %get3A_533 = arith.constant 0 : index
        %get3A_534 = tpu.vector_load %arg6[%get3A_531, %get3A_532, %get3A_533] {strides = array<i32>} : memref<2x400x64xf32, #tpu.memory_space<vmem>>, vector<1x1x16xf32>,
        %get3A_535 = vector.shape_cast %get3A_534 : vector<1x1x16xf32> to vector<16xf32>
        %add3A_536 = arith.addf %add3A_527, %get3A_535 : vector<16xf32>
        %add3A_537 = arith.constant 0 : i32
        %add3A_538 = arith.addi %add3A_465, %add3A_537 : i32
        %get3A_539 = arith.constant 0 : i32
        %get3A_540 = arith.index_cast %get3A_539 : i32 to index
        %get3A_541 = arith.index_cast %add3A_538 : i32 to index
        %get3A_542 = arith.constant 16 : index
        %get3A_543 = tpu.vector_load %arg6[%get3A_540, %get3A_541, %get3A_542] {strides = array<i32>} : memref<2x400x64xf32, #tpu.memory_space<vmem>>, vector<1x1x16xf32>,
        %get3A_544 = vector.shape_cast %get3A_543 : vector<1x1x16xf32> to vector<16xf32>
        %add3A_545 = arith.addf %scan3A_459, %get3A_544 : vector<16xf32>
        %add3A_546 = arith.constant 1 : i32
        %add3A_547 = arith.addi %add3A_465, %add3A_546 : i32
        %get3A_548 = arith.constant 0 : i32
        %get3A_549 = arith.index_cast %get3A_548 : i32 to index
        %get3A_550 = arith.index_cast %add3A_547 : i32 to index
        %get3A_551 = arith.constant 16 : index
        %get3A_552 = tpu.vector_load %arg6[%get3A_549, %get3A_550, %get3A_551] {strides = array<i32>} : memref<2x400x64xf32, #tpu.memory_space<vmem>>, vector<1x1x16xf32>,
        %get3A_553 = vector.shape_cast %get3A_552 : vector<1x1x16xf32> to vector<16xf32>
        %add3A_554 = arith.addf %add3A_545, %get3A_553 : vector<16xf32>
        %add3A_555 = arith.constant 2 : i32
        %add3A_556 = arith.addi %add3A_465, %add3A_555 : i32
        %get3A_557 = arith.constant 0 : i32
        %get3A_558 = arith.index_cast %get3A_557 : i32 to index
        %get3A_559 = arith.index_cast %add3A_556 : i32 to index
        %get3A_560 = arith.constant 16 : index
        %get3A_561 = tpu.vector_load %arg6[%get3A_558, %get3A_559, %get3A_560] {strides = array<i32>} : memref<2x400x64xf32, #tpu.memory_space<vmem>>, vector<1x1x16xf32>,
        %get3A_562 = vector.shape_cast %get3A_561 : vector<1x1x16xf32> to vector<16xf32>
        %add3A_563 = arith.addf %add3A_554, %get3A_562 : vector<16xf32>
        %add3A_564 = arith.constant 3 : i32
        %add3A_565 = arith.addi %add3A_465, %add3A_564 : i32
        %get3A_566 = arith.constant 0 : i32
        %get3A_567 = arith.index_cast %get3A_566 : i32 to index
        %get3A_568 = arith.index_cast %add3A_565 : i32 to index
        %get3A_569 = arith.constant 16 : index
        %get3A_570 = tpu.vector_load %arg6[%get3A_567, %get3A_568, %get3A_569] {strides = array<i32>} : memref<2x400x64xf32, #tpu.memory_space<vmem>>, vector<1x1x16xf32>,
        %get3A_571 = vector.shape_cast %get3A_570 : vector<1x1x16xf32> to vector<16xf32>
        %add3A_572 = arith.addf %add3A_563, %get3A_571 : vector<16xf32>
        %add3A_573 = arith.constant 4 : i32
        %add3A_574 = arith.addi %add3A_465, %add3A_573 : i32
        %get3A_575 = arith.constant 0 : i32
        %get3A_576 = arith.index_cast %get3A_575 : i32 to index
        %get3A_577 = arith.index_cast %add3A_574 : i32 to index
        %get3A_578 = arith.constant 16 : index
        %get3A_579 = tpu.vector_load %arg6[%get3A_576, %get3A_577, %get3A_578] {strides = array<i32>} : memref<2x400x64xf32, #tpu.memory_space<vmem>>, vector<1x1x16xf32>,
        %get3A_580 = vector.shape_cast %get3A_579 : vector<1x1x16xf32> to vector<16xf32>
        %add3A_581 = arith.addf %add3A_572, %get3A_580 : vector<16xf32>
        %add3A_582 = arith.constant 5 : i32
        %add3A_583 = arith.addi %add3A_465, %add3A_582 : i32
        %get3A_584 = arith.constant 0 : i32
        %get3A_585 = arith.index_cast %get3A_584 : i32 to index
        %get3A_586 = arith.index_cast %add3A_583 : i32 to index
        %get3A_587 = arith.constant 16 : index
        %get3A_588 = tpu.vector_load %arg6[%get3A_585, %get3A_586, %get3A_587] {strides = array<i32>} : memref<2x400x64xf32, #tpu.memory_space<vmem>>, vector<1x1x16xf32>,
        %get3A_589 = vector.shape_cast %get3A_588 : vector<1x1x16xf32> to vector<16xf32>
        %add3A_590 = arith.addf %add3A_581, %get3A_589 : vector<16xf32>
        %add3A_591 = arith.constant 6 : i32
        %add3A_592 = arith.addi %add3A_465, %add3A_591 : i32
        %get3A_593 = arith.constant 0 : i32
        %get3A_594 = arith.index_cast %get3A_593 : i32 to index
        %get3A_595 = arith.index_cast %add3A_592 : i32 to index
        %get3A_596 = arith.constant 16 : index
        %get3A_597 = tpu.vector_load %arg6[%get3A_594, %get3A_595, %get3A_596] {strides = array<i32>} : memref<2x400x64xf32, #tpu.memory_space<vmem>>, vector<1x1x16xf32>,
        %get3A_598 = vector.shape_cast %get3A_597 : vector<1x1x16xf32> to vector<16xf32>
        %add3A_599 = arith.addf %add3A_590, %get3A_598 : vector<16xf32>
        %add3A_600 = arith.constant 7 : i32
        %add3A_601 = arith.addi %add3A_465, %add3A_600 : i32
        %get3A_602 = arith.constant 0 : i32
        %get3A_603 = arith.index_cast %get3A_602 : i32 to index
        %get3A_604 = arith.index_cast %add3A_601 : i32 to index
        %get3A_605 = arith.constant 16 : index
        %get3A_606 = tpu.vector_load %arg6[%get3A_603, %get3A_604, %get3A_605] {strides = array<i32>} : memref<2x400x64xf32, #tpu.memory_space<vmem>>, vector<1x1x16xf32>,
        %get3A_607 = vector.shape_cast %get3A_606 : vector<1x1x16xf32> to vector<16xf32>
        %add3A_608 = arith.addf %add3A_599, %get3A_607 : vector<16xf32>
        %add3A_609 = arith.constant 0 : i32
        %add3A_610 = arith.addi %add3A_465, %add3A_609 : i32
        %get3A_611 = arith.constant 0 : i32
        %get3A_612 = arith.index_cast %get3A_611 : i32 to index
        %get3A_613 = arith.index_cast %add3A_610 : i32 to index
        %get3A_614 = arith.constant 32 : index
        %get3A_615 = tpu.vector_load %arg6[%get3A_612, %get3A_613, %get3A_614] {strides = array<i32>} : memref<2x400x64xf32, #tpu.memory_space<vmem>>, vector<1x1x16xf32>,
        %get3A_616 = vector.shape_cast %get3A_615 : vector<1x1x16xf32> to vector<16xf32>
        %add3A_617 = arith.addf %scan3A_460, %get3A_616 : vector<16xf32>
        %add3A_618 = arith.constant 1 : i32
        %add3A_619 = arith.addi %add3A_465, %add3A_618 : i32
        %get3A_620 = arith.constant 0 : i32
        %get3A_621 = arith.index_cast %get3A_620 : i32 to index
        %get3A_622 = arith.index_cast %add3A_619 : i32 to index
        %get3A_623 = arith.constant 32 : index
        %get3A_624 = tpu.vector_load %arg6[%get3A_621, %get3A_622, %get3A_623] {strides = array<i32>} : memref<2x400x64xf32, #tpu.memory_space<vmem>>, vector<1x1x16xf32>,
        %get3A_625 = vector.shape_cast %get3A_624 : vector<1x1x16xf32> to vector<16xf32>
        %add3A_626 = arith.addf %add3A_617, %get3A_625 : vector<16xf32>
        %add3A_627 = arith.constant 2 : i32
        %add3A_628 = arith.addi %add3A_465, %add3A_627 : i32
        %get3A_629 = arith.constant 0 : i32
        %get3A_630 = arith.index_cast %get3A_629 : i32 to index
        %get3A_631 = arith.index_cast %add3A_628 : i32 to index
        %get3A_632 = arith.constant 32 : index
        %get3A_633 = tpu.vector_load %arg6[%get3A_630, %get3A_631, %get3A_632] {strides = array<i32>} : memref<2x400x64xf32, #tpu.memory_space<vmem>>, vector<1x1x16xf32>,
        %get3A_634 = vector.shape_cast %get3A_633 : vector<1x1x16xf32> to vector<16xf32>
        %add3A_635 = arith.addf %add3A_626, %get3A_634 : vector<16xf32>
        %add3A_636 = arith.constant 3 : i32
        %add3A_637 = arith.addi %add3A_465, %add3A_636 : i32
        %get3A_638 = arith.constant 0 : i32
        %get3A_639 = arith.index_cast %get3A_638 : i32 to index
        %get3A_640 = arith.index_cast %add3A_637 : i32 to index
        %get3A_641 = arith.constant 32 : index
        %get3A_642 = tpu.vector_load %arg6[%get3A_639, %get3A_640, %get3A_641] {strides = array<i32>} : memref<2x400x64xf32, #tpu.memory_space<vmem>>, vector<1x1x16xf32>,
        %get3A_643 = vector.shape_cast %get3A_642 : vector<1x1x16xf32> to vector<16xf32>
        %add3A_644 = arith.addf %add3A_635, %get3A_643 : vector<16xf32>
        %add3A_645 = arith.constant 4 : i32
        %add3A_646 = arith.addi %add3A_465, %add3A_645 : i32
        %get3A_647 = arith.constant 0 : i32
        %get3A_648 = arith.index_cast %get3A_647 : i32 to index
        %get3A_649 = arith.index_cast %add3A_646 : i32 to index
        %get3A_650 = arith.constant 32 : index
        %get3A_651 = tpu.vector_load %arg6[%get3A_648, %get3A_649, %get3A_650] {strides = array<i32>} : memref<2x400x64xf32, #tpu.memory_space<vmem>>, vector<1x1x16xf32>,
        %get3A_652 = vector.shape_cast %get3A_651 : vector<1x1x16xf32> to vector<16xf32>
        %add3A_653 = arith.addf %add3A_644, %get3A_652 : vector<16xf32>
        %add3A_654 = arith.constant 5 : i32
        %add3A_655 = arith.addi %add3A_465, %add3A_654 : i32
        %get3A_656 = arith.constant 0 : i32
        %get3A_657 = arith.index_cast %get3A_656 : i32 to index
        %get3A_658 = arith.index_cast %add3A_655 : i32 to index
        %get3A_659 = arith.constant 32 : index
        %get3A_660 = tpu.vector_load %arg6[%get3A_657, %get3A_658, %get3A_659] {strides = array<i32>} : memref<2x400x64xf32, #tpu.memory_space<vmem>>, vector<1x1x16xf32>,
        %get3A_661 = vector.shape_cast %get3A_660 : vector<1x1x16xf32> to vector<16xf32>
        %add3A_662 = arith.addf %add3A_653, %get3A_661 : vector<16xf32>
        %add3A_663 = arith.constant 6 : i32
        %add3A_664 = arith.addi %add3A_465, %add3A_663 : i32
        %get3A_665 = arith.constant 0 : i32
        %get3A_666 = arith.index_cast %get3A_665 : i32 to index
        %get3A_667 = arith.index_cast %add3A_664 : i32 to index
        %get3A_668 = arith.constant 32 : index
        %get3A_669 = tpu.vector_load %arg6[%get3A_666, %get3A_667, %get3A_668] {strides = array<i32>} : memref<2x400x64xf32, #tpu.memory_space<vmem>>, vector<1x1x16xf32>,
        %get3A_670 = vector.shape_cast %get3A_669 : vector<1x1x16xf32> to vector<16xf32>
        %add3A_671 = arith.addf %add3A_662, %get3A_670 : vector<16xf32>
        %add3A_672 = arith.constant 7 : i32
        %add3A_673 = arith.addi %add3A_465, %add3A_672 : i32
        %get3A_674 = arith.constant 0 : i32
        %get3A_675 = arith.index_cast %get3A_674 : i32 to index
        %get3A_676 = arith.index_cast %add3A_673 : i32 to index
        %get3A_677 = arith.constant 32 : index
        %get3A_678 = tpu.vector_load %arg6[%get3A_675, %get3A_676, %get3A_677] {strides = array<i32>} : memref<2x400x64xf32, #tpu.memory_space<vmem>>, vector<1x1x16xf32>,
        %get3A_679 = vector.shape_cast %get3A_678 : vector<1x1x16xf32> to vector<16xf32>
        %add3A_680 = arith.addf %add3A_671, %get3A_679 : vector<16xf32>
        %add3A_681 = arith.constant 0 : i32
        %add3A_682 = arith.addi %add3A_465, %add3A_681 : i32
        %get3A_683 = arith.constant 0 : i32
        %get3A_684 = arith.index_cast %get3A_683 : i32 to index
        %get3A_685 = arith.index_cast %add3A_682 : i32 to index
        %get3A_686 = arith.constant 48 : index
        %get3A_687 = tpu.vector_load %arg6[%get3A_684, %get3A_685, %get3A_686] {strides = array<i32>} : memref<2x400x64xf32, #tpu.memory_space<vmem>>, vector<1x1x16xf32>,
        %get3A_688 = vector.shape_cast %get3A_687 : vector<1x1x16xf32> to vector<16xf32>
        %add3A_689 = arith.addf %scan3A_461, %get3A_688 : vector<16xf32>
        %add3A_690 = arith.constant 1 : i32
        %add3A_691 = arith.addi %add3A_465, %add3A_690 : i32
        %get3A_692 = arith.constant 0 : i32
        %get3A_693 = arith.index_cast %get3A_692 : i32 to index
        %get3A_694 = arith.index_cast %add3A_691 : i32 to index
        %get3A_695 = arith.constant 48 : index
        %get3A_696 = tpu.vector_load %arg6[%get3A_693, %get3A_694, %get3A_695] {strides = array<i32>} : memref<2x400x64xf32, #tpu.memory_space<vmem>>, vector<1x1x16xf32>,
        %get3A_697 = vector.shape_cast %get3A_696 : vector<1x1x16xf32> to vector<16xf32>
        %add3A_698 = arith.addf %add3A_689, %get3A_697 : vector<16xf32>
        %add3A_699 = arith.constant 2 : i32
        %add3A_700 = arith.addi %add3A_465, %add3A_699 : i32
        %get3A_701 = arith.constant 0 : i32
        %get3A_702 = arith.index_cast %get3A_701 : i32 to index
        %get3A_703 = arith.index_cast %add3A_700 : i32 to index
        %get3A_704 = arith.constant 48 : index
        %get3A_705 = tpu.vector_load %arg6[%get3A_702, %get3A_703, %get3A_704] {strides = array<i32>} : memref<2x400x64xf32, #tpu.memory_space<vmem>>, vector<1x1x16xf32>,
        %get3A_706 = vector.shape_cast %get3A_705 : vector<1x1x16xf32> to vector<16xf32>
        %add3A_707 = arith.addf %add3A_698, %get3A_706 : vector<16xf32>
        %add3A_708 = arith.constant 3 : i32
        %add3A_709 = arith.addi %add3A_465, %add3A_708 : i32
        %get3A_710 = arith.constant 0 : i32
        %get3A_711 = arith.index_cast %get3A_710 : i32 to index
        %get3A_712 = arith.index_cast %add3A_709 : i32 to index
        %get3A_713 = arith.constant 48 : index
        %get3A_714 = tpu.vector_load %arg6[%get3A_711, %get3A_712, %get3A_713] {strides = array<i32>} : memref<2x400x64xf32, #tpu.memory_space<vmem>>, vector<1x1x16xf32>,
        %get3A_715 = vector.shape_cast %get3A_714 : vector<1x1x16xf32> to vector<16xf32>
        %add3A_716 = arith.addf %add3A_707, %get3A_715 : vector<16xf32>
        %add3A_717 = arith.constant 4 : i32
        %add3A_718 = arith.addi %add3A_465, %add3A_717 : i32
        %get3A_719 = arith.constant 0 : i32
        %get3A_720 = arith.index_cast %get3A_719 : i32 to index
        %get3A_721 = arith.index_cast %add3A_718 : i32 to index
        %get3A_722 = arith.constant 48 : index
        %get3A_723 = tpu.vector_load %arg6[%get3A_720, %get3A_721, %get3A_722] {strides = array<i32>} : memref<2x400x64xf32, #tpu.memory_space<vmem>>, vector<1x1x16xf32>,
        %get3A_724 = vector.shape_cast %get3A_723 : vector<1x1x16xf32> to vector<16xf32>
        %add3A_725 = arith.addf %add3A_716, %get3A_724 : vector<16xf32>
        %add3A_726 = arith.constant 5 : i32
        %add3A_727 = arith.addi %add3A_465, %add3A_726 : i32
        %get3A_728 = arith.constant 0 : i32
        %get3A_729 = arith.index_cast %get3A_728 : i32 to index
        %get3A_730 = arith.index_cast %add3A_727 : i32 to index
        %get3A_731 = arith.constant 48 : index
        %get3A_732 = tpu.vector_load %arg6[%get3A_729, %get3A_730, %get3A_731] {strides = array<i32>} : memref<2x400x64xf32, #tpu.memory_space<vmem>>, vector<1x1x16xf32>,
        %get3A_733 = vector.shape_cast %get3A_732 : vector<1x1x16xf32> to vector<16xf32>
        %add3A_734 = arith.addf %add3A_725, %get3A_733 : vector<16xf32>
        %add3A_735 = arith.constant 6 : i32
        %add3A_736 = arith.addi %add3A_465, %add3A_735 : i32
        %get3A_737 = arith.constant 0 : i32
        %get3A_738 = arith.index_cast %get3A_737 : i32 to index
        %get3A_739 = arith.index_cast %add3A_736 : i32 to index
        %get3A_740 = arith.constant 48 : index
        %get3A_741 = tpu.vector_load %arg6[%get3A_738, %get3A_739, %get3A_740] {strides = array<i32>} : memref<2x400x64xf32, #tpu.memory_space<vmem>>, vector<1x1x16xf32>,
        %get3A_742 = vector.shape_cast %get3A_741 : vector<1x1x16xf32> to vector<16xf32>
        %add3A_743 = arith.addf %add3A_734, %get3A_742 : vector<16xf32>
        %add3A_744 = arith.constant 7 : i32
        %add3A_745 = arith.addi %add3A_465, %add3A_744 : i32
        %get3A_746 = arith.constant 0 : i32
        %get3A_747 = arith.index_cast %get3A_746 : i32 to index
        %get3A_748 = arith.index_cast %add3A_745 : i32 to index
        %get3A_749 = arith.constant 48 : index
        %get3A_750 = tpu.vector_load %arg6[%get3A_747, %get3A_748, %get3A_749] {strides = array<i32>} : memref<2x400x64xf32, #tpu.memory_space<vmem>>, vector<1x1x16xf32>,
        %get3A_751 = vector.shape_cast %get3A_750 : vector<1x1x16xf32> to vector<16xf32>
        %add3A_752 = arith.addf %add3A_743, %get3A_751 : vector<16xf32>
        scf.yield %add3A_536, %add3A_608, %add3A_680, %add3A_752 : vector<16xf32>, vector<16xf32>, vector<16xf32>, vector<16xf32>
      }
      %scan3A_261 = arith.constant 25 : i32
      %mul3A_262 = arith.constant 2 : i32
      %mul3A_263 = arith.muli %mul3A_78, %mul3A_262 : i32
      %add3A_264 = arith.constant 1 : i32
      %add3A_265 = arith.addi %mul3A_263, %add3A_264 : i32
      %swap3A_266 = arith.index_cast %add3A_265 : i32 to index
      %swap3A_267 = arith.constant 0 : index
      %swap3A_268 = tpu.vector_load %arg7[%swap3A_266, %swap3A_267] {strides = array<i32>} : memref<512x64xf32, #tpu.memory_space<vmem>>, vector<1x16xf32>,
      %swap3A_269 = vector.shape_cast %swap3A_268 : vector<1x16xf32> to vector<16xf32>
      %swap3A_270 = vector.shape_cast %scan3A_260#0 : vector<16xf32> to vector<1x16xf32>
      tpu.vector_store %arg7[%swap3A_266, %swap3A_267], %swap3A_270 {strides = array<i32>} : memref<512x64xf32, #tpu.memory_space<vmem>>, vector<1x16xf32>,
      %mul3A_271 = arith.constant 2 : i32
      %mul3A_272 = arith.muli %mul3A_78, %mul3A_271 : i32
      %add3A_273 = arith.constant 1 : i32
      %add3A_274 = arith.addi %mul3A_272, %add3A_273 : i32
      %swap3A_275 = arith.index_cast %add3A_274 : i32 to index
      %swap3A_276 = arith.constant 16 : index
      %swap3A_277 = tpu.vector_load %arg7[%swap3A_275, %swap3A_276] {strides = array<i32>} : memref<512x64xf32, #tpu.memory_space<vmem>>, vector<1x16xf32>,
      %swap3A_278 = vector.shape_cast %swap3A_277 : vector<1x16xf32> to vector<16xf32>
      %swap3A_279 = vector.shape_cast %scan3A_260#1 : vector<16xf32> to vector<1x16xf32>
      tpu.vector_store %arg7[%swap3A_275, %swap3A_276], %swap3A_279 {strides = array<i32>} : memref<512x64xf32, #tpu.memory_space<vmem>>, vector<1x16xf32>,
      %mul3A_280 = arith.constant 2 : i32
      %mul3A_281 = arith.muli %mul3A_78, %mul3A_280 : i32
      %add3A_282 = arith.constant 1 : i32
      %add3A_283 = arith.addi %mul3A_281, %add3A_282 : i32
      %swap3A_284 = arith.index_cast %add3A_283 : i32 to index
      %swap3A_285 = arith.constant 32 : index
      %swap3A_286 = tpu.vector_load %arg7[%swap3A_284, %swap3A_285] {strides = array<i32>} : memref<512x64xf32, #tpu.memory_space<vmem>>, vector<1x16xf32>,
      %swap3A_287 = vector.shape_cast %swap3A_286 : vector<1x16xf32> to vector<16xf32>
      %swap3A_288 = vector.shape_cast %scan3A_260#2 : vector<16xf32> to vector<1x16xf32>
      tpu.vector_store %arg7[%swap3A_284, %swap3A_285], %swap3A_288 {strides = array<i32>} : memref<512x64xf32, #tpu.memory_space<vmem>>, vector<1x16xf32>,
      %mul3A_289 = arith.constant 2 : i32
      %mul3A_290 = arith.muli %mul3A_78, %mul3A_289 : i32
      %add3A_291 = arith.constant 1 : i32
      %add3A_292 = arith.addi %mul3A_290, %add3A_291 : i32
      %swap3A_293 = arith.index_cast %add3A_292 : i32 to index
      %swap3A_294 = arith.constant 48 : index
      %swap3A_295 = tpu.vector_load %arg7[%swap3A_293, %swap3A_294] {strides = array<i32>} : memref<512x64xf32, #tpu.memory_space<vmem>>, vector<1x16xf32>,
      %swap3A_296 = vector.shape_cast %swap3A_295 : vector<1x16xf32> to vector<16xf32>
      %swap3A_297 = vector.shape_cast %scan3A_260#3 : vector<16xf32> to vector<1x16xf32>
      tpu.vector_store %arg7[%swap3A_293, %swap3A_294], %swap3A_297 {strides = array<i32>} : memref<512x64xf32, #tpu.memory_space<vmem>>, vector<1x16xf32>,
      %add3A_298 = arith.constant 2 : i32
      %add3A_299 = arith.addi %mul3A_78, %add3A_298 : i32
      %lt3A = arith.constant 256 : i32
      %lt3A_300 = arith.cmpi slt, %add3A_299, %lt3A : i32
      %convert_element_type3A = arith.extui %lt3A_300 : i1 to i32
      %cond3A = arith.constant 0 : i32
      %cond3A_301 = arith.cmpi ne, %convert_element_type3A, %cond3A : i32
      scf.if %cond3A_301 {
        %add3A_457 = arith.constant 2 : i32
        %add3A_458 = arith.addi %mul3A_78, %add3A_457 : i32
        %add3A_459 = arith.addi %mul3A_2, %add3A_458 : i32
        %run_scoped3A_460 = arith.constant 0 : i32
        "tpu.region"() ({
          %run_scoped3A_526 = tpu.sem_alloc : memref<!tpu.dma_semaphore, #tpu.memory_space<semaphore_mem>>
          %dma_start3A_527 = arith.constant 0 : i32
          %dma_start3A_528 = arith.constant 0 : i32
          %dma_start3A_529 = tpu.memref_slice %arg5[%run_scoped3A_460, %dma_start3A_527, %dma_start3A_528] : memref<2x5x80xi32, #tpu.memory_space<vmem>> -> memref<1x5x80xi32, #tpu.memory_space<vmem>>
          %dma_start3A_530 = tpu.memref_squeeze %dma_start3A_529 : memref<1x5x80xi32, #tpu.memory_space<vmem>> -> memref<5x80xi32, #tpu.memory_space<vmem>>
          %dma_start3A_531 = arith.constant 0 : i32
          %dma_start3A_532 = arith.constant 0 : i32
          %dma_start3A_533 = tpu.memref_slice %arg2[%add3A_459, %dma_start3A_531, %dma_start3A_532] : memref<8192x5x80xi32, #tpu.memory_space<hbm>> -> memref<1x5x80xi32, #tpu.memory_space<hbm>>
          %dma_start3A_534 = tpu.memref_squeeze %dma_start3A_533 : memref<1x5x80xi32, #tpu.memory_space<hbm>> -> memref<5x80xi32, #tpu.memory_space<hbm>>
          %dma_start3A_535 = arith.constant 0 : i32
          %dma_start3A_536 = arith.constant 0 : i32
          %dma_start3A_537 = tpu.memref_slice %arg5[%run_scoped3A_460, %dma_start3A_535, %dma_start3A_536] : memref<2x5x80xi32, #tpu.memory_space<vmem>> -> memref<1x5x80xi32, #tpu.memory_space<vmem>>
          %dma_start3A_538 = tpu.memref_squeeze %dma_start3A_537 : memref<1x5x80xi32, #tpu.memory_space<vmem>> -> memref<5x80xi32, #tpu.memory_space<vmem>>
          %dma_start3A_539 = arith.constant 0 : i32
          %dma_start3A_540 = arith.constant 0 : i32
          %dma_start3A_541 = tpu.memref_slice %arg2[%add3A_459, %dma_start3A_539, %dma_start3A_540] : memref<8192x5x80xi32, #tpu.memory_space<hbm>> -> memref<1x5x80xi32, #tpu.memory_space<hbm>>
          %dma_start3A_542 = tpu.memref_squeeze %dma_start3A_541 : memref<1x5x80xi32, #tpu.memory_space<hbm>> -> memref<5x80xi32, #tpu.memory_space<hbm>>
          tpu.enqueue_dma source(%dma_start3A_542 : memref<5x80xi32, #tpu.memory_space<hbm>>) target(%dma_start3A_538 : memref<5x80xi32, #tpu.memory_space<vmem>>) target_semaphore(%run_scoped3A_526 : memref<!tpu.dma_semaphore, #tpu.memory_space<semaphore_mem>>)
          %dma_wait3A_543 = arith.constant 0 : i32
          %dma_wait3A_544 = arith.constant 0 : i32
          %dma_wait3A_545 = tpu.memref_slice %arg5[%run_scoped3A_460, %dma_wait3A_543, %dma_wait3A_544] : memref<2x5x80xi32, #tpu.memory_space<vmem>> -> memref<1x5x80xi32, #tpu.memory_space<vmem>>
          %dma_wait3A_546 = tpu.memref_squeeze %dma_wait3A_545 : memref<1x5x80xi32, #tpu.memory_space<vmem>> -> memref<5x80xi32, #tpu.memory_space<vmem>>
          %dma_wait3A_547 = arith.constant 0 : i32
          %dma_wait3A_548 = arith.constant 0 : i32
          %dma_wait3A_549 = tpu.memref_slice %arg2[%add3A_459, %dma_wait3A_547, %dma_wait3A_548] : memref<8192x5x80xi32, #tpu.memory_space<hbm>> -> memref<1x5x80xi32, #tpu.memory_space<hbm>>
          %dma_wait3A_550 = tpu.memref_squeeze %dma_wait3A_549 : memref<1x5x80xi32, #tpu.memory_space<hbm>> -> memref<5x80xi32, #tpu.memory_space<hbm>>
          %dma_wait3A_551 = arith.constant 0 : i32
          %dma_wait3A_552 = arith.constant 0 : i32
          %dma_wait3A_553 = tpu.memref_slice %arg5[%run_scoped3A_460, %dma_wait3A_551, %dma_wait3A_552] : memref<2x5x80xi32, #tpu.memory_space<vmem>> -> memref<1x5x80xi32, #tpu.memory_space<vmem>>
          %dma_wait3A_554 = tpu.memref_squeeze %dma_wait3A_553 : memref<1x5x80xi32, #tpu.memory_space<vmem>> -> memref<5x80xi32, #tpu.memory_space<vmem>>
          %dma_wait3A_555 = arith.constant 0 : i32
          %dma_wait3A_556 = arith.constant 0 : i32
          %dma_wait3A_557 = tpu.memref_slice %arg2[%add3A_459, %dma_wait3A_555, %dma_wait3A_556] : memref<8192x5x80xi32, #tpu.memory_space<hbm>> -> memref<1x5x80xi32, #tpu.memory_space<hbm>>
          %dma_wait3A_558 = tpu.memref_squeeze %dma_wait3A_557 : memref<1x5x80xi32, #tpu.memory_space<hbm>> -> memref<5x80xi32, #tpu.memory_space<hbm>>
          tpu.wait_dma2 semaphore(%run_scoped3A_526 : memref<!tpu.dma_semaphore, #tpu.memory_space<semaphore_mem>>) src(%dma_wait3A_558 : memref<5x80xi32, #tpu.memory_space<hbm>>) dst(%dma_wait3A_554 : memref<5x80xi32, #tpu.memory_space<vmem>>)
          tpu.yield
        }) : () -> ()
        %dma_start3A_461 = arith.constant 0 : i32
        %dma_start3A_462 = arith.constant 0 : i32
        %dma_start3A_463 = arith.constant 0 : i32
        %dma_start3A_464 = arith.constant 0 : i32
        %dma_start3A_465 = arith.constant 0 : i32
        %dma_start3A_466 = tpu.memref_slice %arg6[%dma_start3A_463, %dma_start3A_464, %dma_start3A_465] : memref<2x400x64xf32, #tpu.memory_space<vmem>> -> memref<1x80x64xf32, #tpu.memory_space<vmem>>
        %dma_start3A_467 = tpu.memref_squeeze %dma_start3A_466 : memref<1x80x64xf32, #tpu.memory_space<vmem>> -> memref<80x64xf32, #tpu.memory_space<vmem>>
        %dma_start3A_468 = arith.constant 0 : i32
        %dma_start3A_469 = tpu.memref_slice %arg5[%dma_start3A_461, %dma_start3A_462, %dma_start3A_468] : memref<2x5x80xi32, #tpu.memory_space<vmem>> -> memref<1x1x80xi32, #tpu.memory_space<vmem>>
        %dma_start3A_470 = tpu.memref_squeeze %dma_start3A_469 : memref<1x1x80xi32, #tpu.memory_space<vmem>> -> memref<80xi32, #tpu.memory_space<vmem>>
        %dma_start3A_471 = arith.constant 0 : i32
        %dma_start3A_472 = arith.constant 0 : i32
        %dma_start3A_473 = tpu.memref_slice %arg3[%dma_start3A_471, %dma_start3A_472] : memref<2000000x64xf32, #tpu.memory_space<hbm>> -> memref<2000000x64xf32, #tpu.memory_space<hbm>>
        tpu.enqueue_indirect_dma source(%dma_start3A_473 : memref<2000000x64xf32, #tpu.memory_space<hbm>>) target(%dma_start3A_467 : memref<80x64xf32, #tpu.memory_space<vmem>>) offsets(%dma_start3A_470 : memref<80xi32, #tpu.memory_space<vmem>>) semaphore(%arg8 : memref<!tpu.dma_semaphore, #tpu.memory_space<semaphore_mem>>)
        %dma_start3A_474 = arith.constant 0 : i32
        %dma_start3A_475 = arith.constant 1 : i32
        %dma_start3A_476 = arith.constant 0 : i32
        %dma_start3A_477 = arith.constant 80 : i32
        %dma_start3A_478 = arith.constant 0 : i32
        %dma_start3A_479 = tpu.memref_slice %arg6[%dma_start3A_476, %dma_start3A_477, %dma_start3A_478] : memref<2x400x64xf32, #tpu.memory_space<vmem>> -> memref<1x80x64xf32, #tpu.memory_space<vmem>>
        %dma_start3A_480 = tpu.memref_squeeze %dma_start3A_479 : memref<1x80x64xf32, #tpu.memory_space<vmem>> -> memref<80x64xf32, #tpu.memory_space<vmem>>
        %dma_start3A_481 = arith.constant 0 : i32
        %dma_start3A_482 = tpu.memref_slice %arg5[%dma_start3A_474, %dma_start3A_475, %dma_start3A_481] : memref<2x5x80xi32, #tpu.memory_space<vmem>> -> memref<1x1x80xi32, #tpu.memory_space<vmem>>
        %dma_start3A_483 = tpu.memref_squeeze %dma_start3A_482 : memref<1x1x80xi32, #tpu.memory_space<vmem>> -> memref<80xi32, #tpu.memory_space<vmem>>
        %dma_start3A_484 = arith.constant 0 : i32
        %dma_start3A_485 = arith.constant 0 : i32
        %dma_start3A_486 = tpu.memref_slice %arg3[%dma_start3A_484, %dma_start3A_485] : memref<2000000x64xf32, #tpu.memory_space<hbm>> -> memref<2000000x64xf32, #tpu.memory_space<hbm>>
        tpu.enqueue_indirect_dma source(%dma_start3A_486 : memref<2000000x64xf32, #tpu.memory_space<hbm>>) target(%dma_start3A_480 : memref<80x64xf32, #tpu.memory_space<vmem>>) offsets(%dma_start3A_483 : memref<80xi32, #tpu.memory_space<vmem>>) semaphore(%arg8 : memref<!tpu.dma_semaphore, #tpu.memory_space<semaphore_mem>>)
        %dma_start3A_487 = arith.constant 0 : i32
        %dma_start3A_488 = arith.constant 2 : i32
        %dma_start3A_489 = arith.constant 0 : i32
        %dma_start3A_490 = arith.constant 160 : i32
        %dma_start3A_491 = arith.constant 0 : i32
        %dma_start3A_492 = tpu.memref_slice %arg6[%dma_start3A_489, %dma_start3A_490, %dma_start3A_491] : memref<2x400x64xf32, #tpu.memory_space<vmem>> -> memref<1x80x64xf32, #tpu.memory_space<vmem>>
        %dma_start3A_493 = tpu.memref_squeeze %dma_start3A_492 : memref<1x80x64xf32, #tpu.memory_space<vmem>> -> memref<80x64xf32, #tpu.memory_space<vmem>>
        %dma_start3A_494 = arith.constant 0 : i32
        %dma_start3A_495 = tpu.memref_slice %arg5[%dma_start3A_487, %dma_start3A_488, %dma_start3A_494] : memref<2x5x80xi32, #tpu.memory_space<vmem>> -> memref<1x1x80xi32, #tpu.memory_space<vmem>>
        %dma_start3A_496 = tpu.memref_squeeze %dma_start3A_495 : memref<1x1x80xi32, #tpu.memory_space<vmem>> -> memref<80xi32, #tpu.memory_space<vmem>>
        %dma_start3A_497 = arith.constant 0 : i32
        %dma_start3A_498 = arith.constant 0 : i32
        %dma_start3A_499 = tpu.memref_slice %arg3[%dma_start3A_497, %dma_start3A_498] : memref<2000000x64xf32, #tpu.memory_space<hbm>> -> memref<2000000x64xf32, #tpu.memory_space<hbm>>
        tpu.enqueue_indirect_dma source(%dma_start3A_499 : memref<2000000x64xf32, #tpu.memory_space<hbm>>) target(%dma_start3A_493 : memref<80x64xf32, #tpu.memory_space<vmem>>) offsets(%dma_start3A_496 : memref<80xi32, #tpu.memory_space<vmem>>) semaphore(%arg8 : memref<!tpu.dma_semaphore, #tpu.memory_space<semaphore_mem>>)
        %dma_start3A_500 = arith.constant 0 : i32
        %dma_start3A_501 = arith.constant 3 : i32
        %dma_start3A_502 = arith.constant 0 : i32
        %dma_start3A_503 = arith.constant 240 : i32
        %dma_start3A_504 = arith.constant 0 : i32
        %dma_start3A_505 = tpu.memref_slice %arg6[%dma_start3A_502, %dma_start3A_503, %dma_start3A_504] : memref<2x400x64xf32, #tpu.memory_space<vmem>> -> memref<1x80x64xf32, #tpu.memory_space<vmem>>
        %dma_start3A_506 = tpu.memref_squeeze %dma_start3A_505 : memref<1x80x64xf32, #tpu.memory_space<vmem>> -> memref<80x64xf32, #tpu.memory_space<vmem>>
        %dma_start3A_507 = arith.constant 0 : i32
        %dma_start3A_508 = tpu.memref_slice %arg5[%dma_start3A_500, %dma_start3A_501, %dma_start3A_507] : memref<2x5x80xi32, #tpu.memory_space<vmem>> -> memref<1x1x80xi32, #tpu.memory_space<vmem>>
        %dma_start3A_509 = tpu.memref_squeeze %dma_start3A_508 : memref<1x1x80xi32, #tpu.memory_space<vmem>> -> memref<80xi32, #tpu.memory_space<vmem>>
        %dma_start3A_510 = arith.constant 0 : i32
        %dma_start3A_511 = arith.constant 0 : i32
        %dma_start3A_512 = tpu.memref_slice %arg3[%dma_start3A_510, %dma_start3A_511] : memref<2000000x64xf32, #tpu.memory_space<hbm>> -> memref<2000000x64xf32, #tpu.memory_space<hbm>>
        tpu.enqueue_indirect_dma source(%dma_start3A_512 : memref<2000000x64xf32, #tpu.memory_space<hbm>>) target(%dma_start3A_506 : memref<80x64xf32, #tpu.memory_space<vmem>>) offsets(%dma_start3A_509 : memref<80xi32, #tpu.memory_space<vmem>>) semaphore(%arg8 : memref<!tpu.dma_semaphore, #tpu.memory_space<semaphore_mem>>)
        %dma_start3A_513 = arith.constant 0 : i32
        %dma_start3A_514 = arith.constant 4 : i32
        %dma_start3A_515 = arith.constant 0 : i32
        %dma_start3A_516 = arith.constant 320 : i32
        %dma_start3A_517 = arith.constant 0 : i32
        %dma_start3A_518 = tpu.memref_slice %arg6[%dma_start3A_515, %dma_start3A_516, %dma_start3A_517] : memref<2x400x64xf32, #tpu.memory_space<vmem>> -> memref<1x80x64xf32, #tpu.memory_space<vmem>>
        %dma_start3A_519 = tpu.memref_squeeze %dma_start3A_518 : memref<1x80x64xf32, #tpu.memory_space<vmem>> -> memref<80x64xf32, #tpu.memory_space<vmem>>
        %dma_start3A_520 = arith.constant 0 : i32
        %dma_start3A_521 = tpu.memref_slice %arg5[%dma_start3A_513, %dma_start3A_514, %dma_start3A_520] : memref<2x5x80xi32, #tpu.memory_space<vmem>> -> memref<1x1x80xi32, #tpu.memory_space<vmem>>
        %dma_start3A_522 = tpu.memref_squeeze %dma_start3A_521 : memref<1x1x80xi32, #tpu.memory_space<vmem>> -> memref<80xi32, #tpu.memory_space<vmem>>
        %dma_start3A_523 = arith.constant 0 : i32
        %dma_start3A_524 = arith.constant 0 : i32
        %dma_start3A_525 = tpu.memref_slice %arg3[%dma_start3A_523, %dma_start3A_524] : memref<2000000x64xf32, #tpu.memory_space<hbm>> -> memref<2000000x64xf32, #tpu.memory_space<hbm>>
        tpu.enqueue_indirect_dma source(%dma_start3A_525 : memref<2000000x64xf32, #tpu.memory_space<hbm>>) target(%dma_start3A_519 : memref<80x64xf32, #tpu.memory_space<vmem>>) offsets(%dma_start3A_522 : memref<80xi32, #tpu.memory_space<vmem>>) semaphore(%arg8 : memref<!tpu.dma_semaphore, #tpu.memory_space<semaphore_mem>>)
      } else {
      }
      %dma_wait3A_302 = arith.constant 1 : i32
      %dma_wait3A_303 = arith.constant 0 : i32
      %dma_wait3A_304 = arith.constant 1 : i32
      %dma_wait3A_305 = arith.constant 0 : i32
      %dma_wait3A_306 = arith.constant 0 : i32
      %dma_wait3A_307 = tpu.memref_slice %arg6[%dma_wait3A_304, %dma_wait3A_305, %dma_wait3A_306] : memref<2x400x64xf32, #tpu.memory_space<vmem>> -> memref<1x80x64xf32, #tpu.memory_space<vmem>>
      %dma_wait3A_308 = tpu.memref_squeeze %dma_wait3A_307 : memref<1x80x64xf32, #tpu.memory_space<vmem>> -> memref<80x64xf32, #tpu.memory_space<vmem>>
      %dma_wait3A_309 = arith.constant 0 : i32
      %dma_wait3A_310 = tpu.memref_slice %arg5[%dma_wait3A_302, %dma_wait3A_303, %dma_wait3A_309] : memref<2x5x80xi32, #tpu.memory_space<vmem>> -> memref<1x1x80xi32, #tpu.memory_space<vmem>>
      %dma_wait3A_311 = tpu.memref_squeeze %dma_wait3A_310 : memref<1x1x80xi32, #tpu.memory_space<vmem>> -> memref<80xi32, #tpu.memory_space<vmem>>
      %dma_wait3A_312 = arith.constant 0 : i32
      %dma_wait3A_313 = arith.constant 0 : i32
      %dma_wait3A_314 = tpu.memref_slice %arg3[%dma_wait3A_312, %dma_wait3A_313] : memref<2000000x64xf32, #tpu.memory_space<hbm>> -> memref<2000000x64xf32, #tpu.memory_space<hbm>>
      tpu.wait_indirect_dma semaphore(%arg9 : memref<!tpu.dma_semaphore, #tpu.memory_space<semaphore_mem>>) src(%dma_wait3A_314 : memref<2000000x64xf32, #tpu.memory_space<hbm>>) dst(%dma_wait3A_308 : memref<80x64xf32, #tpu.memory_space<vmem>>)
      %dma_wait3A_315 = arith.constant 1 : i32
      %dma_wait3A_316 = arith.constant 1 : i32
      %dma_wait3A_317 = arith.constant 1 : i32
      %dma_wait3A_318 = arith.constant 80 : i32
      %dma_wait3A_319 = arith.constant 0 : i32
      %dma_wait3A_320 = tpu.memref_slice %arg6[%dma_wait3A_317, %dma_wait3A_318, %dma_wait3A_319] : memref<2x400x64xf32, #tpu.memory_space<vmem>> -> memref<1x80x64xf32, #tpu.memory_space<vmem>>
      %dma_wait3A_321 = tpu.memref_squeeze %dma_wait3A_320 : memref<1x80x64xf32, #tpu.memory_space<vmem>> -> memref<80x64xf32, #tpu.memory_space<vmem>>
      %dma_wait3A_322 = arith.constant 0 : i32
      %dma_wait3A_323 = tpu.memref_slice %arg5[%dma_wait3A_315, %dma_wait3A_316, %dma_wait3A_322] : memref<2x5x80xi32, #tpu.memory_space<vmem>> -> memref<1x1x80xi32, #tpu.memory_space<vmem>>
      %dma_wait3A_324 = tpu.memref_squeeze %dma_wait3A_323 : memref<1x1x80xi32, #tpu.memory_space<vmem>> -> memref<80xi32, #tpu.memory_space<vmem>>
      %dma_wait3A_325 = arith.constant 0 : i32
      %dma_wait3A_326 = arith.constant 0 : i32
      %dma_wait3A_327 = tpu.memref_slice %arg3[%dma_wait3A_325, %dma_wait3A_326] : memref<2000000x64xf32, #tpu.memory_space<hbm>> -> memref<2000000x64xf32, #tpu.memory_space<hbm>>
      tpu.wait_indirect_dma semaphore(%arg9 : memref<!tpu.dma_semaphore, #tpu.memory_space<semaphore_mem>>) src(%dma_wait3A_327 : memref<2000000x64xf32, #tpu.memory_space<hbm>>) dst(%dma_wait3A_321 : memref<80x64xf32, #tpu.memory_space<vmem>>)
      %dma_wait3A_328 = arith.constant 1 : i32
      %dma_wait3A_329 = arith.constant 2 : i32
      %dma_wait3A_330 = arith.constant 1 : i32
      %dma_wait3A_331 = arith.constant 160 : i32
      %dma_wait3A_332 = arith.constant 0 : i32
      %dma_wait3A_333 = tpu.memref_slice %arg6[%dma_wait3A_330, %dma_wait3A_331, %dma_wait3A_332] : memref<2x400x64xf32, #tpu.memory_space<vmem>> -> memref<1x80x64xf32, #tpu.memory_space<vmem>>
      %dma_wait3A_334 = tpu.memref_squeeze %dma_wait3A_333 : memref<1x80x64xf32, #tpu.memory_space<vmem>> -> memref<80x64xf32, #tpu.memory_space<vmem>>
      %dma_wait3A_335 = arith.constant 0 : i32
      %dma_wait3A_336 = tpu.memref_slice %arg5[%dma_wait3A_328, %dma_wait3A_329, %dma_wait3A_335] : memref<2x5x80xi32, #tpu.memory_space<vmem>> -> memref<1x1x80xi32, #tpu.memory_space<vmem>>
      %dma_wait3A_337 = tpu.memref_squeeze %dma_wait3A_336 : memref<1x1x80xi32, #tpu.memory_space<vmem>> -> memref<80xi32, #tpu.memory_space<vmem>>
      %dma_wait3A_338 = arith.constant 0 : i32
      %dma_wait3A_339 = arith.constant 0 : i32
      %dma_wait3A_340 = tpu.memref_slice %arg3[%dma_wait3A_338, %dma_wait3A_339] : memref<2000000x64xf32, #tpu.memory_space<hbm>> -> memref<2000000x64xf32, #tpu.memory_space<hbm>>
      tpu.wait_indirect_dma semaphore(%arg9 : memref<!tpu.dma_semaphore, #tpu.memory_space<semaphore_mem>>) src(%dma_wait3A_340 : memref<2000000x64xf32, #tpu.memory_space<hbm>>) dst(%dma_wait3A_334 : memref<80x64xf32, #tpu.memory_space<vmem>>)
      %dma_wait3A_341 = arith.constant 1 : i32
      %dma_wait3A_342 = arith.constant 3 : i32
      %dma_wait3A_343 = arith.constant 1 : i32
      %dma_wait3A_344 = arith.constant 240 : i32
      %dma_wait3A_345 = arith.constant 0 : i32
      %dma_wait3A_346 = tpu.memref_slice %arg6[%dma_wait3A_343, %dma_wait3A_344, %dma_wait3A_345] : memref<2x400x64xf32, #tpu.memory_space<vmem>> -> memref<1x80x64xf32, #tpu.memory_space<vmem>>
      %dma_wait3A_347 = tpu.memref_squeeze %dma_wait3A_346 : memref<1x80x64xf32, #tpu.memory_space<vmem>> -> memref<80x64xf32, #tpu.memory_space<vmem>>
      %dma_wait3A_348 = arith.constant 0 : i32
      %dma_wait3A_349 = tpu.memref_slice %arg5[%dma_wait3A_341, %dma_wait3A_342, %dma_wait3A_348] : memref<2x5x80xi32, #tpu.memory_space<vmem>> -> memref<1x1x80xi32, #tpu.memory_space<vmem>>
      %dma_wait3A_350 = tpu.memref_squeeze %dma_wait3A_349 : memref<1x1x80xi32, #tpu.memory_space<vmem>> -> memref<80xi32, #tpu.memory_space<vmem>>
      %dma_wait3A_351 = arith.constant 0 : i32
      %dma_wait3A_352 = arith.constant 0 : i32
      %dma_wait3A_353 = tpu.memref_slice %arg3[%dma_wait3A_351, %dma_wait3A_352] : memref<2000000x64xf32, #tpu.memory_space<hbm>> -> memref<2000000x64xf32, #tpu.memory_space<hbm>>
      tpu.wait_indirect_dma semaphore(%arg9 : memref<!tpu.dma_semaphore, #tpu.memory_space<semaphore_mem>>) src(%dma_wait3A_353 : memref<2000000x64xf32, #tpu.memory_space<hbm>>) dst(%dma_wait3A_347 : memref<80x64xf32, #tpu.memory_space<vmem>>)
      %dma_wait3A_354 = arith.constant 1 : i32
      %dma_wait3A_355 = arith.constant 4 : i32
      %dma_wait3A_356 = arith.constant 1 : i32
      %dma_wait3A_357 = arith.constant 320 : i32
      %dma_wait3A_358 = arith.constant 0 : i32
      %dma_wait3A_359 = tpu.memref_slice %arg6[%dma_wait3A_356, %dma_wait3A_357, %dma_wait3A_358] : memref<2x400x64xf32, #tpu.memory_space<vmem>> -> memref<1x80x64xf32, #tpu.memory_space<vmem>>
      %dma_wait3A_360 = tpu.memref_squeeze %dma_wait3A_359 : memref<1x80x64xf32, #tpu.memory_space<vmem>> -> memref<80x64xf32, #tpu.memory_space<vmem>>
      %dma_wait3A_361 = arith.constant 0 : i32
      %dma_wait3A_362 = tpu.memref_slice %arg5[%dma_wait3A_354, %dma_wait3A_355, %dma_wait3A_361] : memref<2x5x80xi32, #tpu.memory_space<vmem>> -> memref<1x1x80xi32, #tpu.memory_space<vmem>>
      %dma_wait3A_363 = tpu.memref_squeeze %dma_wait3A_362 : memref<1x1x80xi32, #tpu.memory_space<vmem>> -> memref<80xi32, #tpu.memory_space<vmem>>
      %dma_wait3A_364 = arith.constant 0 : i32
      %dma_wait3A_365 = arith.constant 0 : i32
      %dma_wait3A_366 = tpu.memref_slice %arg3[%dma_wait3A_364, %dma_wait3A_365] : memref<2000000x64xf32, #tpu.memory_space<hbm>> -> memref<2000000x64xf32, #tpu.memory_space<hbm>>
      tpu.wait_indirect_dma semaphore(%arg9 : memref<!tpu.dma_semaphore, #tpu.memory_space<semaphore_mem>>) src(%dma_wait3A_366 : memref<2000000x64xf32, #tpu.memory_space<hbm>>) dst(%dma_wait3A_360 : memref<80x64xf32, #tpu.memory_space<vmem>>)
      %add3A_367 = arith.constant 1 : i32
      %add3A_368 = arith.addi %mul3A_78, %add3A_367 : i32
      %broadcast_in_dim3A_369 = arith.constant 0.000000e+00 : f32
      %broadcast_in_dim3A_370 = vector.broadcast %broadcast_in_dim3A_369 : f32 to vector<16xf32>
      %scan3A_371 = arith.constant 0 : i32
      %scan3A_372 = arith.constant 25 : i32
      %scan3A_373 = arith.addi %scan3A_371, %scan3A_372 : i32
      %scan3A_374 = arith.constant 1 : i32
      %scan3A_375:4 = scf.for %scan3A_457 = %scan3A_371 to %scan3A_373 step %scan3A_374 iter_args(%scan3A_458 = %broadcast_in_dim3A_370, %scan3A_459 = %broadcast_in_dim3A_370, %scan3A_460 = %broadcast_in_dim3A_370, %scan3A_461 = %broadcast_in_dim3A_370) -> (vector<16xf32>, vector<16xf32>, vector<16xf32>, vector<16xf32>)  : i32 {
        %mul3A_462 = arith.constant 8 : i32
        %mul3A_463 = arith.muli %scan3A_457, %mul3A_462 : i32
        %add3A_464 = arith.constant 0 : i32
        %add3A_465 = arith.addi %add3A_464, %mul3A_463 : i32
        %add3A_466 = arith.constant 0 : i32
        %add3A_467 = arith.addi %add3A_465, %add3A_466 : i32
        %get3A = arith.constant 1 : i32
        %get3A_468 = arith.index_cast %get3A : i32 to index
        %get3A_469 = arith.index_cast %add3A_467 : i32 to index
        %get3A_470 = arith.constant 0 : index
        %get3A_471 = tpu.vector_load %arg6[%get3A_468, %get3A_469, %get3A_470] {strides = array<i32>} : memref<2x400x64xf32, #tpu.memory_space<vmem>>, vector<1x1x16xf32>,
        %get3A_472 = vector.shape_cast %get3A_471 : vector<1x1x16xf32> to vector<16xf32>
        %add3A_473 = arith.addf %scan3A_458, %get3A_472 : vector<16xf32>
        %add3A_474 = arith.constant 1 : i32
        %add3A_475 = arith.addi %add3A_465, %add3A_474 : i32
        %get3A_476 = arith.constant 1 : i32
        %get3A_477 = arith.index_cast %get3A_476 : i32 to index
        %get3A_478 = arith.index_cast %add3A_475 : i32 to index
        %get3A_479 = arith.constant 0 : index
        %get3A_480 = tpu.vector_load %arg6[%get3A_477, %get3A_478, %get3A_479] {strides = array<i32>} : memref<2x400x64xf32, #tpu.memory_space<vmem>>, vector<1x1x16xf32>,
        %get3A_481 = vector.shape_cast %get3A_480 : vector<1x1x16xf32> to vector<16xf32>
        %add3A_482 = arith.addf %add3A_473, %get3A_481 : vector<16xf32>
        %add3A_483 = arith.constant 2 : i32
        %add3A_484 = arith.addi %add3A_465, %add3A_483 : i32
        %get3A_485 = arith.constant 1 : i32
        %get3A_486 = arith.index_cast %get3A_485 : i32 to index
        %get3A_487 = arith.index_cast %add3A_484 : i32 to index
        %get3A_488 = arith.constant 0 : index
        %get3A_489 = tpu.vector_load %arg6[%get3A_486, %get3A_487, %get3A_488] {strides = array<i32>} : memref<2x400x64xf32, #tpu.memory_space<vmem>>, vector<1x1x16xf32>,
        %get3A_490 = vector.shape_cast %get3A_489 : vector<1x1x16xf32> to vector<16xf32>
        %add3A_491 = arith.addf %add3A_482, %get3A_490 : vector<16xf32>
        %add3A_492 = arith.constant 3 : i32
        %add3A_493 = arith.addi %add3A_465, %add3A_492 : i32
        %get3A_494 = arith.constant 1 : i32
        %get3A_495 = arith.index_cast %get3A_494 : i32 to index
        %get3A_496 = arith.index_cast %add3A_493 : i32 to index
        %get3A_497 = arith.constant 0 : index
        %get3A_498 = tpu.vector_load %arg6[%get3A_495, %get3A_496, %get3A_497] {strides = array<i32>} : memref<2x400x64xf32, #tpu.memory_space<vmem>>, vector<1x1x16xf32>,
        %get3A_499 = vector.shape_cast %get3A_498 : vector<1x1x16xf32> to vector<16xf32>
        %add3A_500 = arith.addf %add3A_491, %get3A_499 : vector<16xf32>
        %add3A_501 = arith.constant 4 : i32
        %add3A_502 = arith.addi %add3A_465, %add3A_501 : i32
        %get3A_503 = arith.constant 1 : i32
        %get3A_504 = arith.index_cast %get3A_503 : i32 to index
        %get3A_505 = arith.index_cast %add3A_502 : i32 to index
        %get3A_506 = arith.constant 0 : index
        %get3A_507 = tpu.vector_load %arg6[%get3A_504, %get3A_505, %get3A_506] {strides = array<i32>} : memref<2x400x64xf32, #tpu.memory_space<vmem>>, vector<1x1x16xf32>,
        %get3A_508 = vector.shape_cast %get3A_507 : vector<1x1x16xf32> to vector<16xf32>
        %add3A_509 = arith.addf %add3A_500, %get3A_508 : vector<16xf32>
        %add3A_510 = arith.constant 5 : i32
        %add3A_511 = arith.addi %add3A_465, %add3A_510 : i32
        %get3A_512 = arith.constant 1 : i32
        %get3A_513 = arith.index_cast %get3A_512 : i32 to index
        %get3A_514 = arith.index_cast %add3A_511 : i32 to index
        %get3A_515 = arith.constant 0 : index
        %get3A_516 = tpu.vector_load %arg6[%get3A_513, %get3A_514, %get3A_515] {strides = array<i32>} : memref<2x400x64xf32, #tpu.memory_space<vmem>>, vector<1x1x16xf32>,
        %get3A_517 = vector.shape_cast %get3A_516 : vector<1x1x16xf32> to vector<16xf32>
        %add3A_518 = arith.addf %add3A_509, %get3A_517 : vector<16xf32>
        %add3A_519 = arith.constant 6 : i32
        %add3A_520 = arith.addi %add3A_465, %add3A_519 : i32
        %get3A_521 = arith.constant 1 : i32
        %get3A_522 = arith.index_cast %get3A_521 : i32 to index
        %get3A_523 = arith.index_cast %add3A_520 : i32 to index
        %get3A_524 = arith.constant 0 : index
        %get3A_525 = tpu.vector_load %arg6[%get3A_522, %get3A_523, %get3A_524] {strides = array<i32>} : memref<2x400x64xf32, #tpu.memory_space<vmem>>, vector<1x1x16xf32>,
        %get3A_526 = vector.shape_cast %get3A_525 : vector<1x1x16xf32> to vector<16xf32>
        %add3A_527 = arith.addf %add3A_518, %get3A_526 : vector<16xf32>
        %add3A_528 = arith.constant 7 : i32
        %add3A_529 = arith.addi %add3A_465, %add3A_528 : i32
        %get3A_530 = arith.constant 1 : i32
        %get3A_531 = arith.index_cast %get3A_530 : i32 to index
        %get3A_532 = arith.index_cast %add3A_529 : i32 to index
        %get3A_533 = arith.constant 0 : index
        %get3A_534 = tpu.vector_load %arg6[%get3A_531, %get3A_532, %get3A_533] {strides = array<i32>} : memref<2x400x64xf32, #tpu.memory_space<vmem>>, vector<1x1x16xf32>,
        %get3A_535 = vector.shape_cast %get3A_534 : vector<1x1x16xf32> to vector<16xf32>
        %add3A_536 = arith.addf %add3A_527, %get3A_535 : vector<16xf32>
        %add3A_537 = arith.constant 0 : i32
        %add3A_538 = arith.addi %add3A_465, %add3A_537 : i32
        %get3A_539 = arith.constant 1 : i32
        %get3A_540 = arith.index_cast %get3A_539 : i32 to index
        %get3A_541 = arith.index_cast %add3A_538 : i32 to index
        %get3A_542 = arith.constant 16 : index
        %get3A_543 = tpu.vector_load %arg6[%get3A_540, %get3A_541, %get3A_542] {strides = array<i32>} : memref<2x400x64xf32, #tpu.memory_space<vmem>>, vector<1x1x16xf32>,
        %get3A_544 = vector.shape_cast %get3A_543 : vector<1x1x16xf32> to vector<16xf32>
        %add3A_545 = arith.addf %scan3A_459, %get3A_544 : vector<16xf32>
        %add3A_546 = arith.constant 1 : i32
        %add3A_547 = arith.addi %add3A_465, %add3A_546 : i32
        %get3A_548 = arith.constant 1 : i32
        %get3A_549 = arith.index_cast %get3A_548 : i32 to index
        %get3A_550 = arith.index_cast %add3A_547 : i32 to index
        %get3A_551 = arith.constant 16 : index
        %get3A_552 = tpu.vector_load %arg6[%get3A_549, %get3A_550, %get3A_551] {strides = array<i32>} : memref<2x400x64xf32, #tpu.memory_space<vmem>>, vector<1x1x16xf32>,
        %get3A_553 = vector.shape_cast %get3A_552 : vector<1x1x16xf32> to vector<16xf32>
        %add3A_554 = arith.addf %add3A_545, %get3A_553 : vector<16xf32>
        %add3A_555 = arith.constant 2 : i32
        %add3A_556 = arith.addi %add3A_465, %add3A_555 : i32
        %get3A_557 = arith.constant 1 : i32
        %get3A_558 = arith.index_cast %get3A_557 : i32 to index
        %get3A_559 = arith.index_cast %add3A_556 : i32 to index
        %get3A_560 = arith.constant 16 : index
        %get3A_561 = tpu.vector_load %arg6[%get3A_558, %get3A_559, %get3A_560] {strides = array<i32>} : memref<2x400x64xf32, #tpu.memory_space<vmem>>, vector<1x1x16xf32>,
        %get3A_562 = vector.shape_cast %get3A_561 : vector<1x1x16xf32> to vector<16xf32>
        %add3A_563 = arith.addf %add3A_554, %get3A_562 : vector<16xf32>
        %add3A_564 = arith.constant 3 : i32
        %add3A_565 = arith.addi %add3A_465, %add3A_564 : i32
        %get3A_566 = arith.constant 1 : i32
        %get3A_567 = arith.index_cast %get3A_566 : i32 to index
        %get3A_568 = arith.index_cast %add3A_565 : i32 to index
        %get3A_569 = arith.constant 16 : index
        %get3A_570 = tpu.vector_load %arg6[%get3A_567, %get3A_568, %get3A_569] {strides = array<i32>} : memref<2x400x64xf32, #tpu.memory_space<vmem>>, vector<1x1x16xf32>,
        %get3A_571 = vector.shape_cast %get3A_570 : vector<1x1x16xf32> to vector<16xf32>
        %add3A_572 = arith.addf %add3A_563, %get3A_571 : vector<16xf32>
        %add3A_573 = arith.constant 4 : i32
        %add3A_574 = arith.addi %add3A_465, %add3A_573 : i32
        %get3A_575 = arith.constant 1 : i32
        %get3A_576 = arith.index_cast %get3A_575 : i32 to index
        %get3A_577 = arith.index_cast %add3A_574 : i32 to index
        %get3A_578 = arith.constant 16 : index
        %get3A_579 = tpu.vector_load %arg6[%get3A_576, %get3A_577, %get3A_578] {strides = array<i32>} : memref<2x400x64xf32, #tpu.memory_space<vmem>>, vector<1x1x16xf32>,
        %get3A_580 = vector.shape_cast %get3A_579 : vector<1x1x16xf32> to vector<16xf32>
        %add3A_581 = arith.addf %add3A_572, %get3A_580 : vector<16xf32>
        %add3A_582 = arith.constant 5 : i32
        %add3A_583 = arith.addi %add3A_465, %add3A_582 : i32
        %get3A_584 = arith.constant 1 : i32
        %get3A_585 = arith.index_cast %get3A_584 : i32 to index
        %get3A_586 = arith.index_cast %add3A_583 : i32 to index
        %get3A_587 = arith.constant 16 : index
        %get3A_588 = tpu.vector_load %arg6[%get3A_585, %get3A_586, %get3A_587] {strides = array<i32>} : memref<2x400x64xf32, #tpu.memory_space<vmem>>, vector<1x1x16xf32>,
        %get3A_589 = vector.shape_cast %get3A_588 : vector<1x1x16xf32> to vector<16xf32>
        %add3A_590 = arith.addf %add3A_581, %get3A_589 : vector<16xf32>
        %add3A_591 = arith.constant 6 : i32
        %add3A_592 = arith.addi %add3A_465, %add3A_591 : i32
        %get3A_593 = arith.constant 1 : i32
        %get3A_594 = arith.index_cast %get3A_593 : i32 to index
        %get3A_595 = arith.index_cast %add3A_592 : i32 to index
        %get3A_596 = arith.constant 16 : index
        %get3A_597 = tpu.vector_load %arg6[%get3A_594, %get3A_595, %get3A_596] {strides = array<i32>} : memref<2x400x64xf32, #tpu.memory_space<vmem>>, vector<1x1x16xf32>,
        %get3A_598 = vector.shape_cast %get3A_597 : vector<1x1x16xf32> to vector<16xf32>
        %add3A_599 = arith.addf %add3A_590, %get3A_598 : vector<16xf32>
        %add3A_600 = arith.constant 7 : i32
        %add3A_601 = arith.addi %add3A_465, %add3A_600 : i32
        %get3A_602 = arith.constant 1 : i32
        %get3A_603 = arith.index_cast %get3A_602 : i32 to index
        %get3A_604 = arith.index_cast %add3A_601 : i32 to index
        %get3A_605 = arith.constant 16 : index
        %get3A_606 = tpu.vector_load %arg6[%get3A_603, %get3A_604, %get3A_605] {strides = array<i32>} : memref<2x400x64xf32, #tpu.memory_space<vmem>>, vector<1x1x16xf32>,
        %get3A_607 = vector.shape_cast %get3A_606 : vector<1x1x16xf32> to vector<16xf32>
        %add3A_608 = arith.addf %add3A_599, %get3A_607 : vector<16xf32>
        %add3A_609 = arith.constant 0 : i32
        %add3A_610 = arith.addi %add3A_465, %add3A_609 : i32
        %get3A_611 = arith.constant 1 : i32
        %get3A_612 = arith.index_cast %get3A_611 : i32 to index
        %get3A_613 = arith.index_cast %add3A_610 : i32 to index
        %get3A_614 = arith.constant 32 : index
        %get3A_615 = tpu.vector_load %arg6[%get3A_612, %get3A_613, %get3A_614] {strides = array<i32>} : memref<2x400x64xf32, #tpu.memory_space<vmem>>, vector<1x1x16xf32>,
        %get3A_616 = vector.shape_cast %get3A_615 : vector<1x1x16xf32> to vector<16xf32>
        %add3A_617 = arith.addf %scan3A_460, %get3A_616 : vector<16xf32>
        %add3A_618 = arith.constant 1 : i32
        %add3A_619 = arith.addi %add3A_465, %add3A_618 : i32
        %get3A_620 = arith.constant 1 : i32
        %get3A_621 = arith.index_cast %get3A_620 : i32 to index
        %get3A_622 = arith.index_cast %add3A_619 : i32 to index
        %get3A_623 = arith.constant 32 : index
        %get3A_624 = tpu.vector_load %arg6[%get3A_621, %get3A_622, %get3A_623] {strides = array<i32>} : memref<2x400x64xf32, #tpu.memory_space<vmem>>, vector<1x1x16xf32>,
        %get3A_625 = vector.shape_cast %get3A_624 : vector<1x1x16xf32> to vector<16xf32>
        %add3A_626 = arith.addf %add3A_617, %get3A_625 : vector<16xf32>
        %add3A_627 = arith.constant 2 : i32
        %add3A_628 = arith.addi %add3A_465, %add3A_627 : i32
        %get3A_629 = arith.constant 1 : i32
        %get3A_630 = arith.index_cast %get3A_629 : i32 to index
        %get3A_631 = arith.index_cast %add3A_628 : i32 to index
        %get3A_632 = arith.constant 32 : index
        %get3A_633 = tpu.vector_load %arg6[%get3A_630, %get3A_631, %get3A_632] {strides = array<i32>} : memref<2x400x64xf32, #tpu.memory_space<vmem>>, vector<1x1x16xf32>,
        %get3A_634 = vector.shape_cast %get3A_633 : vector<1x1x16xf32> to vector<16xf32>
        %add3A_635 = arith.addf %add3A_626, %get3A_634 : vector<16xf32>
        %add3A_636 = arith.constant 3 : i32
        %add3A_637 = arith.addi %add3A_465, %add3A_636 : i32
        %get3A_638 = arith.constant 1 : i32
        %get3A_639 = arith.index_cast %get3A_638 : i32 to index
        %get3A_640 = arith.index_cast %add3A_637 : i32 to index
        %get3A_641 = arith.constant 32 : index
        %get3A_642 = tpu.vector_load %arg6[%get3A_639, %get3A_640, %get3A_641] {strides = array<i32>} : memref<2x400x64xf32, #tpu.memory_space<vmem>>, vector<1x1x16xf32>,
        %get3A_643 = vector.shape_cast %get3A_642 : vector<1x1x16xf32> to vector<16xf32>
        %add3A_644 = arith.addf %add3A_635, %get3A_643 : vector<16xf32>
        %add3A_645 = arith.constant 4 : i32
        %add3A_646 = arith.addi %add3A_465, %add3A_645 : i32
        %get3A_647 = arith.constant 1 : i32
        %get3A_648 = arith.index_cast %get3A_647 : i32 to index
        %get3A_649 = arith.index_cast %add3A_646 : i32 to index
        %get3A_650 = arith.constant 32 : index
        %get3A_651 = tpu.vector_load %arg6[%get3A_648, %get3A_649, %get3A_650] {strides = array<i32>} : memref<2x400x64xf32, #tpu.memory_space<vmem>>, vector<1x1x16xf32>,
        %get3A_652 = vector.shape_cast %get3A_651 : vector<1x1x16xf32> to vector<16xf32>
        %add3A_653 = arith.addf %add3A_644, %get3A_652 : vector<16xf32>
        %add3A_654 = arith.constant 5 : i32
        %add3A_655 = arith.addi %add3A_465, %add3A_654 : i32
        %get3A_656 = arith.constant 1 : i32
        %get3A_657 = arith.index_cast %get3A_656 : i32 to index
        %get3A_658 = arith.index_cast %add3A_655 : i32 to index
        %get3A_659 = arith.constant 32 : index
        %get3A_660 = tpu.vector_load %arg6[%get3A_657, %get3A_658, %get3A_659] {strides = array<i32>} : memref<2x400x64xf32, #tpu.memory_space<vmem>>, vector<1x1x16xf32>,
        %get3A_661 = vector.shape_cast %get3A_660 : vector<1x1x16xf32> to vector<16xf32>
        %add3A_662 = arith.addf %add3A_653, %get3A_661 : vector<16xf32>
        %add3A_663 = arith.constant 6 : i32
        %add3A_664 = arith.addi %add3A_465, %add3A_663 : i32
        %get3A_665 = arith.constant 1 : i32
        %get3A_666 = arith.index_cast %get3A_665 : i32 to index
        %get3A_667 = arith.index_cast %add3A_664 : i32 to index
        %get3A_668 = arith.constant 32 : index
        %get3A_669 = tpu.vector_load %arg6[%get3A_666, %get3A_667, %get3A_668] {strides = array<i32>} : memref<2x400x64xf32, #tpu.memory_space<vmem>>, vector<1x1x16xf32>,
        %get3A_670 = vector.shape_cast %get3A_669 : vector<1x1x16xf32> to vector<16xf32>
        %add3A_671 = arith.addf %add3A_662, %get3A_670 : vector<16xf32>
        %add3A_672 = arith.constant 7 : i32
        %add3A_673 = arith.addi %add3A_465, %add3A_672 : i32
        %get3A_674 = arith.constant 1 : i32
        %get3A_675 = arith.index_cast %get3A_674 : i32 to index
        %get3A_676 = arith.index_cast %add3A_673 : i32 to index
        %get3A_677 = arith.constant 32 : index
        %get3A_678 = tpu.vector_load %arg6[%get3A_675, %get3A_676, %get3A_677] {strides = array<i32>} : memref<2x400x64xf32, #tpu.memory_space<vmem>>, vector<1x1x16xf32>,
        %get3A_679 = vector.shape_cast %get3A_678 : vector<1x1x16xf32> to vector<16xf32>
        %add3A_680 = arith.addf %add3A_671, %get3A_679 : vector<16xf32>
        %add3A_681 = arith.constant 0 : i32
        %add3A_682 = arith.addi %add3A_465, %add3A_681 : i32
        %get3A_683 = arith.constant 1 : i32
        %get3A_684 = arith.index_cast %get3A_683 : i32 to index
        %get3A_685 = arith.index_cast %add3A_682 : i32 to index
        %get3A_686 = arith.constant 48 : index
        %get3A_687 = tpu.vector_load %arg6[%get3A_684, %get3A_685, %get3A_686] {strides = array<i32>} : memref<2x400x64xf32, #tpu.memory_space<vmem>>, vector<1x1x16xf32>,
        %get3A_688 = vector.shape_cast %get3A_687 : vector<1x1x16xf32> to vector<16xf32>
        %add3A_689 = arith.addf %scan3A_461, %get3A_688 : vector<16xf32>
        %add3A_690 = arith.constant 1 : i32
        %add3A_691 = arith.addi %add3A_465, %add3A_690 : i32
        %get3A_692 = arith.constant 1 : i32
        %get3A_693 = arith.index_cast %get3A_692 : i32 to index
        %get3A_694 = arith.index_cast %add3A_691 : i32 to index
        %get3A_695 = arith.constant 48 : index
        %get3A_696 = tpu.vector_load %arg6[%get3A_693, %get3A_694, %get3A_695] {strides = array<i32>} : memref<2x400x64xf32, #tpu.memory_space<vmem>>, vector<1x1x16xf32>,
        %get3A_697 = vector.shape_cast %get3A_696 : vector<1x1x16xf32> to vector<16xf32>
        %add3A_698 = arith.addf %add3A_689, %get3A_697 : vector<16xf32>
        %add3A_699 = arith.constant 2 : i32
        %add3A_700 = arith.addi %add3A_465, %add3A_699 : i32
        %get3A_701 = arith.constant 1 : i32
        %get3A_702 = arith.index_cast %get3A_701 : i32 to index
        %get3A_703 = arith.index_cast %add3A_700 : i32 to index
        %get3A_704 = arith.constant 48 : index
        %get3A_705 = tpu.vector_load %arg6[%get3A_702, %get3A_703, %get3A_704] {strides = array<i32>} : memref<2x400x64xf32, #tpu.memory_space<vmem>>, vector<1x1x16xf32>,
        %get3A_706 = vector.shape_cast %get3A_705 : vector<1x1x16xf32> to vector<16xf32>
        %add3A_707 = arith.addf %add3A_698, %get3A_706 : vector<16xf32>
        %add3A_708 = arith.constant 3 : i32
        %add3A_709 = arith.addi %add3A_465, %add3A_708 : i32
        %get3A_710 = arith.constant 1 : i32
        %get3A_711 = arith.index_cast %get3A_710 : i32 to index
        %get3A_712 = arith.index_cast %add3A_709 : i32 to index
        %get3A_713 = arith.constant 48 : index
        %get3A_714 = tpu.vector_load %arg6[%get3A_711, %get3A_712, %get3A_713] {strides = array<i32>} : memref<2x400x64xf32, #tpu.memory_space<vmem>>, vector<1x1x16xf32>,
        %get3A_715 = vector.shape_cast %get3A_714 : vector<1x1x16xf32> to vector<16xf32>
        %add3A_716 = arith.addf %add3A_707, %get3A_715 : vector<16xf32>
        %add3A_717 = arith.constant 4 : i32
        %add3A_718 = arith.addi %add3A_465, %add3A_717 : i32
        %get3A_719 = arith.constant 1 : i32
        %get3A_720 = arith.index_cast %get3A_719 : i32 to index
        %get3A_721 = arith.index_cast %add3A_718 : i32 to index
        %get3A_722 = arith.constant 48 : index
        %get3A_723 = tpu.vector_load %arg6[%get3A_720, %get3A_721, %get3A_722] {strides = array<i32>} : memref<2x400x64xf32, #tpu.memory_space<vmem>>, vector<1x1x16xf32>,
        %get3A_724 = vector.shape_cast %get3A_723 : vector<1x1x16xf32> to vector<16xf32>
        %add3A_725 = arith.addf %add3A_716, %get3A_724 : vector<16xf32>
        %add3A_726 = arith.constant 5 : i32
        %add3A_727 = arith.addi %add3A_465, %add3A_726 : i32
        %get3A_728 = arith.constant 1 : i32
        %get3A_729 = arith.index_cast %get3A_728 : i32 to index
        %get3A_730 = arith.index_cast %add3A_727 : i32 to index
        %get3A_731 = arith.constant 48 : index
        %get3A_732 = tpu.vector_load %arg6[%get3A_729, %get3A_730, %get3A_731] {strides = array<i32>} : memref<2x400x64xf32, #tpu.memory_space<vmem>>, vector<1x1x16xf32>,
        %get3A_733 = vector.shape_cast %get3A_732 : vector<1x1x16xf32> to vector<16xf32>
        %add3A_734 = arith.addf %add3A_725, %get3A_733 : vector<16xf32>
        %add3A_735 = arith.constant 6 : i32
        %add3A_736 = arith.addi %add3A_465, %add3A_735 : i32
        %get3A_737 = arith.constant 1 : i32
        %get3A_738 = arith.index_cast %get3A_737 : i32 to index
        %get3A_739 = arith.index_cast %add3A_736 : i32 to index
        %get3A_740 = arith.constant 48 : index
        %get3A_741 = tpu.vector_load %arg6[%get3A_738, %get3A_739, %get3A_740] {strides = array<i32>} : memref<2x400x64xf32, #tpu.memory_space<vmem>>, vector<1x1x16xf32>,
        %get3A_742 = vector.shape_cast %get3A_741 : vector<1x1x16xf32> to vector<16xf32>
        %add3A_743 = arith.addf %add3A_734, %get3A_742 : vector<16xf32>
        %add3A_744 = arith.constant 7 : i32
        %add3A_745 = arith.addi %add3A_465, %add3A_744 : i32
        %get3A_746 = arith.constant 1 : i32
        %get3A_747 = arith.index_cast %get3A_746 : i32 to index
        %get3A_748 = arith.index_cast %add3A_745 : i32 to index
        %get3A_749 = arith.constant 48 : index
        %get3A_750 = tpu.vector_load %arg6[%get3A_747, %get3A_748, %get3A_749] {strides = array<i32>} : memref<2x400x64xf32, #tpu.memory_space<vmem>>, vector<1x1x16xf32>,
        %get3A_751 = vector.shape_cast %get3A_750 : vector<1x1x16xf32> to vector<16xf32>
        %add3A_752 = arith.addf %add3A_743, %get3A_751 : vector<16xf32>
        scf.yield %add3A_536, %add3A_608, %add3A_680, %add3A_752 : vector<16xf32>, vector<16xf32>, vector<16xf32>, vector<16xf32>
      }
      %scan3A_376 = arith.constant 25 : i32
      %mul3A_377 = arith.constant 2 : i32
      %mul3A_378 = arith.muli %add3A_368, %mul3A_377 : i32
      %add3A_379 = arith.constant 0 : i32
      %add3A_380 = arith.addi %mul3A_378, %add3A_379 : i32
      %swap3A_381 = arith.index_cast %add3A_380 : i32 to index
      %swap3A_382 = arith.constant 0 : index
      %swap3A_383 = tpu.vector_load %arg7[%swap3A_381, %swap3A_382] {strides = array<i32>} : memref<512x64xf32, #tpu.memory_space<vmem>>, vector<1x16xf32>,
      %swap3A_384 = vector.shape_cast %swap3A_383 : vector<1x16xf32> to vector<16xf32>
      %swap3A_385 = vector.shape_cast %scan3A_375#0 : vector<16xf32> to vector<1x16xf32>
      tpu.vector_store %arg7[%swap3A_381, %swap3A_382], %swap3A_385 {strides = array<i32>} : memref<512x64xf32, #tpu.memory_space<vmem>>, vector<1x16xf32>,
      %mul3A_386 = arith.constant 2 : i32
      %mul3A_387 = arith.muli %add3A_368, %mul3A_386 : i32
      %add3A_388 = arith.constant 0 : i32
      %add3A_389 = arith.addi %mul3A_387, %add3A_388 : i32
      %swap3A_390 = arith.index_cast %add3A_389 : i32 to index
      %swap3A_391 = arith.constant 16 : index
      %swap3A_392 = tpu.vector_load %arg7[%swap3A_390, %swap3A_391] {strides = array<i32>} : memref<512x64xf32, #tpu.memory_space<vmem>>, vector<1x16xf32>,
      %swap3A_393 = vector.shape_cast %swap3A_392 : vector<1x16xf32> to vector<16xf32>
      %swap3A_394 = vector.shape_cast %scan3A_375#1 : vector<16xf32> to vector<1x16xf32>
      tpu.vector_store %arg7[%swap3A_390, %swap3A_391], %swap3A_394 {strides = array<i32>} : memref<512x64xf32, #tpu.memory_space<vmem>>, vector<1x16xf32>,
      %mul3A_395 = arith.constant 2 : i32
      %mul3A_396 = arith.muli %add3A_368, %mul3A_395 : i32
      %add3A_397 = arith.constant 0 : i32
      %add3A_398 = arith.addi %mul3A_396, %add3A_397 : i32
      %swap3A_399 = arith.index_cast %add3A_398 : i32 to index
      %swap3A_400 = arith.constant 32 : index
      %swap3A_401 = tpu.vector_load %arg7[%swap3A_399, %swap3A_400] {strides = array<i32>} : memref<512x64xf32, #tpu.memory_space<vmem>>, vector<1x16xf32>,
      %swap3A_402 = vector.shape_cast %swap3A_401 : vector<1x16xf32> to vector<16xf32>
      %swap3A_403 = vector.shape_cast %scan3A_375#2 : vector<16xf32> to vector<1x16xf32>
      tpu.vector_store %arg7[%swap3A_399, %swap3A_400], %swap3A_403 {strides = array<i32>} : memref<512x64xf32, #tpu.memory_space<vmem>>, vector<1x16xf32>,
      %mul3A_404 = arith.constant 2 : i32
      %mul3A_405 = arith.muli %add3A_368, %mul3A_404 : i32
      %add3A_406 = arith.constant 0 : i32
      %add3A_407 = arith.addi %mul3A_405, %add3A_406 : i32
      %swap3A_408 = arith.index_cast %add3A_407 : i32 to index
      %swap3A_409 = arith.constant 48 : index
      %swap3A_410 = tpu.vector_load %arg7[%swap3A_408, %swap3A_409] {strides = array<i32>} : memref<512x64xf32, #tpu.memory_space<vmem>>, vector<1x16xf32>,
      %swap3A_411 = vector.shape_cast %swap3A_410 : vector<1x16xf32> to vector<16xf32>
      %swap3A_412 = vector.shape_cast %scan3A_375#3 : vector<16xf32> to vector<1x16xf32>
      tpu.vector_store %arg7[%swap3A_408, %swap3A_409], %swap3A_412 {strides = array<i32>} : memref<512x64xf32, #tpu.memory_space<vmem>>, vector<1x16xf32>,
      %broadcast_in_dim3A_413 = arith.constant 0.000000e+00 : f32
      %broadcast_in_dim3A_414 = vector.broadcast %broadcast_in_dim3A_413 : f32 to vector<16xf32>
      %scan3A_415 = arith.constant 0 : i32
      %scan3A_416 = arith.constant 25 : i32
      %scan3A_417 = arith.addi %scan3A_415, %scan3A_416 : i32
      %scan3A_418 = arith.constant 1 : i32
      %scan3A_419:4 = scf.for %scan3A_457 = %scan3A_415 to %scan3A_417 step %scan3A_418 iter_args(%scan3A_458 = %broadcast_in_dim3A_414, %scan3A_459 = %broadcast_in_dim3A_414, %scan3A_460 = %broadcast_in_dim3A_414, %scan3A_461 = %broadcast_in_dim3A_414) -> (vector<16xf32>, vector<16xf32>, vector<16xf32>, vector<16xf32>)  : i32 {
        %mul3A_462 = arith.constant 8 : i32
        %mul3A_463 = arith.muli %scan3A_457, %mul3A_462 : i32
        %add3A_464 = arith.constant 200 : i32
        %add3A_465 = arith.addi %add3A_464, %mul3A_463 : i32
        %add3A_466 = arith.constant 0 : i32
        %add3A_467 = arith.addi %add3A_465, %add3A_466 : i32
        %get3A = arith.constant 1 : i32
        %get3A_468 = arith.index_cast %get3A : i32 to index
        %get3A_469 = arith.index_cast %add3A_467 : i32 to index
        %get3A_470 = arith.constant 0 : index
        %get3A_471 = tpu.vector_load %arg6[%get3A_468, %get3A_469, %get3A_470] {strides = array<i32>} : memref<2x400x64xf32, #tpu.memory_space<vmem>>, vector<1x1x16xf32>,
        %get3A_472 = vector.shape_cast %get3A_471 : vector<1x1x16xf32> to vector<16xf32>
        %add3A_473 = arith.addf %scan3A_458, %get3A_472 : vector<16xf32>
        %add3A_474 = arith.constant 1 : i32
        %add3A_475 = arith.addi %add3A_465, %add3A_474 : i32
        %get3A_476 = arith.constant 1 : i32
        %get3A_477 = arith.index_cast %get3A_476 : i32 to index
        %get3A_478 = arith.index_cast %add3A_475 : i32 to index
        %get3A_479 = arith.constant 0 : index
        %get3A_480 = tpu.vector_load %arg6[%get3A_477, %get3A_478, %get3A_479] {strides = array<i32>} : memref<2x400x64xf32, #tpu.memory_space<vmem>>, vector<1x1x16xf32>,
        %get3A_481 = vector.shape_cast %get3A_480 : vector<1x1x16xf32> to vector<16xf32>
        %add3A_482 = arith.addf %add3A_473, %get3A_481 : vector<16xf32>
        %add3A_483 = arith.constant 2 : i32
        %add3A_484 = arith.addi %add3A_465, %add3A_483 : i32
        %get3A_485 = arith.constant 1 : i32
        %get3A_486 = arith.index_cast %get3A_485 : i32 to index
        %get3A_487 = arith.index_cast %add3A_484 : i32 to index
        %get3A_488 = arith.constant 0 : index
        %get3A_489 = tpu.vector_load %arg6[%get3A_486, %get3A_487, %get3A_488] {strides = array<i32>} : memref<2x400x64xf32, #tpu.memory_space<vmem>>, vector<1x1x16xf32>,
        %get3A_490 = vector.shape_cast %get3A_489 : vector<1x1x16xf32> to vector<16xf32>
        %add3A_491 = arith.addf %add3A_482, %get3A_490 : vector<16xf32>
        %add3A_492 = arith.constant 3 : i32
        %add3A_493 = arith.addi %add3A_465, %add3A_492 : i32
        %get3A_494 = arith.constant 1 : i32
        %get3A_495 = arith.index_cast %get3A_494 : i32 to index
        %get3A_496 = arith.index_cast %add3A_493 : i32 to index
        %get3A_497 = arith.constant 0 : index
        %get3A_498 = tpu.vector_load %arg6[%get3A_495, %get3A_496, %get3A_497] {strides = array<i32>} : memref<2x400x64xf32, #tpu.memory_space<vmem>>, vector<1x1x16xf32>,
        %get3A_499 = vector.shape_cast %get3A_498 : vector<1x1x16xf32> to vector<16xf32>
        %add3A_500 = arith.addf %add3A_491, %get3A_499 : vector<16xf32>
        %add3A_501 = arith.constant 4 : i32
        %add3A_502 = arith.addi %add3A_465, %add3A_501 : i32
        %get3A_503 = arith.constant 1 : i32
        %get3A_504 = arith.index_cast %get3A_503 : i32 to index
        %get3A_505 = arith.index_cast %add3A_502 : i32 to index
        %get3A_506 = arith.constant 0 : index
        %get3A_507 = tpu.vector_load %arg6[%get3A_504, %get3A_505, %get3A_506] {strides = array<i32>} : memref<2x400x64xf32, #tpu.memory_space<vmem>>, vector<1x1x16xf32>,
        %get3A_508 = vector.shape_cast %get3A_507 : vector<1x1x16xf32> to vector<16xf32>
        %add3A_509 = arith.addf %add3A_500, %get3A_508 : vector<16xf32>
        %add3A_510 = arith.constant 5 : i32
        %add3A_511 = arith.addi %add3A_465, %add3A_510 : i32
        %get3A_512 = arith.constant 1 : i32
        %get3A_513 = arith.index_cast %get3A_512 : i32 to index
        %get3A_514 = arith.index_cast %add3A_511 : i32 to index
        %get3A_515 = arith.constant 0 : index
        %get3A_516 = tpu.vector_load %arg6[%get3A_513, %get3A_514, %get3A_515] {strides = array<i32>} : memref<2x400x64xf32, #tpu.memory_space<vmem>>, vector<1x1x16xf32>,
        %get3A_517 = vector.shape_cast %get3A_516 : vector<1x1x16xf32> to vector<16xf32>
        %add3A_518 = arith.addf %add3A_509, %get3A_517 : vector<16xf32>
        %add3A_519 = arith.constant 6 : i32
        %add3A_520 = arith.addi %add3A_465, %add3A_519 : i32
        %get3A_521 = arith.constant 1 : i32
        %get3A_522 = arith.index_cast %get3A_521 : i32 to index
        %get3A_523 = arith.index_cast %add3A_520 : i32 to index
        %get3A_524 = arith.constant 0 : index
        %get3A_525 = tpu.vector_load %arg6[%get3A_522, %get3A_523, %get3A_524] {strides = array<i32>} : memref<2x400x64xf32, #tpu.memory_space<vmem>>, vector<1x1x16xf32>,
        %get3A_526 = vector.shape_cast %get3A_525 : vector<1x1x16xf32> to vector<16xf32>
        %add3A_527 = arith.addf %add3A_518, %get3A_526 : vector<16xf32>
        %add3A_528 = arith.constant 7 : i32
        %add3A_529 = arith.addi %add3A_465, %add3A_528 : i32
        %get3A_530 = arith.constant 1 : i32
        %get3A_531 = arith.index_cast %get3A_530 : i32 to index
        %get3A_532 = arith.index_cast %add3A_529 : i32 to index
        %get3A_533 = arith.constant 0 : index
        %get3A_534 = tpu.vector_load %arg6[%get3A_531, %get3A_532, %get3A_533] {strides = array<i32>} : memref<2x400x64xf32, #tpu.memory_space<vmem>>, vector<1x1x16xf32>,
        %get3A_535 = vector.shape_cast %get3A_534 : vector<1x1x16xf32> to vector<16xf32>
        %add3A_536 = arith.addf %add3A_527, %get3A_535 : vector<16xf32>
        %add3A_537 = arith.constant 0 : i32
        %add3A_538 = arith.addi %add3A_465, %add3A_537 : i32
        %get3A_539 = arith.constant 1 : i32
        %get3A_540 = arith.index_cast %get3A_539 : i32 to index
        %get3A_541 = arith.index_cast %add3A_538 : i32 to index
        %get3A_542 = arith.constant 16 : index
        %get3A_543 = tpu.vector_load %arg6[%get3A_540, %get3A_541, %get3A_542] {strides = array<i32>} : memref<2x400x64xf32, #tpu.memory_space<vmem>>, vector<1x1x16xf32>,
        %get3A_544 = vector.shape_cast %get3A_543 : vector<1x1x16xf32> to vector<16xf32>
        %add3A_545 = arith.addf %scan3A_459, %get3A_544 : vector<16xf32>
        %add3A_546 = arith.constant 1 : i32
        %add3A_547 = arith.addi %add3A_465, %add3A_546 : i32
        %get3A_548 = arith.constant 1 : i32
        %get3A_549 = arith.index_cast %get3A_548 : i32 to index
        %get3A_550 = arith.index_cast %add3A_547 : i32 to index
        %get3A_551 = arith.constant 16 : index
        %get3A_552 = tpu.vector_load %arg6[%get3A_549, %get3A_550, %get3A_551] {strides = array<i32>} : memref<2x400x64xf32, #tpu.memory_space<vmem>>, vector<1x1x16xf32>,
        %get3A_553 = vector.shape_cast %get3A_552 : vector<1x1x16xf32> to vector<16xf32>
        %add3A_554 = arith.addf %add3A_545, %get3A_553 : vector<16xf32>
        %add3A_555 = arith.constant 2 : i32
        %add3A_556 = arith.addi %add3A_465, %add3A_555 : i32
        %get3A_557 = arith.constant 1 : i32
        %get3A_558 = arith.index_cast %get3A_557 : i32 to index
        %get3A_559 = arith.index_cast %add3A_556 : i32 to index
        %get3A_560 = arith.constant 16 : index
        %get3A_561 = tpu.vector_load %arg6[%get3A_558, %get3A_559, %get3A_560] {strides = array<i32>} : memref<2x400x64xf32, #tpu.memory_space<vmem>>, vector<1x1x16xf32>,
        %get3A_562 = vector.shape_cast %get3A_561 : vector<1x1x16xf32> to vector<16xf32>
        %add3A_563 = arith.addf %add3A_554, %get3A_562 : vector<16xf32>
        %add3A_564 = arith.constant 3 : i32
        %add3A_565 = arith.addi %add3A_465, %add3A_564 : i32
        %get3A_566 = arith.constant 1 : i32
        %get3A_567 = arith.index_cast %get3A_566 : i32 to index
        %get3A_568 = arith.index_cast %add3A_565 : i32 to index
        %get3A_569 = arith.constant 16 : index
        %get3A_570 = tpu.vector_load %arg6[%get3A_567, %get3A_568, %get3A_569] {strides = array<i32>} : memref<2x400x64xf32, #tpu.memory_space<vmem>>, vector<1x1x16xf32>,
        %get3A_571 = vector.shape_cast %get3A_570 : vector<1x1x16xf32> to vector<16xf32>
        %add3A_572 = arith.addf %add3A_563, %get3A_571 : vector<16xf32>
        %add3A_573 = arith.constant 4 : i32
        %add3A_574 = arith.addi %add3A_465, %add3A_573 : i32
        %get3A_575 = arith.constant 1 : i32
        %get3A_576 = arith.index_cast %get3A_575 : i32 to index
        %get3A_577 = arith.index_cast %add3A_574 : i32 to index
        %get3A_578 = arith.constant 16 : index
        %get3A_579 = tpu.vector_load %arg6[%get3A_576, %get3A_577, %get3A_578] {strides = array<i32>} : memref<2x400x64xf32, #tpu.memory_space<vmem>>, vector<1x1x16xf32>,
        %get3A_580 = vector.shape_cast %get3A_579 : vector<1x1x16xf32> to vector<16xf32>
        %add3A_581 = arith.addf %add3A_572, %get3A_580 : vector<16xf32>
        %add3A_582 = arith.constant 5 : i32
        %add3A_583 = arith.addi %add3A_465, %add3A_582 : i32
        %get3A_584 = arith.constant 1 : i32
        %get3A_585 = arith.index_cast %get3A_584 : i32 to index
        %get3A_586 = arith.index_cast %add3A_583 : i32 to index
        %get3A_587 = arith.constant 16 : index
        %get3A_588 = tpu.vector_load %arg6[%get3A_585, %get3A_586, %get3A_587] {strides = array<i32>} : memref<2x400x64xf32, #tpu.memory_space<vmem>>, vector<1x1x16xf32>,
        %get3A_589 = vector.shape_cast %get3A_588 : vector<1x1x16xf32> to vector<16xf32>
        %add3A_590 = arith.addf %add3A_581, %get3A_589 : vector<16xf32>
        %add3A_591 = arith.constant 6 : i32
        %add3A_592 = arith.addi %add3A_465, %add3A_591 : i32
        %get3A_593 = arith.constant 1 : i32
        %get3A_594 = arith.index_cast %get3A_593 : i32 to index
        %get3A_595 = arith.index_cast %add3A_592 : i32 to index
        %get3A_596 = arith.constant 16 : index
        %get3A_597 = tpu.vector_load %arg6[%get3A_594, %get3A_595, %get3A_596] {strides = array<i32>} : memref<2x400x64xf32, #tpu.memory_space<vmem>>, vector<1x1x16xf32>,
        %get3A_598 = vector.shape_cast %get3A_597 : vector<1x1x16xf32> to vector<16xf32>
        %add3A_599 = arith.addf %add3A_590, %get3A_598 : vector<16xf32>
        %add3A_600 = arith.constant 7 : i32
        %add3A_601 = arith.addi %add3A_465, %add3A_600 : i32
        %get3A_602 = arith.constant 1 : i32
        %get3A_603 = arith.index_cast %get3A_602 : i32 to index
        %get3A_604 = arith.index_cast %add3A_601 : i32 to index
        %get3A_605 = arith.constant 16 : index
        %get3A_606 = tpu.vector_load %arg6[%get3A_603, %get3A_604, %get3A_605] {strides = array<i32>} : memref<2x400x64xf32, #tpu.memory_space<vmem>>, vector<1x1x16xf32>,
        %get3A_607 = vector.shape_cast %get3A_606 : vector<1x1x16xf32> to vector<16xf32>
        %add3A_608 = arith.addf %add3A_599, %get3A_607 : vector<16xf32>
        %add3A_609 = arith.constant 0 : i32
        %add3A_610 = arith.addi %add3A_465, %add3A_609 : i32
        %get3A_611 = arith.constant 1 : i32
        %get3A_612 = arith.index_cast %get3A_611 : i32 to index
        %get3A_613 = arith.index_cast %add3A_610 : i32 to index
        %get3A_614 = arith.constant 32 : index
        %get3A_615 = tpu.vector_load %arg6[%get3A_612, %get3A_613, %get3A_614] {strides = array<i32>} : memref<2x400x64xf32, #tpu.memory_space<vmem>>, vector<1x1x16xf32>,
        %get3A_616 = vector.shape_cast %get3A_615 : vector<1x1x16xf32> to vector<16xf32>
        %add3A_617 = arith.addf %scan3A_460, %get3A_616 : vector<16xf32>
        %add3A_618 = arith.constant 1 : i32
        %add3A_619 = arith.addi %add3A_465, %add3A_618 : i32
        %get3A_620 = arith.constant 1 : i32
        %get3A_621 = arith.index_cast %get3A_620 : i32 to index
        %get3A_622 = arith.index_cast %add3A_619 : i32 to index
        %get3A_623 = arith.constant 32 : index
        %get3A_624 = tpu.vector_load %arg6[%get3A_621, %get3A_622, %get3A_623] {strides = array<i32>} : memref<2x400x64xf32, #tpu.memory_space<vmem>>, vector<1x1x16xf32>,
        %get3A_625 = vector.shape_cast %get3A_624 : vector<1x1x16xf32> to vector<16xf32>
        %add3A_626 = arith.addf %add3A_617, %get3A_625 : vector<16xf32>
        %add3A_627 = arith.constant 2 : i32
        %add3A_628 = arith.addi %add3A_465, %add3A_627 : i32
        %get3A_629 = arith.constant 1 : i32
        %get3A_630 = arith.index_cast %get3A_629 : i32 to index
        %get3A_631 = arith.index_cast %add3A_628 : i32 to index
        %get3A_632 = arith.constant 32 : index
        %get3A_633 = tpu.vector_load %arg6[%get3A_630, %get3A_631, %get3A_632] {strides = array<i32>} : memref<2x400x64xf32, #tpu.memory_space<vmem>>, vector<1x1x16xf32>,
        %get3A_634 = vector.shape_cast %get3A_633 : vector<1x1x16xf32> to vector<16xf32>
        %add3A_635 = arith.addf %add3A_626, %get3A_634 : vector<16xf32>
        %add3A_636 = arith.constant 3 : i32
        %add3A_637 = arith.addi %add3A_465, %add3A_636 : i32
        %get3A_638 = arith.constant 1 : i32
        %get3A_639 = arith.index_cast %get3A_638 : i32 to index
        %get3A_640 = arith.index_cast %add3A_637 : i32 to index
        %get3A_641 = arith.constant 32 : index
        %get3A_642 = tpu.vector_load %arg6[%get3A_639, %get3A_640, %get3A_641] {strides = array<i32>} : memref<2x400x64xf32, #tpu.memory_space<vmem>>, vector<1x1x16xf32>,
        %get3A_643 = vector.shape_cast %get3A_642 : vector<1x1x16xf32> to vector<16xf32>
        %add3A_644 = arith.addf %add3A_635, %get3A_643 : vector<16xf32>
        %add3A_645 = arith.constant 4 : i32
        %add3A_646 = arith.addi %add3A_465, %add3A_645 : i32
        %get3A_647 = arith.constant 1 : i32
        %get3A_648 = arith.index_cast %get3A_647 : i32 to index
        %get3A_649 = arith.index_cast %add3A_646 : i32 to index
        %get3A_650 = arith.constant 32 : index
        %get3A_651 = tpu.vector_load %arg6[%get3A_648, %get3A_649, %get3A_650] {strides = array<i32>} : memref<2x400x64xf32, #tpu.memory_space<vmem>>, vector<1x1x16xf32>,
        %get3A_652 = vector.shape_cast %get3A_651 : vector<1x1x16xf32> to vector<16xf32>
        %add3A_653 = arith.addf %add3A_644, %get3A_652 : vector<16xf32>
        %add3A_654 = arith.constant 5 : i32
        %add3A_655 = arith.addi %add3A_465, %add3A_654 : i32
        %get3A_656 = arith.constant 1 : i32
        %get3A_657 = arith.index_cast %get3A_656 : i32 to index
        %get3A_658 = arith.index_cast %add3A_655 : i32 to index
        %get3A_659 = arith.constant 32 : index
        %get3A_660 = tpu.vector_load %arg6[%get3A_657, %get3A_658, %get3A_659] {strides = array<i32>} : memref<2x400x64xf32, #tpu.memory_space<vmem>>, vector<1x1x16xf32>,
        %get3A_661 = vector.shape_cast %get3A_660 : vector<1x1x16xf32> to vector<16xf32>
        %add3A_662 = arith.addf %add3A_653, %get3A_661 : vector<16xf32>
        %add3A_663 = arith.constant 6 : i32
        %add3A_664 = arith.addi %add3A_465, %add3A_663 : i32
        %get3A_665 = arith.constant 1 : i32
        %get3A_666 = arith.index_cast %get3A_665 : i32 to index
        %get3A_667 = arith.index_cast %add3A_664 : i32 to index
        %get3A_668 = arith.constant 32 : index
        %get3A_669 = tpu.vector_load %arg6[%get3A_666, %get3A_667, %get3A_668] {strides = array<i32>} : memref<2x400x64xf32, #tpu.memory_space<vmem>>, vector<1x1x16xf32>,
        %get3A_670 = vector.shape_cast %get3A_669 : vector<1x1x16xf32> to vector<16xf32>
        %add3A_671 = arith.addf %add3A_662, %get3A_670 : vector<16xf32>
        %add3A_672 = arith.constant 7 : i32
        %add3A_673 = arith.addi %add3A_465, %add3A_672 : i32
        %get3A_674 = arith.constant 1 : i32
        %get3A_675 = arith.index_cast %get3A_674 : i32 to index
        %get3A_676 = arith.index_cast %add3A_673 : i32 to index
        %get3A_677 = arith.constant 32 : index
        %get3A_678 = tpu.vector_load %arg6[%get3A_675, %get3A_676, %get3A_677] {strides = array<i32>} : memref<2x400x64xf32, #tpu.memory_space<vmem>>, vector<1x1x16xf32>,
        %get3A_679 = vector.shape_cast %get3A_678 : vector<1x1x16xf32> to vector<16xf32>
        %add3A_680 = arith.addf %add3A_671, %get3A_679 : vector<16xf32>
        %add3A_681 = arith.constant 0 : i32
        %add3A_682 = arith.addi %add3A_465, %add3A_681 : i32
        %get3A_683 = arith.constant 1 : i32
        %get3A_684 = arith.index_cast %get3A_683 : i32 to index
        %get3A_685 = arith.index_cast %add3A_682 : i32 to index
        %get3A_686 = arith.constant 48 : index
        %get3A_687 = tpu.vector_load %arg6[%get3A_684, %get3A_685, %get3A_686] {strides = array<i32>} : memref<2x400x64xf32, #tpu.memory_space<vmem>>, vector<1x1x16xf32>,
        %get3A_688 = vector.shape_cast %get3A_687 : vector<1x1x16xf32> to vector<16xf32>
        %add3A_689 = arith.addf %scan3A_461, %get3A_688 : vector<16xf32>
        %add3A_690 = arith.constant 1 : i32
        %add3A_691 = arith.addi %add3A_465, %add3A_690 : i32
        %get3A_692 = arith.constant 1 : i32
        %get3A_693 = arith.index_cast %get3A_692 : i32 to index
        %get3A_694 = arith.index_cast %add3A_691 : i32 to index
        %get3A_695 = arith.constant 48 : index
        %get3A_696 = tpu.vector_load %arg6[%get3A_693, %get3A_694, %get3A_695] {strides = array<i32>} : memref<2x400x64xf32, #tpu.memory_space<vmem>>, vector<1x1x16xf32>,
        %get3A_697 = vector.shape_cast %get3A_696 : vector<1x1x16xf32> to vector<16xf32>
        %add3A_698 = arith.addf %add3A_689, %get3A_697 : vector<16xf32>
        %add3A_699 = arith.constant 2 : i32
        %add3A_700 = arith.addi %add3A_465, %add3A_699 : i32
        %get3A_701 = arith.constant 1 : i32
        %get3A_702 = arith.index_cast %get3A_701 : i32 to index
        %get3A_703 = arith.index_cast %add3A_700 : i32 to index
        %get3A_704 = arith.constant 48 : index
        %get3A_705 = tpu.vector_load %arg6[%get3A_702, %get3A_703, %get3A_704] {strides = array<i32>} : memref<2x400x64xf32, #tpu.memory_space<vmem>>, vector<1x1x16xf32>,
        %get3A_706 = vector.shape_cast %get3A_705 : vector<1x1x16xf32> to vector<16xf32>
        %add3A_707 = arith.addf %add3A_698, %get3A_706 : vector<16xf32>
        %add3A_708 = arith.constant 3 : i32
        %add3A_709 = arith.addi %add3A_465, %add3A_708 : i32
        %get3A_710 = arith.constant 1 : i32
        %get3A_711 = arith.index_cast %get3A_710 : i32 to index
        %get3A_712 = arith.index_cast %add3A_709 : i32 to index
        %get3A_713 = arith.constant 48 : index
        %get3A_714 = tpu.vector_load %arg6[%get3A_711, %get3A_712, %get3A_713] {strides = array<i32>} : memref<2x400x64xf32, #tpu.memory_space<vmem>>, vector<1x1x16xf32>,
        %get3A_715 = vector.shape_cast %get3A_714 : vector<1x1x16xf32> to vector<16xf32>
        %add3A_716 = arith.addf %add3A_707, %get3A_715 : vector<16xf32>
        %add3A_717 = arith.constant 4 : i32
        %add3A_718 = arith.addi %add3A_465, %add3A_717 : i32
        %get3A_719 = arith.constant 1 : i32
        %get3A_720 = arith.index_cast %get3A_719 : i32 to index
        %get3A_721 = arith.index_cast %add3A_718 : i32 to index
        %get3A_722 = arith.constant 48 : index
        %get3A_723 = tpu.vector_load %arg6[%get3A_720, %get3A_721, %get3A_722] {strides = array<i32>} : memref<2x400x64xf32, #tpu.memory_space<vmem>>, vector<1x1x16xf32>,
        %get3A_724 = vector.shape_cast %get3A_723 : vector<1x1x16xf32> to vector<16xf32>
        %add3A_725 = arith.addf %add3A_716, %get3A_724 : vector<16xf32>
        %add3A_726 = arith.constant 5 : i32
        %add3A_727 = arith.addi %add3A_465, %add3A_726 : i32
        %get3A_728 = arith.constant 1 : i32
        %get3A_729 = arith.index_cast %get3A_728 : i32 to index
        %get3A_730 = arith.index_cast %add3A_727 : i32 to index
        %get3A_731 = arith.constant 48 : index
        %get3A_732 = tpu.vector_load %arg6[%get3A_729, %get3A_730, %get3A_731] {strides = array<i32>} : memref<2x400x64xf32, #tpu.memory_space<vmem>>, vector<1x1x16xf32>,
        %get3A_733 = vector.shape_cast %get3A_732 : vector<1x1x16xf32> to vector<16xf32>
        %add3A_734 = arith.addf %add3A_725, %get3A_733 : vector<16xf32>
        %add3A_735 = arith.constant 6 : i32
        %add3A_736 = arith.addi %add3A_465, %add3A_735 : i32
        %get3A_737 = arith.constant 1 : i32
        %get3A_738 = arith.index_cast %get3A_737 : i32 to index
        %get3A_739 = arith.index_cast %add3A_736 : i32 to index
        %get3A_740 = arith.constant 48 : index
        %get3A_741 = tpu.vector_load %arg6[%get3A_738, %get3A_739, %get3A_740] {strides = array<i32>} : memref<2x400x64xf32, #tpu.memory_space<vmem>>, vector<1x1x16xf32>,
        %get3A_742 = vector.shape_cast %get3A_741 : vector<1x1x16xf32> to vector<16xf32>
        %add3A_743 = arith.addf %add3A_734, %get3A_742 : vector<16xf32>
        %add3A_744 = arith.constant 7 : i32
        %add3A_745 = arith.addi %add3A_465, %add3A_744 : i32
        %get3A_746 = arith.constant 1 : i32
        %get3A_747 = arith.index_cast %get3A_746 : i32 to index
        %get3A_748 = arith.index_cast %add3A_745 : i32 to index
        %get3A_749 = arith.constant 48 : index
        %get3A_750 = tpu.vector_load %arg6[%get3A_747, %get3A_748, %get3A_749] {strides = array<i32>} : memref<2x400x64xf32, #tpu.memory_space<vmem>>, vector<1x1x16xf32>,
        %get3A_751 = vector.shape_cast %get3A_750 : vector<1x1x16xf32> to vector<16xf32>
        %add3A_752 = arith.addf %add3A_743, %get3A_751 : vector<16xf32>
        scf.yield %add3A_536, %add3A_608, %add3A_680, %add3A_752 : vector<16xf32>, vector<16xf32>, vector<16xf32>, vector<16xf32>
      }
      %scan3A_420 = arith.constant 25 : i32
      %mul3A_421 = arith.constant 2 : i32
      %mul3A_422 = arith.muli %add3A_368, %mul3A_421 : i32
      %add3A_423 = arith.constant 1 : i32
      %add3A_424 = arith.addi %mul3A_422, %add3A_423 : i32
      %swap3A_425 = arith.index_cast %add3A_424 : i32 to index
      %swap3A_426 = arith.constant 0 : index
      %swap3A_427 = tpu.vector_load %arg7[%swap3A_425, %swap3A_426] {strides = array<i32>} : memref<512x64xf32, #tpu.memory_space<vmem>>, vector<1x16xf32>,
      %swap3A_428 = vector.shape_cast %swap3A_427 : vector<1x16xf32> to vector<16xf32>
      %swap3A_429 = vector.shape_cast %scan3A_419#0 : vector<16xf32> to vector<1x16xf32>
      tpu.vector_store %arg7[%swap3A_425, %swap3A_426], %swap3A_429 {strides = array<i32>} : memref<512x64xf32, #tpu.memory_space<vmem>>, vector<1x16xf32>,
      %mul3A_430 = arith.constant 2 : i32
      %mul3A_431 = arith.muli %add3A_368, %mul3A_430 : i32
      %add3A_432 = arith.constant 1 : i32
      %add3A_433 = arith.addi %mul3A_431, %add3A_432 : i32
      %swap3A_434 = arith.index_cast %add3A_433 : i32 to index
      %swap3A_435 = arith.constant 16 : index
      %swap3A_436 = tpu.vector_load %arg7[%swap3A_434, %swap3A_435] {strides = array<i32>} : memref<512x64xf32, #tpu.memory_space<vmem>>, vector<1x16xf32>,
      %swap3A_437 = vector.shape_cast %swap3A_436 : vector<1x16xf32> to vector<16xf32>
      %swap3A_438 = vector.shape_cast %scan3A_419#1 : vector<16xf32> to vector<1x16xf32>
      tpu.vector_store %arg7[%swap3A_434, %swap3A_435], %swap3A_438 {strides = array<i32>} : memref<512x64xf32, #tpu.memory_space<vmem>>, vector<1x16xf32>,
      %mul3A_439 = arith.constant 2 : i32
      %mul3A_440 = arith.muli %add3A_368, %mul3A_439 : i32
      %add3A_441 = arith.constant 1 : i32
      %add3A_442 = arith.addi %mul3A_440, %add3A_441 : i32
      %swap3A_443 = arith.index_cast %add3A_442 : i32 to index
      %swap3A_444 = arith.constant 32 : index
      %swap3A_445 = tpu.vector_load %arg7[%swap3A_443, %swap3A_444] {strides = array<i32>} : memref<512x64xf32, #tpu.memory_space<vmem>>, vector<1x16xf32>,
      %swap3A_446 = vector.shape_cast %swap3A_445 : vector<1x16xf32> to vector<16xf32>
      %swap3A_447 = vector.shape_cast %scan3A_419#2 : vector<16xf32> to vector<1x16xf32>
      tpu.vector_store %arg7[%swap3A_443, %swap3A_444], %swap3A_447 {strides = array<i32>} : memref<512x64xf32, #tpu.memory_space<vmem>>, vector<1x16xf32>,
      %mul3A_448 = arith.constant 2 : i32
      %mul3A_449 = arith.muli %add3A_368, %mul3A_448 : i32
      %add3A_450 = arith.constant 1 : i32
      %add3A_451 = arith.addi %mul3A_449, %add3A_450 : i32
      %swap3A_452 = arith.index_cast %add3A_451 : i32 to index
      %swap3A_453 = arith.constant 48 : index
      %swap3A_454 = tpu.vector_load %arg7[%swap3A_452, %swap3A_453] {strides = array<i32>} : memref<512x64xf32, #tpu.memory_space<vmem>>, vector<1x16xf32>,
      %swap3A_455 = vector.shape_cast %swap3A_454 : vector<1x16xf32> to vector<16xf32>
      %swap3A_456 = vector.shape_cast %scan3A_419#3 : vector<16xf32> to vector<1x16xf32>
      tpu.vector_store %arg7[%swap3A_452, %swap3A_453], %swap3A_456 {strides = array<i32>} : memref<512x64xf32, #tpu.memory_space<vmem>>, vector<1x16xf32>,
    }
    %scan3A_73 = arith.constant 128 : i32
    %mul3A_74 = arith.constant 512 : i32
    %mul3A_75 = arith.muli %add3A, %mul3A_74 : i32
    "tpu.region"() ({
      %run_scoped3A_76 = tpu.sem_alloc : memref<!tpu.dma_semaphore, #tpu.memory_space<semaphore_mem>>
      %dma_start3A_77 = arith.constant 0 : i32
      %dma_start3A_78 = tpu.memref_slice %arg4[%mul3A_75, %dma_start3A_77] : memref<16384x64xf32, #tpu.memory_space<hbm>> -> memref<512x64xf32, #tpu.memory_space<hbm>>
      %dma_start3A_79 = arith.constant 0 : i32
      %dma_start3A_80 = tpu.memref_slice %arg4[%mul3A_75, %dma_start3A_79] : memref<16384x64xf32, #tpu.memory_space<hbm>> -> memref<512x64xf32, #tpu.memory_space<hbm>>
      tpu.enqueue_dma source(%arg7 : memref<512x64xf32, #tpu.memory_space<vmem>>) target(%dma_start3A_80 : memref<512x64xf32, #tpu.memory_space<hbm>>) target_semaphore(%run_scoped3A_76 : memref<!tpu.dma_semaphore, #tpu.memory_space<semaphore_mem>>)
      %dma_wait3A = arith.constant 0 : i32
      %dma_wait3A_81 = tpu.memref_slice %arg4[%mul3A_75, %dma_wait3A] : memref<16384x64xf32, #tpu.memory_space<hbm>> -> memref<512x64xf32, #tpu.memory_space<hbm>>
      %dma_wait3A_82 = arith.constant 0 : i32
      %dma_wait3A_83 = tpu.memref_slice %arg4[%mul3A_75, %dma_wait3A_82] : memref<16384x64xf32, #tpu.memory_space<hbm>> -> memref<512x64xf32, #tpu.memory_space<hbm>>
      tpu.wait_dma2 semaphore(%run_scoped3A_76 : memref<!tpu.dma_semaphore, #tpu.memory_space<semaphore_mem>>) src(%arg7 : memref<512x64xf32, #tpu.memory_space<vmem>>) dst(%dma_wait3A_83 : memref<512x64xf32, #tpu.memory_space<hbm>>)
      tpu.yield
    }) : () -> ()
    return
  }
}

module attributes {stable_mosaic.version = 14 : i64} {
  func.func @body(%arg0: i32, %arg1: memref<64x1000000xf32, #tpu.memory_space<any>>, %arg2: memref<1000000x128xf32, #tpu.memory_space<any>>, %arg3: memref<64x16384xf32, #tpu.memory_space<vmem>>, %arg4: memref<64x16384xf32, #tpu.memory_space<vmem>>, %arg5: memref<16384x128xf32, #tpu.memory_space<vmem>>, %arg6: memref<16384x128xf32, #tpu.memory_space<vmem>>, %arg7: memref<!tpu.dma_semaphore, #tpu.memory_space<semaphore_mem>>, %arg8: memref<!tpu.dma_semaphore, #tpu.memory_space<semaphore_mem>>, %arg9: memref<!tpu.dma_semaphore, #tpu.memory_space<semaphore_mem>>, %arg10: memref<!tpu.dma_semaphore, #tpu.memory_space<semaphore_mem>>) attributes {dimension_semantics = [#tpu.dimension_semantics<arbitrary>], iteration_bounds = array<i64: 62>, scalar_prefetch = 0 : i64, scratch_operands = 8 : i64, tpu.core_type = #tpu.core_type<tc>, window_params = [{}, {}]} {
    %jit3A = arith.constant 2 : i32
    %eq3A = arith.constant 0 : i32
    %eq3A_0 = arith.cmpi eq, %jit3A, %eq3A : i32
    %jit3A_1 = arith.constant 1 : i32
    %select_n3A = arith.select %eq3A_0, %jit3A_1, %jit3A : i32
    %rem3A = arith.remsi %arg0, %select_n3A : i32
    %ne3A = arith.constant 0 : i32
    %ne3A_2 = arith.cmpi ne, %rem3A, %ne3A : i32
    %lt3A = arith.constant 0 : i32
    %lt3A_3 = arith.cmpi slt, %rem3A, %lt3A : i32
    %lt3A_4 = arith.constant 0 : i32
    %lt3A_5 = arith.cmpi slt, %select_n3A, %lt3A_4 : i32
    %ne3A_6 = arith.xori %lt3A_3, %lt3A_5 : i1
    %and3A = arith.andi %ne3A_6, %ne3A_2 : i1
    %add3A = arith.addi %rem3A, %select_n3A : i32
    %select_n3A_7 = arith.select %and3A, %add3A, %rem3A : i32
    %eq3A_8 = arith.constant 0 : i32
    %eq3A_9 = arith.cmpi eq, %select_n3A_7, %eq3A_8 : i32
    %convert_element_type3A = arith.extui %eq3A_9 : i1 to i32
    %cond3A = arith.constant 0 : i32
    %cond3A_10 = arith.cmpi ne, %convert_element_type3A, %cond3A : i32
    scf.if %cond3A_10 {
      %eq3A_32 = arith.constant 0 : i32
      %eq3A_33 = arith.cmpi eq, %arg0, %eq3A_32 : i32
      %convert_element_type3A_34 = arith.extui %eq3A_33 : i1 to i32
      %cond3A_35 = arith.constant 0 : i32
      %cond3A_36 = arith.cmpi ne, %convert_element_type3A_34, %cond3A_35 : i32
      scf.if %cond3A_36 {
        %dma_start3A = arith.constant 0 : i32
        %dma_start3A_75 = arith.constant 0 : i32
        %dma_start3A_76 = tpu.memref_slice %arg3[%dma_start3A, %dma_start3A_75] : memref<64x16384xf32, #tpu.memory_space<vmem>> -> memref<64x16384xf32, #tpu.memory_space<vmem>>
        %dma_start3A_77 = arith.constant 0 : i32
        %dma_start3A_78 = arith.constant 0 : i32
        %dma_start3A_79 = tpu.memref_slice %arg1[%dma_start3A_77, %dma_start3A_78] : memref<64x1000000xf32, #tpu.memory_space<any>> -> memref<64x16384xf32, #tpu.memory_space<any>>
        tpu.enqueue_dma source(%dma_start3A_79 : memref<64x16384xf32, #tpu.memory_space<any>>) target(%dma_start3A_76 : memref<64x16384xf32, #tpu.memory_space<vmem>>) target_semaphore(%arg7 : memref<!tpu.dma_semaphore, #tpu.memory_space<semaphore_mem>>)
      } else {
      }
      %lt3A_37 = arith.constant 61 : i32
      %lt3A_38 = arith.cmpi slt, %arg0, %lt3A_37 : i32
      %convert_element_type3A_39 = arith.extui %lt3A_38 : i1 to i32
      %cond3A_40 = arith.constant 0 : i32
      %cond3A_41 = arith.cmpi ne, %convert_element_type3A_39, %cond3A_40 : i32
      scf.if %cond3A_41 {
        %mul3A = arith.constant 16384 : i32
        %mul3A_75 = arith.muli %arg0, %mul3A : i32
        %dma_wait3A = arith.constant 0 : i32
        %dma_wait3A_76 = arith.constant 0 : i32
        %dma_wait3A_77 = tpu.memref_slice %arg3[%dma_wait3A, %dma_wait3A_76] : memref<64x16384xf32, #tpu.memory_space<vmem>> -> memref<64x16384xf32, #tpu.memory_space<vmem>>
        %dma_wait3A_78 = arith.constant 0 : i32
        %dma_wait3A_79 = tpu.memref_slice %arg1[%dma_wait3A_78, %mul3A_75] : memref<64x1000000xf32, #tpu.memory_space<any>> -> memref<64x16384xf32, #tpu.memory_space<any>>
        tpu.wait_dma2 semaphore(%arg7 : memref<!tpu.dma_semaphore, #tpu.memory_space<semaphore_mem>>) src(%dma_wait3A_79 : memref<64x16384xf32, #tpu.memory_space<any>>) dst(%dma_wait3A_77 : memref<64x16384xf32, #tpu.memory_space<vmem>>)
      } else {
      }
      %eq3A_42 = arith.constant 61 : i32
      %eq3A_43 = arith.cmpi eq, %arg0, %eq3A_42 : i32
      %convert_element_type3A_44 = arith.extui %eq3A_43 : i1 to i32
      %cond3A_45 = arith.constant 0 : i32
      %cond3A_46 = arith.cmpi ne, %convert_element_type3A_44, %cond3A_45 : i32
      scf.if %cond3A_46 {
        %mul3A = arith.constant 16384 : i32
        %mul3A_75 = arith.muli %arg0, %mul3A : i32
        %dma_wait3A = arith.constant 0 : i32
        %dma_wait3A_76 = arith.constant 0 : i32
        %dma_wait3A_77 = tpu.memref_slice %arg3[%dma_wait3A, %dma_wait3A_76] : memref<64x16384xf32, #tpu.memory_space<vmem>> -> memref<64x512xf32, #tpu.memory_space<vmem>>
        %dma_wait3A_78 = arith.constant 0 : i32
        %dma_wait3A_79 = tpu.memref_slice %arg1[%dma_wait3A_78, %mul3A_75] : memref<64x1000000xf32, #tpu.memory_space<any>> -> memref<64x512xf32, #tpu.memory_space<any>>
        tpu.wait_dma2 semaphore(%arg7 : memref<!tpu.dma_semaphore, #tpu.memory_space<semaphore_mem>>) src(%dma_wait3A_79 : memref<64x512xf32, #tpu.memory_space<any>>) dst(%dma_wait3A_77 : memref<64x512xf32, #tpu.memory_space<vmem>>)
      } else {
      }
      %add3A_47 = arith.constant 1 : i32
      %add3A_48 = arith.addi %arg0, %add3A_47 : i32
      %lt3A_49 = arith.constant 61 : i32
      %lt3A_50 = arith.cmpi slt, %add3A_48, %lt3A_49 : i32
      %convert_element_type3A_51 = arith.extui %lt3A_50 : i1 to i32
      %cond3A_52 = arith.constant 0 : i32
      %cond3A_53 = arith.cmpi ne, %convert_element_type3A_51, %cond3A_52 : i32
      scf.if %cond3A_53 {
        %add3A_75 = arith.constant 1 : i32
        %add3A_76 = arith.addi %arg0, %add3A_75 : i32
        %mul3A = arith.constant 16384 : i32
        %mul3A_77 = arith.muli %add3A_76, %mul3A : i32
        %dma_start3A = arith.constant 0 : i32
        %dma_start3A_78 = arith.constant 0 : i32
        %dma_start3A_79 = tpu.memref_slice %arg4[%dma_start3A, %dma_start3A_78] : memref<64x16384xf32, #tpu.memory_space<vmem>> -> memref<64x16384xf32, #tpu.memory_space<vmem>>
        %dma_start3A_80 = arith.constant 0 : i32
        %dma_start3A_81 = tpu.memref_slice %arg1[%dma_start3A_80, %mul3A_77] : memref<64x1000000xf32, #tpu.memory_space<any>> -> memref<64x16384xf32, #tpu.memory_space<any>>
        tpu.enqueue_dma source(%dma_start3A_81 : memref<64x16384xf32, #tpu.memory_space<any>>) target(%dma_start3A_79 : memref<64x16384xf32, #tpu.memory_space<vmem>>) target_semaphore(%arg8 : memref<!tpu.dma_semaphore, #tpu.memory_space<semaphore_mem>>)
      } else {
      }
      %add3A_54 = arith.constant 1 : i32
      %add3A_55 = arith.addi %arg0, %add3A_54 : i32
      %eq3A_56 = arith.constant 61 : i32
      %eq3A_57 = arith.cmpi eq, %add3A_55, %eq3A_56 : i32
      %convert_element_type3A_58 = arith.extui %eq3A_57 : i1 to i32
      %cond3A_59 = arith.constant 0 : i32
      %cond3A_60 = arith.cmpi ne, %convert_element_type3A_58, %cond3A_59 : i32
      scf.if %cond3A_60 {
        %add3A_75 = arith.constant 1 : i32
        %add3A_76 = arith.addi %arg0, %add3A_75 : i32
        %mul3A = arith.constant 16384 : i32
        %mul3A_77 = arith.muli %add3A_76, %mul3A : i32
        %dma_start3A = arith.constant 0 : i32
        %dma_start3A_78 = arith.constant 0 : i32
        %dma_start3A_79 = tpu.memref_slice %arg4[%dma_start3A, %dma_start3A_78] : memref<64x16384xf32, #tpu.memory_space<vmem>> -> memref<64x512xf32, #tpu.memory_space<vmem>>
        %dma_start3A_80 = arith.constant 0 : i32
        %dma_start3A_81 = tpu.memref_slice %arg1[%dma_start3A_80, %mul3A_77] : memref<64x1000000xf32, #tpu.memory_space<any>> -> memref<64x512xf32, #tpu.memory_space<any>>
        tpu.enqueue_dma source(%dma_start3A_81 : memref<64x512xf32, #tpu.memory_space<any>>) target(%dma_start3A_79 : memref<64x512xf32, #tpu.memory_space<vmem>>) target_semaphore(%arg8 : memref<!tpu.dma_semaphore, #tpu.memory_space<semaphore_mem>>)
      } else {
      }
      %ge3A = arith.constant 2 : i32
      %ge3A_61 = arith.cmpi sge, %arg0, %ge3A : i32
      %convert_element_type3A_62 = arith.extui %ge3A_61 : i1 to i32
      %cond3A_63 = arith.constant 0 : i32
      %cond3A_64 = arith.cmpi ne, %convert_element_type3A_62, %cond3A_63 : i32
      scf.if %cond3A_64 {
        %sub3A = arith.constant 2 : i32
        %sub3A_75 = arith.subi %arg0, %sub3A : i32
        %mul3A = arith.constant 16384 : i32
        %mul3A_76 = arith.muli %sub3A_75, %mul3A : i32
        %dma_wait3A = arith.constant 0 : i32
        %dma_wait3A_77 = tpu.memref_slice %arg2[%mul3A_76, %dma_wait3A] : memref<1000000x128xf32, #tpu.memory_space<any>> -> memref<16384x128xf32, #tpu.memory_space<any>>
        %dma_wait3A_78 = arith.constant 0 : i32
        %dma_wait3A_79 = arith.constant 0 : i32
        %dma_wait3A_80 = tpu.memref_slice %arg5[%dma_wait3A_78, %dma_wait3A_79] : memref<16384x128xf32, #tpu.memory_space<vmem>> -> memref<16384x128xf32, #tpu.memory_space<vmem>>
        tpu.wait_dma2 semaphore(%arg9 : memref<!tpu.dma_semaphore, #tpu.memory_space<semaphore_mem>>) src(%dma_wait3A_80 : memref<16384x128xf32, #tpu.memory_space<vmem>>) dst(%dma_wait3A_77 : memref<16384x128xf32, #tpu.memory_space<any>>)
      } else {
      }
      %lt3A_65 = arith.constant 61 : i32
      %lt3A_66 = arith.cmpi slt, %arg0, %lt3A_65 : i32
      %convert_element_type3A_67 = arith.extui %lt3A_66 : i1 to i32
      %cond3A_68 = arith.constant 0 : i32
      %cond3A_69 = arith.cmpi ne, %convert_element_type3A_67, %cond3A_68 : i32
      scf.if %cond3A_69 {
        %get3A = arith.constant 0 : index
        %get3A_75 = arith.constant 0 : index
        %get3A_76 = vector.load %arg3[%get3A, %get3A_75] : memref<64x16384xf32, #tpu.memory_space<vmem>>, vector<64x16384xf32>
        %transpose3A = tpu.transpose %get3A_76, [1, 0] : vector<64x16384xf32> -> vector<16384x64xf32>
        %swap3A = arith.constant 0 : index
        %swap3A_77 = arith.constant 0 : index
        %swap3A_78 = vector.load %arg5[%swap3A, %swap3A_77] : memref<16384x128xf32, #tpu.memory_space<vmem>>, vector<16384x64xf32>
        tpu.vector_store %arg5[%swap3A, %swap3A_77], %transpose3A {strides = array<i32>} : memref<16384x128xf32, #tpu.memory_space<vmem>>, vector<16384x64xf32>,
        %mul3A = arith.constant 16384 : i32
        %mul3A_79 = arith.muli %arg0, %mul3A : i32
        %dma_start3A = arith.constant 0 : i32
        %dma_start3A_80 = tpu.memref_slice %arg2[%mul3A_79, %dma_start3A] : memref<1000000x128xf32, #tpu.memory_space<any>> -> memref<16384x128xf32, #tpu.memory_space<any>>
        %dma_start3A_81 = arith.constant 0 : i32
        %dma_start3A_82 = arith.constant 0 : i32
        %dma_start3A_83 = tpu.memref_slice %arg5[%dma_start3A_81, %dma_start3A_82] : memref<16384x128xf32, #tpu.memory_space<vmem>> -> memref<16384x128xf32, #tpu.memory_space<vmem>>
        tpu.enqueue_dma source(%dma_start3A_83 : memref<16384x128xf32, #tpu.memory_space<vmem>>) target(%dma_start3A_80 : memref<16384x128xf32, #tpu.memory_space<any>>) target_semaphore(%arg9 : memref<!tpu.dma_semaphore, #tpu.memory_space<semaphore_mem>>)
      } else {
      }
      %eq3A_70 = arith.constant 61 : i32
      %eq3A_71 = arith.cmpi eq, %arg0, %eq3A_70 : i32
      %convert_element_type3A_72 = arith.extui %eq3A_71 : i1 to i32
      %cond3A_73 = arith.constant 0 : i32
      %cond3A_74 = arith.cmpi ne, %convert_element_type3A_72, %cond3A_73 : i32
      scf.if %cond3A_74 {
        %get3A = arith.constant 0 : index
        %get3A_75 = arith.constant 0 : index
        %get3A_76 = vector.load %arg3[%get3A, %get3A_75] : memref<64x16384xf32, #tpu.memory_space<vmem>>, vector<64x512xf32>
        %transpose3A = tpu.transpose %get3A_76, [1, 0] : vector<64x512xf32> -> vector<512x64xf32>
        %swap3A = arith.constant 0 : index
        %swap3A_77 = arith.constant 0 : index
        %swap3A_78 = vector.load %arg5[%swap3A, %swap3A_77] : memref<16384x128xf32, #tpu.memory_space<vmem>>, vector<512x64xf32>
        tpu.vector_store %arg5[%swap3A, %swap3A_77], %transpose3A {strides = array<i32>} : memref<16384x128xf32, #tpu.memory_space<vmem>>, vector<512x64xf32>,
        %mul3A = arith.constant 16384 : i32
        %mul3A_79 = arith.muli %arg0, %mul3A : i32
        %dma_start3A = arith.constant 0 : i32
        %dma_start3A_80 = tpu.memref_slice %arg2[%mul3A_79, %dma_start3A] : memref<1000000x128xf32, #tpu.memory_space<any>> -> memref<512x128xf32, #tpu.memory_space<any>>
        %dma_start3A_81 = arith.constant 0 : i32
        %dma_start3A_82 = arith.constant 0 : i32
        %dma_start3A_83 = tpu.memref_slice %arg5[%dma_start3A_81, %dma_start3A_82] : memref<16384x128xf32, #tpu.memory_space<vmem>> -> memref<512x128xf32, #tpu.memory_space<vmem>>
        tpu.enqueue_dma source(%dma_start3A_83 : memref<512x128xf32, #tpu.memory_space<vmem>>) target(%dma_start3A_80 : memref<512x128xf32, #tpu.memory_space<any>>) target_semaphore(%arg9 : memref<!tpu.dma_semaphore, #tpu.memory_space<semaphore_mem>>)
        %mul3A_84 = arith.constant 16384 : i32
        %mul3A_85 = arith.muli %arg0, %mul3A_84 : i32
        %dma_wait3A = arith.constant 0 : i32
        %dma_wait3A_86 = tpu.memref_slice %arg2[%mul3A_85, %dma_wait3A] : memref<1000000x128xf32, #tpu.memory_space<any>> -> memref<512x128xf32, #tpu.memory_space<any>>
        %dma_wait3A_87 = arith.constant 0 : i32
        %dma_wait3A_88 = arith.constant 0 : i32
        %dma_wait3A_89 = tpu.memref_slice %arg5[%dma_wait3A_87, %dma_wait3A_88] : memref<16384x128xf32, #tpu.memory_space<vmem>> -> memref<512x128xf32, #tpu.memory_space<vmem>>
        tpu.wait_dma2 semaphore(%arg9 : memref<!tpu.dma_semaphore, #tpu.memory_space<semaphore_mem>>) src(%dma_wait3A_89 : memref<512x128xf32, #tpu.memory_space<vmem>>) dst(%dma_wait3A_86 : memref<512x128xf32, #tpu.memory_space<any>>)
        %sub3A = arith.constant 1 : i32
        %sub3A_90 = arith.subi %arg0, %sub3A : i32
        %mul3A_91 = arith.constant 16384 : i32
        %mul3A_92 = arith.muli %sub3A_90, %mul3A_91 : i32
        %dma_wait3A_93 = arith.constant 0 : i32
        %dma_wait3A_94 = tpu.memref_slice %arg2[%mul3A_92, %dma_wait3A_93] : memref<1000000x128xf32, #tpu.memory_space<any>> -> memref<16384x128xf32, #tpu.memory_space<any>>
        %dma_wait3A_95 = arith.constant 0 : i32
        %dma_wait3A_96 = arith.constant 0 : i32
        %dma_wait3A_97 = tpu.memref_slice %arg6[%dma_wait3A_95, %dma_wait3A_96] : memref<16384x128xf32, #tpu.memory_space<vmem>> -> memref<16384x128xf32, #tpu.memory_space<vmem>>
        tpu.wait_dma2 semaphore(%arg10 : memref<!tpu.dma_semaphore, #tpu.memory_space<semaphore_mem>>) src(%dma_wait3A_97 : memref<16384x128xf32, #tpu.memory_space<vmem>>) dst(%dma_wait3A_94 : memref<16384x128xf32, #tpu.memory_space<any>>)
      } else {
      }
    } else {
    }
    %jit3A_11 = arith.constant 2 : i32
    %eq3A_12 = arith.constant 0 : i32
    %eq3A_13 = arith.cmpi eq, %jit3A_11, %eq3A_12 : i32
    %jit3A_14 = arith.constant 1 : i32
    %select_n3A_15 = arith.select %eq3A_13, %jit3A_14, %jit3A_11 : i32
    %rem3A_16 = arith.remsi %arg0, %select_n3A_15 : i32
    %ne3A_17 = arith.constant 0 : i32
    %ne3A_18 = arith.cmpi ne, %rem3A_16, %ne3A_17 : i32
    %lt3A_19 = arith.constant 0 : i32
    %lt3A_20 = arith.cmpi slt, %rem3A_16, %lt3A_19 : i32
    %lt3A_21 = arith.constant 0 : i32
    %lt3A_22 = arith.cmpi slt, %select_n3A_15, %lt3A_21 : i32
    %ne3A_23 = arith.xori %lt3A_20, %lt3A_22 : i1
    %and3A_24 = arith.andi %ne3A_23, %ne3A_18 : i1
    %add3A_25 = arith.addi %rem3A_16, %select_n3A_15 : i32
    %select_n3A_26 = arith.select %and3A_24, %add3A_25, %rem3A_16 : i32
    %eq3A_27 = arith.constant 1 : i32
    %eq3A_28 = arith.cmpi eq, %select_n3A_26, %eq3A_27 : i32
    %convert_element_type3A_29 = arith.extui %eq3A_28 : i1 to i32
    %cond3A_30 = arith.constant 0 : i32
    %cond3A_31 = arith.cmpi ne, %convert_element_type3A_29, %cond3A_30 : i32
    scf.if %cond3A_31 {
      %eq3A_32 = arith.constant 0 : i32
      %eq3A_33 = arith.cmpi eq, %arg0, %eq3A_32 : i32
      %convert_element_type3A_34 = arith.extui %eq3A_33 : i1 to i32
      %cond3A_35 = arith.constant 0 : i32
      %cond3A_36 = arith.cmpi ne, %convert_element_type3A_34, %cond3A_35 : i32
      scf.if %cond3A_36 {
        %dma_start3A = arith.constant 0 : i32
        %dma_start3A_75 = arith.constant 0 : i32
        %dma_start3A_76 = tpu.memref_slice %arg4[%dma_start3A, %dma_start3A_75] : memref<64x16384xf32, #tpu.memory_space<vmem>> -> memref<64x16384xf32, #tpu.memory_space<vmem>>
        %dma_start3A_77 = arith.constant 0 : i32
        %dma_start3A_78 = arith.constant 0 : i32
        %dma_start3A_79 = tpu.memref_slice %arg1[%dma_start3A_77, %dma_start3A_78] : memref<64x1000000xf32, #tpu.memory_space<any>> -> memref<64x16384xf32, #tpu.memory_space<any>>
        tpu.enqueue_dma source(%dma_start3A_79 : memref<64x16384xf32, #tpu.memory_space<any>>) target(%dma_start3A_76 : memref<64x16384xf32, #tpu.memory_space<vmem>>) target_semaphore(%arg8 : memref<!tpu.dma_semaphore, #tpu.memory_space<semaphore_mem>>)
      } else {
      }
      %lt3A_37 = arith.constant 61 : i32
      %lt3A_38 = arith.cmpi slt, %arg0, %lt3A_37 : i32
      %convert_element_type3A_39 = arith.extui %lt3A_38 : i1 to i32
      %cond3A_40 = arith.constant 0 : i32
      %cond3A_41 = arith.cmpi ne, %convert_element_type3A_39, %cond3A_40 : i32
      scf.if %cond3A_41 {
        %mul3A = arith.constant 16384 : i32
        %mul3A_75 = arith.muli %arg0, %mul3A : i32
        %dma_wait3A = arith.constant 0 : i32
        %dma_wait3A_76 = arith.constant 0 : i32
        %dma_wait3A_77 = tpu.memref_slice %arg4[%dma_wait3A, %dma_wait3A_76] : memref<64x16384xf32, #tpu.memory_space<vmem>> -> memref<64x16384xf32, #tpu.memory_space<vmem>>
        %dma_wait3A_78 = arith.constant 0 : i32
        %dma_wait3A_79 = tpu.memref_slice %arg1[%dma_wait3A_78, %mul3A_75] : memref<64x1000000xf32, #tpu.memory_space<any>> -> memref<64x16384xf32, #tpu.memory_space<any>>
        tpu.wait_dma2 semaphore(%arg8 : memref<!tpu.dma_semaphore, #tpu.memory_space<semaphore_mem>>) src(%dma_wait3A_79 : memref<64x16384xf32, #tpu.memory_space<any>>) dst(%dma_wait3A_77 : memref<64x16384xf32, #tpu.memory_space<vmem>>)
      } else {
      }
      %eq3A_42 = arith.constant 61 : i32
      %eq3A_43 = arith.cmpi eq, %arg0, %eq3A_42 : i32
      %convert_element_type3A_44 = arith.extui %eq3A_43 : i1 to i32
      %cond3A_45 = arith.constant 0 : i32
      %cond3A_46 = arith.cmpi ne, %convert_element_type3A_44, %cond3A_45 : i32
      scf.if %cond3A_46 {
        %mul3A = arith.constant 16384 : i32
        %mul3A_75 = arith.muli %arg0, %mul3A : i32
        %dma_wait3A = arith.constant 0 : i32
        %dma_wait3A_76 = arith.constant 0 : i32
        %dma_wait3A_77 = tpu.memref_slice %arg4[%dma_wait3A, %dma_wait3A_76] : memref<64x16384xf32, #tpu.memory_space<vmem>> -> memref<64x512xf32, #tpu.memory_space<vmem>>
        %dma_wait3A_78 = arith.constant 0 : i32
        %dma_wait3A_79 = tpu.memref_slice %arg1[%dma_wait3A_78, %mul3A_75] : memref<64x1000000xf32, #tpu.memory_space<any>> -> memref<64x512xf32, #tpu.memory_space<any>>
        tpu.wait_dma2 semaphore(%arg8 : memref<!tpu.dma_semaphore, #tpu.memory_space<semaphore_mem>>) src(%dma_wait3A_79 : memref<64x512xf32, #tpu.memory_space<any>>) dst(%dma_wait3A_77 : memref<64x512xf32, #tpu.memory_space<vmem>>)
      } else {
      }
      %add3A_47 = arith.constant 1 : i32
      %add3A_48 = arith.addi %arg0, %add3A_47 : i32
      %lt3A_49 = arith.constant 61 : i32
      %lt3A_50 = arith.cmpi slt, %add3A_48, %lt3A_49 : i32
      %convert_element_type3A_51 = arith.extui %lt3A_50 : i1 to i32
      %cond3A_52 = arith.constant 0 : i32
      %cond3A_53 = arith.cmpi ne, %convert_element_type3A_51, %cond3A_52 : i32
      scf.if %cond3A_53 {
        %add3A_75 = arith.constant 1 : i32
        %add3A_76 = arith.addi %arg0, %add3A_75 : i32
        %mul3A = arith.constant 16384 : i32
        %mul3A_77 = arith.muli %add3A_76, %mul3A : i32
        %dma_start3A = arith.constant 0 : i32
        %dma_start3A_78 = arith.constant 0 : i32
        %dma_start3A_79 = tpu.memref_slice %arg3[%dma_start3A, %dma_start3A_78] : memref<64x16384xf32, #tpu.memory_space<vmem>> -> memref<64x16384xf32, #tpu.memory_space<vmem>>
        %dma_start3A_80 = arith.constant 0 : i32
        %dma_start3A_81 = tpu.memref_slice %arg1[%dma_start3A_80, %mul3A_77] : memref<64x1000000xf32, #tpu.memory_space<any>> -> memref<64x16384xf32, #tpu.memory_space<any>>
        tpu.enqueue_dma source(%dma_start3A_81 : memref<64x16384xf32, #tpu.memory_space<any>>) target(%dma_start3A_79 : memref<64x16384xf32, #tpu.memory_space<vmem>>) target_semaphore(%arg7 : memref<!tpu.dma_semaphore, #tpu.memory_space<semaphore_mem>>)
      } else {
      }
      %add3A_54 = arith.constant 1 : i32
      %add3A_55 = arith.addi %arg0, %add3A_54 : i32
      %eq3A_56 = arith.constant 61 : i32
      %eq3A_57 = arith.cmpi eq, %add3A_55, %eq3A_56 : i32
      %convert_element_type3A_58 = arith.extui %eq3A_57 : i1 to i32
      %cond3A_59 = arith.constant 0 : i32
      %cond3A_60 = arith.cmpi ne, %convert_element_type3A_58, %cond3A_59 : i32
      scf.if %cond3A_60 {
        %add3A_75 = arith.constant 1 : i32
        %add3A_76 = arith.addi %arg0, %add3A_75 : i32
        %mul3A = arith.constant 16384 : i32
        %mul3A_77 = arith.muli %add3A_76, %mul3A : i32
        %dma_start3A = arith.constant 0 : i32
        %dma_start3A_78 = arith.constant 0 : i32
        %dma_start3A_79 = tpu.memref_slice %arg3[%dma_start3A, %dma_start3A_78] : memref<64x16384xf32, #tpu.memory_space<vmem>> -> memref<64x512xf32, #tpu.memory_space<vmem>>
        %dma_start3A_80 = arith.constant 0 : i32
        %dma_start3A_81 = tpu.memref_slice %arg1[%dma_start3A_80, %mul3A_77] : memref<64x1000000xf32, #tpu.memory_space<any>> -> memref<64x512xf32, #tpu.memory_space<any>>
        tpu.enqueue_dma source(%dma_start3A_81 : memref<64x512xf32, #tpu.memory_space<any>>) target(%dma_start3A_79 : memref<64x512xf32, #tpu.memory_space<vmem>>) target_semaphore(%arg7 : memref<!tpu.dma_semaphore, #tpu.memory_space<semaphore_mem>>)
      } else {
      }
      %ge3A = arith.constant 2 : i32
      %ge3A_61 = arith.cmpi sge, %arg0, %ge3A : i32
      %convert_element_type3A_62 = arith.extui %ge3A_61 : i1 to i32
      %cond3A_63 = arith.constant 0 : i32
      %cond3A_64 = arith.cmpi ne, %convert_element_type3A_62, %cond3A_63 : i32
      scf.if %cond3A_64 {
        %sub3A = arith.constant 2 : i32
        %sub3A_75 = arith.subi %arg0, %sub3A : i32
        %mul3A = arith.constant 16384 : i32
        %mul3A_76 = arith.muli %sub3A_75, %mul3A : i32
        %dma_wait3A = arith.constant 0 : i32
        %dma_wait3A_77 = tpu.memref_slice %arg2[%mul3A_76, %dma_wait3A] : memref<1000000x128xf32, #tpu.memory_space<any>> -> memref<16384x128xf32, #tpu.memory_space<any>>
        %dma_wait3A_78 = arith.constant 0 : i32
        %dma_wait3A_79 = arith.constant 0 : i32
        %dma_wait3A_80 = tpu.memref_slice %arg6[%dma_wait3A_78, %dma_wait3A_79] : memref<16384x128xf32, #tpu.memory_space<vmem>> -> memref<16384x128xf32, #tpu.memory_space<vmem>>
        tpu.wait_dma2 semaphore(%arg10 : memref<!tpu.dma_semaphore, #tpu.memory_space<semaphore_mem>>) src(%dma_wait3A_80 : memref<16384x128xf32, #tpu.memory_space<vmem>>) dst(%dma_wait3A_77 : memref<16384x128xf32, #tpu.memory_space<any>>)
      } else {
      }
      %lt3A_65 = arith.constant 61 : i32
      %lt3A_66 = arith.cmpi slt, %arg0, %lt3A_65 : i32
      %convert_element_type3A_67 = arith.extui %lt3A_66 : i1 to i32
      %cond3A_68 = arith.constant 0 : i32
      %cond3A_69 = arith.cmpi ne, %convert_element_type3A_67, %cond3A_68 : i32
      scf.if %cond3A_69 {
        %get3A = arith.constant 0 : index
        %get3A_75 = arith.constant 0 : index
        %get3A_76 = vector.load %arg4[%get3A, %get3A_75] : memref<64x16384xf32, #tpu.memory_space<vmem>>, vector<64x16384xf32>
        %transpose3A = tpu.transpose %get3A_76, [1, 0] : vector<64x16384xf32> -> vector<16384x64xf32>
        %swap3A = arith.constant 0 : index
        %swap3A_77 = arith.constant 0 : index
        %swap3A_78 = vector.load %arg6[%swap3A, %swap3A_77] : memref<16384x128xf32, #tpu.memory_space<vmem>>, vector<16384x64xf32>
        tpu.vector_store %arg6[%swap3A, %swap3A_77], %transpose3A {strides = array<i32>} : memref<16384x128xf32, #tpu.memory_space<vmem>>, vector<16384x64xf32>,
        %mul3A = arith.constant 16384 : i32
        %mul3A_79 = arith.muli %arg0, %mul3A : i32
        %dma_start3A = arith.constant 0 : i32
        %dma_start3A_80 = tpu.memref_slice %arg2[%mul3A_79, %dma_start3A] : memref<1000000x128xf32, #tpu.memory_space<any>> -> memref<16384x128xf32, #tpu.memory_space<any>>
        %dma_start3A_81 = arith.constant 0 : i32
        %dma_start3A_82 = arith.constant 0 : i32
        %dma_start3A_83 = tpu.memref_slice %arg6[%dma_start3A_81, %dma_start3A_82] : memref<16384x128xf32, #tpu.memory_space<vmem>> -> memref<16384x128xf32, #tpu.memory_space<vmem>>
        tpu.enqueue_dma source(%dma_start3A_83 : memref<16384x128xf32, #tpu.memory_space<vmem>>) target(%dma_start3A_80 : memref<16384x128xf32, #tpu.memory_space<any>>) target_semaphore(%arg10 : memref<!tpu.dma_semaphore, #tpu.memory_space<semaphore_mem>>)
      } else {
      }
      %eq3A_70 = arith.constant 61 : i32
      %eq3A_71 = arith.cmpi eq, %arg0, %eq3A_70 : i32
      %convert_element_type3A_72 = arith.extui %eq3A_71 : i1 to i32
      %cond3A_73 = arith.constant 0 : i32
      %cond3A_74 = arith.cmpi ne, %convert_element_type3A_72, %cond3A_73 : i32
      scf.if %cond3A_74 {
        %get3A = arith.constant 0 : index
        %get3A_75 = arith.constant 0 : index
        %get3A_76 = vector.load %arg4[%get3A, %get3A_75] : memref<64x16384xf32, #tpu.memory_space<vmem>>, vector<64x512xf32>
        %transpose3A = tpu.transpose %get3A_76, [1, 0] : vector<64x512xf32> -> vector<512x64xf32>
        %swap3A = arith.constant 0 : index
        %swap3A_77 = arith.constant 0 : index
        %swap3A_78 = vector.load %arg6[%swap3A, %swap3A_77] : memref<16384x128xf32, #tpu.memory_space<vmem>>, vector<512x64xf32>
        tpu.vector_store %arg6[%swap3A, %swap3A_77], %transpose3A {strides = array<i32>} : memref<16384x128xf32, #tpu.memory_space<vmem>>, vector<512x64xf32>,
        %mul3A = arith.constant 16384 : i32
        %mul3A_79 = arith.muli %arg0, %mul3A : i32
        %dma_start3A = arith.constant 0 : i32
        %dma_start3A_80 = tpu.memref_slice %arg2[%mul3A_79, %dma_start3A] : memref<1000000x128xf32, #tpu.memory_space<any>> -> memref<512x128xf32, #tpu.memory_space<any>>
        %dma_start3A_81 = arith.constant 0 : i32
        %dma_start3A_82 = arith.constant 0 : i32
        %dma_start3A_83 = tpu.memref_slice %arg6[%dma_start3A_81, %dma_start3A_82] : memref<16384x128xf32, #tpu.memory_space<vmem>> -> memref<512x128xf32, #tpu.memory_space<vmem>>
        tpu.enqueue_dma source(%dma_start3A_83 : memref<512x128xf32, #tpu.memory_space<vmem>>) target(%dma_start3A_80 : memref<512x128xf32, #tpu.memory_space<any>>) target_semaphore(%arg10 : memref<!tpu.dma_semaphore, #tpu.memory_space<semaphore_mem>>)
        %mul3A_84 = arith.constant 16384 : i32
        %mul3A_85 = arith.muli %arg0, %mul3A_84 : i32
        %dma_wait3A = arith.constant 0 : i32
        %dma_wait3A_86 = tpu.memref_slice %arg2[%mul3A_85, %dma_wait3A] : memref<1000000x128xf32, #tpu.memory_space<any>> -> memref<512x128xf32, #tpu.memory_space<any>>
        %dma_wait3A_87 = arith.constant 0 : i32
        %dma_wait3A_88 = arith.constant 0 : i32
        %dma_wait3A_89 = tpu.memref_slice %arg6[%dma_wait3A_87, %dma_wait3A_88] : memref<16384x128xf32, #tpu.memory_space<vmem>> -> memref<512x128xf32, #tpu.memory_space<vmem>>
        tpu.wait_dma2 semaphore(%arg10 : memref<!tpu.dma_semaphore, #tpu.memory_space<semaphore_mem>>) src(%dma_wait3A_89 : memref<512x128xf32, #tpu.memory_space<vmem>>) dst(%dma_wait3A_86 : memref<512x128xf32, #tpu.memory_space<any>>)
        %sub3A = arith.constant 1 : i32
        %sub3A_90 = arith.subi %arg0, %sub3A : i32
        %mul3A_91 = arith.constant 16384 : i32
        %mul3A_92 = arith.muli %sub3A_90, %mul3A_91 : i32
        %dma_wait3A_93 = arith.constant 0 : i32
        %dma_wait3A_94 = tpu.memref_slice %arg2[%mul3A_92, %dma_wait3A_93] : memref<1000000x128xf32, #tpu.memory_space<any>> -> memref<16384x128xf32, #tpu.memory_space<any>>
        %dma_wait3A_95 = arith.constant 0 : i32
        %dma_wait3A_96 = arith.constant 0 : i32
        %dma_wait3A_97 = tpu.memref_slice %arg5[%dma_wait3A_95, %dma_wait3A_96] : memref<16384x128xf32, #tpu.memory_space<vmem>> -> memref<16384x128xf32, #tpu.memory_space<vmem>>
        tpu.wait_dma2 semaphore(%arg9 : memref<!tpu.dma_semaphore, #tpu.memory_space<semaphore_mem>>) src(%dma_wait3A_97 : memref<16384x128xf32, #tpu.memory_space<vmem>>) dst(%dma_wait3A_94 : memref<16384x128xf32, #tpu.memory_space<any>>)
      } else {
      }
    } else {
    }
    return
  }
}

module attributes {stable_mosaic.version = 14 : i64} {
  func.func @body(%arg0: i32, %arg1: memref<1000000x128xf32, #tpu.memory_space<any>>, %arg2: memref<64x64xf32, #tpu.memory_space<vmem>>, %arg3: memref<1000000x128xf32, #tpu.memory_space<any>>, %arg4: memref<64x128xf32, #tpu.memory_space<vmem>>, %arg5: memref<!tpu.dma_semaphore, #tpu.memory_space<semaphore_mem>>) attributes {dimension_semantics = [#tpu.dimension_semantics<arbitrary>], iteration_bounds = array<i64: 1>, scalar_prefetch = 0 : i64, scratch_operands = 2 : i64, tpu.core_type = #tpu.core_type<tc>, window_params = [{}, {pipeline_mode = #tpu.pipeline_mode<synchronous>, transform_indices = @transform_1, window_bounds = array<i64: 64, 64>}, {}]} {
    %get3A = arith.constant 0 : index
    %get3A_0 = arith.constant 0 : index
    %get3A_1 = vector.load %arg2[%get3A, %get3A_0] : memref<64x64xf32, #tpu.memory_space<vmem>>, vector<64x64xf32>
    %swap3A = arith.constant 0 : index
    %swap3A_2 = arith.constant 0 : index
    %swap3A_3 = vector.load %arg4[%swap3A, %swap3A_2] : memref<64x128xf32, #tpu.memory_space<vmem>>, vector<64x64xf32>
    tpu.vector_store %arg4[%swap3A, %swap3A_2], %get3A_1 {strides = array<i32>} : memref<64x128xf32, #tpu.memory_space<vmem>>, vector<64x64xf32>,
    %dma_start3A = arith.constant 999936 : i32
    %dma_start3A_4 = arith.constant 0 : i32
    %dma_start3A_5 = tpu.memref_slice %arg3[%dma_start3A, %dma_start3A_4] : memref<1000000x128xf32, #tpu.memory_space<any>> -> memref<64x128xf32, #tpu.memory_space<any>>
    tpu.enqueue_dma source(%arg4 : memref<64x128xf32, #tpu.memory_space<vmem>>) target(%dma_start3A_5 : memref<64x128xf32, #tpu.memory_space<any>>) target_semaphore(%arg5 : memref<!tpu.dma_semaphore, #tpu.memory_space<semaphore_mem>>)
    %dma_wait3A = arith.constant 999936 : i32
    %dma_wait3A_6 = arith.constant 0 : i32
    %dma_wait3A_7 = tpu.memref_slice %arg3[%dma_wait3A, %dma_wait3A_6] : memref<1000000x128xf32, #tpu.memory_space<any>> -> memref<64x128xf32, #tpu.memory_space<any>>
    tpu.wait_dma2 semaphore(%arg5 : memref<!tpu.dma_semaphore, #tpu.memory_space<semaphore_mem>>) src(%arg4 : memref<64x128xf32, #tpu.memory_space<vmem>>) dst(%dma_wait3A_7 : memref<64x128xf32, #tpu.memory_space<any>>)
    return
  }
  func.func @transform_1(%arg0: i32) -> (i32, i32) {
    %c0_i32 = arith.constant 0 : i32
    %c0_i32_0 = arith.constant 0 : i32
    %c0_i32_1 = arith.constant 0 : i32
    return %c0_i32, %c0_i32_0 : i32, i32
  }
}

module attributes {stable_mosaic.version = 14 : i64} {
  func.func @body(%arg0: i32, %arg1: memref<2048x64xf32, #tpu.memory_space<vmem>>, %arg2: memref<64x256xf32, #tpu.memory_space<vmem>>, %arg3: memref<1x256xf32, #tpu.memory_space<vmem>>, %arg4: memref<1x64xf32, #tpu.memory_space<vmem>>, %arg5: memref<1x1xf32, #tpu.memory_space<smem>>, %arg6: memref<2048x256xf32, #tpu.memory_space<vmem>>, %arg7: memref<2048x256xf32, #tpu.memory_space<vmem>>, %arg8: memref<2048x256xf32, #tpu.memory_space<vmem>>, %arg9: memref<2048x1xf32, #tpu.memory_space<vmem>>) attributes {dimension_semantics = [#tpu.dimension_semantics<arbitrary>], iteration_bounds = array<i64: 8>, scalar_prefetch = 0 : i64, scratch_operands = 0 : i64, tpu.core_type = #tpu.core_type<tc>, window_params = [{transform_indices = @transform_0, window_bounds = array<i64: 2048, 64>}, {pipeline_mode = #tpu.pipeline_mode<synchronous>, transform_indices = @transform_1, window_bounds = array<i64: 64, 256>}, {pipeline_mode = #tpu.pipeline_mode<synchronous>, transform_indices = @transform_2, window_bounds = array<i64: 1, 256>}, {pipeline_mode = #tpu.pipeline_mode<synchronous>, transform_indices = @transform_3, window_bounds = array<i64: 1, 64>}, {transform_indices = @transform_4, window_bounds = array<i64: 1, 1>}, {transform_indices = @transform_5, window_bounds = array<i64: 2048, 256>}, {transform_indices = @transform_6, window_bounds = array<i64: 2048, 256>}, {transform_indices = @transform_7, window_bounds = array<i64: 2048, 256>}, {transform_indices = @transform_8, window_bounds = array<i64: 2048, 1>}]} {
    %get3A = arith.constant 0 : index
    %get3A_0 = arith.constant 0 : index
    %get3A_1 = vector.load %arg1[%get3A, %get3A_0] : memref<2048x64xf32, #tpu.memory_space<vmem>>, vector<2048x64xf32>
    %get3A_2 = arith.constant 0 : index
    %get3A_3 = arith.constant 0 : index
    %get3A_4 = vector.load %arg2[%get3A_2, %get3A_3] : memref<64x256xf32, #tpu.memory_space<vmem>>, vector<64x256xf32>
    %dot_general3A = arith.constant dense<0.000000e+00> : vector<2048x256xf32>
    %dot_general3A_5 = tpu.matmul %get3A_1, %get3A_4, %dot_general3A {dimension_numbers = #tpu.dot_dimension_numbers<[1], [0], [0], [1], [0, 0, 1, 1], [], []>, transpose_lhs_hint = false} : vector<2048x64xf32>, vector<64x256xf32>, vector<2048x256xf32> -> vector<2048x256xf32>
    %get3A_6 = arith.constant 0 : index
    %get3A_7 = arith.constant 0 : index
    %get3A_8 = vector.load %arg3[%get3A_6, %get3A_7] : memref<1x256xf32, #tpu.memory_space<vmem>>, vector<1x256xf32>
    %add3A = vector.broadcast %get3A_8 : vector<1x256xf32> to vector<2048x256xf32>
    %add3A_9 = arith.addf %dot_general3A_5, %add3A : vector<2048x256xf32>
    %logistic3A = arith.negf %add3A_9 : vector<2048x256xf32>
    %logistic3A_10 = math.exp %logistic3A : vector<2048x256xf32>
    %logistic3A_11 = arith.constant 1.000000e+00 : f32
    %logistic3A_12 = vector.broadcast %logistic3A_11 : f32 to vector<2048x256xf32>
    %logistic3A_13 = arith.addf %logistic3A_12, %logistic3A_10 : vector<2048x256xf32>
    %logistic3A_14 = arith.divf %logistic3A_12, %logistic3A_13 : vector<2048x256xf32>
    %swap3A = arith.constant 0 : index
    %swap3A_15 = arith.constant 0 : index
    %swap3A_16 = vector.load %arg8[%swap3A, %swap3A_15] : memref<2048x256xf32, #tpu.memory_space<vmem>>, vector<2048x256xf32>
    tpu.vector_store %arg8[%swap3A, %swap3A_15], %logistic3A_14 {strides = array<i32>} : memref<2048x256xf32, #tpu.memory_space<vmem>>, vector<2048x256xf32>,
    %get3A_17 = arith.constant 0 : index
    %get3A_18 = arith.constant 0 : index
    %get3A_19 = vector.load %arg6[%get3A_17, %get3A_18] : memref<2048x256xf32, #tpu.memory_space<vmem>>, vector<2048x256xf32>
    %lt3A = arith.cmpf olt, %get3A_19, %logistic3A_14 : vector<2048x256xf32>
    %convert_element_type3A = arith.extui %lt3A : vector<2048x256xi1> to vector<2048x256xi32>
    %convert_element_type3A_20 = arith.sitofp %convert_element_type3A : vector<2048x256xi32> to vector<2048x256xf32>
    %swap3A_21 = arith.constant 0 : index
    %swap3A_22 = arith.constant 0 : index
    %swap3A_23 = vector.load %arg7[%swap3A_21, %swap3A_22] : memref<2048x256xf32, #tpu.memory_space<vmem>>, vector<2048x256xf32>
    tpu.vector_store %arg7[%swap3A_21, %swap3A_22], %convert_element_type3A_20 {strides = array<i32>} : memref<2048x256xf32, #tpu.memory_space<vmem>>, vector<2048x256xf32>,
    %get3A_24 = arith.constant 0 : index
    %get3A_25 = arith.constant 0 : index
    %get3A_26 = vector.load %arg4[%get3A_24, %get3A_25] : memref<1x64xf32, #tpu.memory_space<vmem>>, vector<1x64xf32>
    %mul3A = vector.broadcast %get3A_26 : vector<1x64xf32> to vector<2048x64xf32>
    %mul3A_27 = arith.mulf %get3A_1, %mul3A : vector<2048x64xf32>
    %reduce_sum3A = arith.constant dense<0.000000e+00> : vector<2048xf32>
    %reduce_sum3A_28 = vector.multi_reduction <add>, %mul3A_27, %reduce_sum3A [1] : vector<2048x64xf32> to vector<2048xf32>
    %broadcast_in_dim3A = vector.shape_cast %reduce_sum3A_28 : vector<2048xf32> to vector<2048x1xf32>
    %get3A_29 = arith.constant 0 : index
    %get3A_30 = arith.constant 0 : index
    %get3A_31 = memref.load %arg5[%get3A_29, %get3A_30] : memref<1x1xf32, #tpu.memory_space<smem>>
    %add3A_32 = vector.broadcast %get3A_31 : f32 to vector<2048x1xf32>
    %add3A_33 = arith.addf %broadcast_in_dim3A, %add3A_32 : vector<2048x1xf32>
    %swap3A_34 = arith.constant 0 : index
    %swap3A_35 = arith.constant 0 : index
    %swap3A_36 = vector.load %arg9[%swap3A_34, %swap3A_35] : memref<2048x1xf32, #tpu.memory_space<vmem>>, vector<2048x1xf32>
    tpu.vector_store %arg9[%swap3A_34, %swap3A_35], %add3A_33 {strides = array<i32>} : memref<2048x1xf32, #tpu.memory_space<vmem>>, vector<2048x1xf32>,
    return
  }
  func.func @transform_0(%arg0: i32) -> (i32, i32) {
    %c0_i32 = arith.constant 0 : i32
    %c0_i32_0 = arith.constant 0 : i32
    return %arg0, %c0_i32 : i32, i32
  }
  func.func @transform_1(%arg0: i32) -> (i32, i32) {
    %c0_i32 = arith.constant 0 : i32
    %c0_i32_0 = arith.constant 0 : i32
    %c0_i32_1 = arith.constant 0 : i32
    return %c0_i32, %c0_i32_0 : i32, i32
  }
  func.func @transform_2(%arg0: i32) -> (i32, i32) {
    %c0_i32 = arith.constant 0 : i32
    %c0_i32_0 = arith.constant 0 : i32
    %c0_i32_1 = arith.constant 0 : i32
    return %c0_i32, %c0_i32_0 : i32, i32
  }
  func.func @transform_3(%arg0: i32) -> (i32, i32) {
    %c0_i32 = arith.constant 0 : i32
    %c0_i32_0 = arith.constant 0 : i32
    %c0_i32_1 = arith.constant 0 : i32
    return %c0_i32, %c0_i32_0 : i32, i32
  }
  func.func @transform_4(%arg0: i32) -> (i32, i32) {
    %c0_i32 = arith.constant 0 : i32
    %c0_i32_0 = arith.constant 0 : i32
    %c0_i32_1 = arith.constant 0 : i32
    return %c0_i32, %c0_i32_0 : i32, i32
  }
  func.func @transform_5(%arg0: i32) -> (i32, i32) {
    %c0_i32 = arith.constant 0 : i32
    %c0_i32_0 = arith.constant 0 : i32
    return %arg0, %c0_i32 : i32, i32
  }
  func.func @transform_6(%arg0: i32) -> (i32, i32) {
    %c0_i32 = arith.constant 0 : i32
    %c0_i32_0 = arith.constant 0 : i32
    return %arg0, %c0_i32 : i32, i32
  }
  func.func @transform_7(%arg0: i32) -> (i32, i32) {
    %c0_i32 = arith.constant 0 : i32
    %c0_i32_0 = arith.constant 0 : i32
    return %arg0, %c0_i32 : i32, i32
  }
  func.func @transform_8(%arg0: i32) -> (i32, i32) {
    %c0_i32 = arith.constant 0 : i32
    %c0_i32_0 = arith.constant 0 : i32
    return %arg0, %c0_i32 : i32, i32
  }
}

</mosaic_0001>

<sc_bundles>
// kernel: kernel.6.cloned.1.call-start
scs
__scs_entry_jumppad:
0x0: {  	(pc) =	sbr.rel $0x88, $3  }
0x1: {  	(tag) =	ssettag $0x0;
	lr =	simm.s32 $0x1  }
0x2: {  	[smem:$0x3F9B] =	sst lr;
	_ =	strace $0xD0000000  }
0x3: {  	_ = 	snop  }
0x4: {  	_ = 	snop  }
0x5: {  	_ = 	snop  }
0x6: {  	_ = 	snop  }
0x7: {  	_ = 	snop  }
__scs_overlays_trampoline_lowered:
0x8: {  	[smem:$0x3FAA] =	sst s0  }
0x9: {  	[smem:$0x3FAB] =	sst s1  }
0xa: {  	[smem:$0x3FAC] =	sst s2  }
0xb: {  	[smem:$0x3FAD] =	sst s3  }
0xc: {  	[smem:$0x3FAE] =	sst s4  }
0xd: {  	[smem:$0x3FAF] =	sst s5  }
0xe: {  	[smem:$0x3FB0] =	sst s6  }
0xf: {  	[smem:$0x3FB1] =	sst s7  }
0x10: {  	[smem:$0x3FB2] =	sst s8  }
0x11: {  	[smem:$0x3FB3] =	sst s9;
	s0 =	simm.s32 @!p0 $0x0  }
0x12: {  	s1 =	sld [smem:$0x3F99];
	s0 =	simm.s32 @p0 $0x1  }
0x13: {  	[smem:$0x3FB4] =	sst s0;
	s0 =	simm.s32 @!p1 $0x0  }
0x14: {  	s2 =	sld [smem:$0x3F98];
	s0 =	simm.s32 @p1 $0x1  }
0x15: {  	[smem:$0x3FB5] =	sst s0;
	s0 =	simm.s32 @!p2 $0x0  }
0x16: {  	s3 =	sld [smem:$0x3FDB];
	s0 =	simm.s32 @p2 $0x1  }
0x17: {  	s4 =	simm.s32 $0x1BF5;
	[smem:$0x3FB7] =	sst s0  }
0x18: {  	s0 =	sld [smem:$0x3F9A];
	_ =	swait.ge [sflag:s4], $0x0  }
0x19: {  	s7 =	sld [smem:$0x3F9B]  }
0x1a: {  	s8 =	sadd.s32 $0xFFFFE003, lr  }
0x1b: {  	s9 =	sadd.s32 $0xFFFFFEF7, lr;
	s5 =	simm.s32 $0xFFFFFFFF;
	p2 =	slt.u32 s8, $0xFFFFF086  }
0x1c: {  	p1 =	slt.u32 s9, $0xF7A;
	s5 =	simm.s32 @!p2 $0x0  }
0x1d: {  	s5 =	simm.s32 @p1 $0x1;
	p0 =	seq.s32 s7, s2  }
0x1e: {  	s7 =	smul.u32 @!p0 $0xF7A, s2;
	p2 =	seq.s32 @!p0 s5, $0x0  }
0x1f: {  	s9 =	smul.u32 $0xF7A, s1;
	s8 =	simm.s32 @!p0 $0x1BF5;
	p2 =	por !p2, p0  }
0x20: {  	[sflag:s8] =	ssyncset.s32 @!p0 $0xFFFFF086;
	s6 =	sadd.s32 @!p0 s3, s7;
	s7 =	simm.s32 @!p0 $0x108  }
0x21: {  	s3 =	sadd.s32 s3, s9;
	s6 =	sadd.s32 @!p0 $0x88, s6;
	s7 =	simm.s32 @p2 $0x1082  }
0x22: {  	[simem:s7], [sflag:s8] =	dma.local @!p0 [hbm:s6], $0xF7A  }
0x23: {  	s9 =	sor.u32 $0xD0000000, s2;
	s6 =	simm.s32 $0x108;
	_ =	swait.ge @!p0 [sflag:s8], $0x0  }
0x24: {  	s3 =	sadd.s32 $0x88, s3;
	s6 =	simm.s32 @!p1 $0x1082;
	[sflag:s4] =	ssyncset.s32 $0xFFFFF086  }
0x25: {  	[simem:s6], [sflag:s4] =	dma.local [hbm:s3], $0xF7A  }
0x26: {  	[smem:$0x3F9B] =	sst s1;
	(tag) =	ssettag s2;
	_ =	strace s9  }
0x27: {  	s1 =	sld [smem:$0x3FAB]  }
0x28: {  	s2 =	sld [smem:$0x3FAC]  }
0x29: {  	s4 =	sld [smem:$0x3FAE]  }
0x2a: {  	p0 =	seq.s32 s5, $0x0;
	s5 =	sld [smem:$0x3FAF]  }
0x2b: {  	s6 =	sld [smem:$0x3FB0]  }
0x2c: {  	s7 =	sld [smem:$0x3FB1]  }
0x2d: {  	s3 =	simm.s32 $0x108;
	s8 =	sld [smem:$0x3FB2]  }
0x2e: {  	s3 =	simm.s32 @!p0 $0x1082;
	s9 =	sld [smem:$0x3FB3]  }
0x2f: {  	lr =	sadd.s32 s0, s3;
	s0 =	sld [smem:$0x3FAA]  }
0x30: {  	s3 =	sld [smem:$0x3FAD]  }
0x31: {  	[smem:$0x3FB6] =	sst s10  }
0x32: {  	s10 =	sld [smem:$0x3FB4];
	_ =	sdelay $0x3  }
0x33: {  	p0 =	seq.s32 s10, $0x1;
	s10 =	sld [smem:$0x3FB6];
	_ =	sdelay $0x3  }
0x34: {  	[smem:$0x3FB6] =	sst s10  }
0x35: {  	s10 =	sld [smem:$0x3FB5];
	_ =	sdelay $0x3  }
0x36: {  	p1 =	seq.s32 s10, $0x1;
	s10 =	sld [smem:$0x3FB6];
	_ =	sdelay $0x3  }
0x37: {  	[smem:$0x3FB6] =	sst s10  }
0x38: {  	s10 =	sld [smem:$0x3FB7]  }
0x39: {  	_ = 	snop;
	(pc) =	sbr.ind lr, $3  }
0x3a: {  	_ = 	snop  }
0x3b: {  	_ = 	snop  }
0x3c: {  	p2 =	seq.s32 s10, $0x1;
	s10 =	sld [smem:$0x3FB6]  }
0x3d: {  	_ =	shalt  }
0x3e: {  	_ =	shalt  }
0x3f: {  	_ =	shalt  }
0x40: {  	_ =	shalt  }
0x41: {  	_ =	shalt  }
0x42: {  	_ =	shalt  }
0x43: {  	_ =	shalt  }
0x44: {  	_ =	shalt  }
0x45: {  	_ =	shalt  }
0x46: {  	_ =	shalt  }
0x47: {  	_ =	shalt  }
0x48: {  	_ =	shalt  }
0x49: {  	_ =	shalt  }
0x4a: {  	_ =	shalt  }
0x4b: {  	_ =	shalt  }
0x4c: {  	_ =	shalt  }
0x4d: {  	_ =	shalt  }
0x4e: {  	_ =	shalt  }
0x4f: {  	_ =	shalt  }
0x50: {  	_ =	shalt  }
0x51: {  	_ =	shalt  }
0x52: {  	_ =	shalt  }
0x53: {  	_ =	shalt  }
0x54: {  	_ =	shalt  }
0x55: {  	_ =	shalt  }
0x56: {  	_ =	shalt  }
0x57: {  	_ =	shalt  }
0x58: {  	_ =	shalt  }
0x59: {  	_ =	shalt  }
0x5a: {  	_ =	shalt  }
0x5b: {  	_ =	shalt  }
0x5c: {  	_ =	shalt  }
0x5d: {  	_ =	shalt  }
0x5e: {  	_ =	shalt  }
0x5f: {  	_ =	shalt  }
0x60: {  	_ =	shalt  }
0x61: {  	_ =	shalt  }
0x62: {  	_ =	shalt  }
0x63: {  	_ =	shalt  }
0x64: {  	_ =	shalt  }
0x65: {  	_ =	shalt  }
0x66: {  	_ =	shalt  }
0x67: {  	_ =	shalt  }
0x68: {  	_ =	shalt  }
0x69: {  	_ =	shalt  }
0x6a: {  	_ =	shalt  }
0x6b: {  	_ =	shalt  }
0x6c: {  	_ =	shalt  }
0x6d: {  	_ =	shalt  }
0x6e: {  	_ =	shalt  }
0x6f: {  	_ =	shalt  }
0x70: {  	_ =	shalt  }
0x71: {  	_ =	shalt  }
0x72: {  	_ =	shalt  }
0x73: {  	_ =	shalt  }
0x74: {  	_ =	shalt  }
0x75: {  	_ =	shalt  }
0x76: {  	_ =	shalt  }
0x77: {  	_ =	shalt  }
0x78: {  	_ =	shalt  }
0x79: {  	_ =	shalt  }
0x7a: {  	_ =	shalt  }
0x7b: {  	_ =	shalt  }
0x7c: {  	_ =	shalt  }
0x7d: {  	_ =	shalt  }
0x7e: {  	_ =	shalt  }
0x7f: {  	_ =	shalt  }
0x80: {  	_ =	shalt  }
0x81: {  	_ =	shalt  }
0x82: {  	_ =	shalt  }
0x83: {  	_ =	shalt  }
0x84: {  	_ =	shalt  }
0x85: {  	_ =	shalt  }
0x86: {  	_ =	shalt  }
0x87: {  	_ =	shalt  }
.Lfunc_end0:
.L_simem_size_0:
called_computation_lowered:
.L_overlay_start_0:
0x88: {  	s2 =	sld [smem:$0x3FD9]  }
0x89: {  	s3 =	sld [smem:$0x3FFE];
	_ =	sdelay $0x1  }
0x8a: {  	s1 =	srdreg.scid  }
0x8b: {  	s0 =	sand.u32 $0x1, s1  }
0x8c: {  	s14 =	sshll.u32 s0, $0xA;
	s2 =	sadd.s32 s3, s2  }
0x8d: {  	s2 =	sadd.s32 s2, s14  }
0x8e: {  	[smem:$0x3FC2] =	sst s2  }
0x8f: {  	_ = 	snop  }
0x90: {  	s2 =	sld [smem:$0x3FD0];
	_ =	sdelay $0x2  }
0x91: {  	s15 =	simm.s32 $0xA;
	s4 =	simm.s32 $0x10  }
0x92: {  	[smem:s4], [sflag:s15] =	dma.local [hbm:s2], $0x1  }
0x93: {  	_ =	swait.eq [sflag:s15], $0x1  }
0x94: {  	[sflag:s15] =	ssyncset.done $0x0  }
0x95: {  	s16 =	sld [smem:$0x10];
	[sflag:s15] =	ssyncadd.s32 $0xFFFFFFFF  }
0x96: {  	s17 =	sld [smem:$0x11];
	(tm) =	ssettm $0x1  }
0x97: {  	s18 =	sld [smem:$0x3FFB];
	_ =	sdelay $0x3  }
0x98: {  	_ =	strace s18  }
0x99: {  	s4 =	sld [smem:$0x3FFC];
	_ =	sdelay $0x3  }
0x9a: {  	_ =	strace s4  }
0x9b: {  	s4 =	sld [smem:$0x3FFD];
	_ =	sdelay $0x3  }
0x9c: {  	_ =	strace s4  }
0x9d: {  	_ =	strace $0x8FFFFFFF  }
0x9e: {  	s19 =	sld [smem:$0x3FDB];
	_ =	sdelay $0x1  }
0x9f: {  	s5 =	simm.s32 $_scs_section_size  }
0xa0: {  	s6 =	simm.s32 $_size__tile_overlayer_lowered;
	s7 =	simm.s32 $_tile_overlayer_lowered  }
0xa1: {  	s22 =	simm.s32 $0x1BFF;
	s21 =	sshll.u32 s7, $0x1;
	s4 =	sadd.s32 s5, s19  }
0xa2: {  	s8 =	simm.s32 $0x0;
	s20 =	sshll.u32 s6, $0x1;
	s6 =	sadd.s32 s21, s4  }
0xa3: {  	[timem:s8], [sflag:s22] =	dma.local [hbm:s6], s20  }
0xa4: {  	_ =	swait.ge [sflag:s22], s20  }
0xa5: {  	s5 =	ssub.s32 $0x0, s20;
	[sflag:s22] =	ssyncset.done $0x0  }
0xa6: {  	[sflag:s22] =	ssyncadd.s32 s5;
	_ =	sdelay $0x1  }
0xa7: {  	s23 =	simm.s32 $0x1B8B  }
0xa8: {  	_ =	swait.ge [sflag:s23], $0x1  }
0xa9: {  	[sflag:s23] =	ssyncset.done $0x0  }
0xaa: {  	s25 =	simm.s32 $0x1B8E;
	s24 =	sld [smem:$0x3FFE];
	[sflag:s23] =	ssyncadd.s32 $0xFFFFFFFF  }
0xab: {  	s26 =	simm.s32 $execute0_lowered;
	[smem:$0x3FD2] =	sst s25  }
0xac: {  	s6 =	sshll.u32 s26, $0x1;
	_ =	strace $0x80000046;
	[dreg:$0x1] =	wrdreg $0xFFFFFFFF  }
0xad: {  	s28 =	simm.s32 $_size_execute0_lowered;
	s4 =	sadd.s32 s4, s6;
	[dreg:$0x0] =	wrdreg $0x0  }
0xae: {  	s6 =	sshll.u32 s28, $0x1;
	[dreg:$0x2] =	wrdreg s4  }
0xaf: {  	[dreg:$0x3] =	wrdreg s6  }
0xb0: {  	[dreg:$0x4] =	wrdreg $0xC0  }
0xb1: {  	_ =	task [dreg:s8], $0x5FFFF  }
0xb2: {  	[dreg:$0x1] =	wrdreg $0xFFFFFFFF  }
0xb3: {  	[dreg:$0x0] =	wrdreg $0x60  }
0xb4: {  	[dreg:$0x2] =	wrdreg s17  }
0xb5: {  	[dreg:$0x3] =	wrdreg s24  }
0xb6: {  	[dreg:$0x4] =	wrdreg s16  }
0xb7: {  	[dreg:$0x5] =	wrdreg $0x9  }
0xb8: {  	_ =	task.clear_ibuf [dreg:s8], $0x6FFFF;
	_ =	strace $0x90000046  }
0xb9: {  	s29 =	simm.s32 $0x9;
	_ =	strace $0x80000048  }
0xba: {  	_ =	swait.ge [sflag:s29], $0x1  }
0xbb: {  	[sflag:s29] =	ssyncadd.s32 $0xFFFFFFFF  }
0xbc: {  	_ =	strace $0x90000048  }
0xbd: {  	_ =	sfence  }
0xbe: {  	s30 =	sld [smem:$0x0];
	_ =	sdelay $0x2  }
0xbf: {  	s31 =	sshll.u32 s1, $0xD;
	s1 =	sshrl.u32 s1, $0x2  }
0xc0: {  	s3 =	sand.u32 $0x4000, s31;
	s1 =	sadd.s32 s1, s30  }
0xc1: {  	s0 =	sor.u32 s3, s0;
	s1 =	sshll.u32 s1, $0x11  }
0xc2: {  	s0 =	sor.u32 s1, s0  }
0xc3: {  	s0 =	sadd.s32 $0x8F2B, s0  }
0xc4: {  	[sflag:s0] =	ssyncadd.remote.s32 $0x1  }
0xc5: {  	_ =	sfence.sel $0xFFFF  }
0xc6: {  	[dreg:$0x0] =	wrdreg $0xFFFFFFFF;
	(pc) =	sbr.abs _section_cstart, $3  }
0xc7: {  	[dreg:$0x1] =	wrdreg $0xFFFFFFFF  }
0xc8: {  	_ =	task.clear_ibuf [dreg:s8], $0x2FFFF;
	_ =	strace $0x9FFFFFFF  }
0xc9: {  	(tm) =	ssettm $0x7FFFFFFF  }
tec
execute0_lowered:
.L_overlay_start_1:
0x0: {  	(tag) =	ssettag $0x1  }
0x1: {  	s2 =	rddreg [dreg:$0x0]  }
0x2: {  	s0 =	rddreg [dreg:$0x1]  }
0x3: {  	s1 =	rddreg [dreg:$0x2]  }
0x4: {  	s3 =	srdreg.scid;
	s5 =	stileid.u32;
	s10 =	simm.s32 $0x3  }
0x5: {  	s11 =	simm.s32 $0x50;
	s19 =	simm.s32 $0x5320;
	s20 =	simm.s32 $0x190  }
0x6: {  	s21 =	simm.s32 $0x6720;
	s22 =	simm.s32 $0x1E0;
	s23 =	simm.s32 $0x7B20  }
0x7: {  	s28 =	simm.s32 $0xA320;
	s29 =	simm.s32 $0x2D0;
	s30 =	simm.s32 $0xB720  }
0x8: {  	s31 =	simm.s32 $0x1;
	s12 =	simm.s32 $0x0;
	s4 =	sand.u32 $0x1, s3  }
0x9: {  	s5 =	sshll.u32 s5, $0x1;
	s3 =	simm.s32 $0x0;
	s6 =	ssub.s32 $0x2, s4  }
0xa: {  	s7 =	sor.u32 s4, s5;
	[smem:$0x7FF] =	sst s3;
	s4 =	sadd.s32 $0x1000, s0  }
0xb: {  	s0 =	simm.s32 $0x2;
	s24 =	sshrl.u32 s6, $0x1;
	s8 =	smul.u32 $0x3200, s7  }
0xc: {  	_ =	strace $0x80000047;
	s5 =	sshll.u32 s7, $0x8;
	s26 =	sshll.u32 s7, $0xC  }
0xd: {  	s25 =	ssub.s32 s6, s24;
	s7 =	sor.u32 $0x2, s5;
	s24 =	simm.s32 $0x230  }
0xe: {  	s6 =	sadd.s32 s2, s8;
	s8 =	sadd.s32 s1, s26;
	s9 =	smax.u32 s25, $0x1  }
0xf: {  	s25 =	simm.s32 $0x8F20;
	s26 =	simm.s32 $0x280;
	s1 =	simm.s32 $0xCB20  }
.LBB2_1:
0x10: {  	[tilespmem:s3], [sflag:$0x3] =	stream.linear.gather [hbm4b:s6+s3], $0x190, $0x38;
	[tilespmem:$0x14B20] =	vst v63  }
0x11: {  	_ =	swait.ge [sflag:s10], $0x190  }
0x12: {  	[sflag:s10] =	ssyncset.done $0x0  }
0x13: {  	s13 =	simm.s32 $0x320;
	[sflag:s10] =	ssyncadd.s32 $0xFFFFFE70  }
0x14: {  	[tilespmem:s13], [sflag:$0x1] =	stream.indirect.gather [hbm4b:s4+s11], $0x40, s3, s11, $0xb8;
	[tilespmem:$0x14B20] =	vst v63  }
0x15: {  	s14 =	simm.s32 $0x1720  }
0x16: {  	[tilespmem:s14], [sflag:$0x1] =	stream.indirect.gather [hbm4b:s4+s11], $0x40, s11, s11, $0xb8;
	[tilespmem:$0x14B20] =	vst v63  }
0x17: {  	s15 =	simm.s32 $0xA0;
	s14 =	simm.s32 $0x2B20  }
0x18: {  	[tilespmem:s14], [sflag:$0x1] =	stream.indirect.gather [hbm4b:s4+s11], $0x40, s15, s11, $0xb8;
	[tilespmem:$0x14B20] =	vst v63  }
0x19: {  	s16 =	simm.s32 $0xF0;
	s17 =	simm.s32 $0x3F20  }
0x1a: {  	[tilespmem:s17], [sflag:$0x1] =	stream.indirect.gather [hbm4b:s4+s11], $0x40, s16, s11, $0xb8;
	[tilespmem:$0x14B20] =	vst v63  }
0x1b: {  	s18 =	simm.s32 $0x140;
	s13 =	simm.s32 $0x0  }
0x1c: {  	[tilespmem:s19], [sflag:$0x1] =	stream.indirect.gather [hbm4b:s4+s11], $0x40, s18, s11, $0xb8;
	[tilespmem:$0x14B20] =	vst v63  }
.LBB2_2:
0x1d: {  	s14 =	sshllo.u32 s13, $0x1  }
0x1e: {  	s15 =	sadd.s32 s5, s14  }
0x1f: {  	s15 =	smul.u32 $0x32, s15;
	_ =	sdelay $0x1  }
0x20: {  	s16 =	simm.s32 $0x0;
	s15 =	sadd.s32 s2, s15  }
0x21: {  	[tilespmem:s20], [sflag:$0x3] =	stream.linear.gather [hbm4b:s15+s16], $0x190, $0x38;
	[tilespmem:$0x14B20] =	vst v63  }
0x22: {  	_ =	swait.ge [sflag:s10], $0x190  }
0x23: {  	[sflag:s10] =	ssyncset.done $0x0  }
0x24: {  	[sflag:s10] =	ssyncadd.s32 $0xFFFFFE70  }
0x25: {  	[tilespmem:s21], [sflag:$0x2] =	stream.indirect.gather [hbm4b:s4+s11], $0x40, s20, s11, $0xb8;
	[tilespmem:$0x14B20] =	vst v63  }
0x26: {  	_ = 	snop  }
0x27: {  	[tilespmem:s23], [sflag:$0x2] =	stream.indirect.gather [hbm4b:s4+s11], $0x40, s22, s11, $0xb8;
	[tilespmem:$0x14B20] =	vst v63  }
0x28: {  	_ = 	snop  }
0x29: {  	[tilespmem:s25], [sflag:$0x2] =	stream.indirect.gather [hbm4b:s4+s11], $0x40, s24, s11, $0xb8;
	[tilespmem:$0x14B20] =	vst v63  }
0x2a: {  	_ = 	snop  }
0x2b: {  	[tilespmem:s28], [sflag:$0x2] =	stream.indirect.gather [hbm4b:s4+s11], $0x40, s26, s11, $0xb8;
	[tilespmem:$0x14B20] =	vst v63  }
0x2c: {  	_ = 	snop  }
0x2d: {  	[tilespmem:s30], [sflag:$0x2] =	stream.indirect.gather [hbm4b:s4+s11], $0x40, s29, s11, $0xb8;
	[tilespmem:$0x14B20] =	vst v63  }
0x2e: {  	_ =	swait.ge [sflag:s31], $0x1400  }
0x2f: {  	[sflag:s31] =	ssyncset.done $0x0  }
0x30: {  	[sflag:s31] =	ssyncadd.s32 $0xFFFFEC00  }
0x31: {  	_ =	swait.ge [sflag:s31], $0x1400  }
0x32: {  	[sflag:s31] =	ssyncset.done $0x0  }
0x33: {  	[sflag:s31] =	ssyncadd.s32 $0xFFFFEC00  }
0x34: {  	_ =	swait.ge [sflag:s31], $0x1400  }
0x35: {  	[sflag:s31] =	ssyncset.done $0x0  }
0x36: {  	[sflag:s31] =	ssyncadd.s32 $0xFFFFEC00  }
0x37: {  	_ =	swait.ge [sflag:s31], $0x1400  }
0x38: {  	[sflag:s31] =	ssyncset.done $0x0  }
0x39: {  	[sflag:s31] =	ssyncadd.s32 $0xFFFFEC00  }
0x3a: {  	_ =	swait.ge [sflag:s31], $0x1400  }
0x3b: {  	[sflag:s31] =	ssyncset.done $0x0  }
0x3c: {  	s16 =	simm.s32 $0x0;
	[sflag:s31] =	ssyncadd.s32 $0xFFFFEC00  }
0x3d: {  	v0 =	vld [tilespmem:s16+$0x4E0]  }
0x3e: {  	v1 =	vld [tilespmem:s16+$0x4F0]  }
0x3f: {  	v2 =	vld [tilespmem:s16+$0x4A0]  }
0x40: {  	v3 =	vld [tilespmem:s16+$0x4B0]  }
0x41: {  	v4 =	vld [tilespmem:s16+$0x460]  }
0x42: {  	v5 =	vld [tilespmem:s16+$0x470]  }
0x43: {  	v6 =	vld [tilespmem:s16+$0x420]  }
0x44: {  	v7 =	vld [tilespmem:s16+$0x430]  }
0x45: {  	v9 =	vld [tilespmem:s16+$0x3E0]  }
0x46: {  	v8 =	vld [tilespmem:s16+$0x3F0]  }
0x47: {  	v11 =	vld [tilespmem:s16+$0x3A0]  }
0x48: {  	v10 =	vld [tilespmem:s16+$0x3B0]  }
0x49: {  	v17 =	vld [tilespmem:s16+$0x360]  }
0x4a: {  	v16 =	vld [tilespmem:s16+$0x370]  }
0x4b: {  	v18 =	vld [tilespmem:s16+$0x320]  }
0x4c: {  	v13 =	vimm.f32 $0.0e+00;
	v20 =	vld [tilespmem:s16+$0x330]  }
0x4d: {  	s17 =	simm.s32 $0x800;
	v15 =	vimm.f32 $0.0e+00;
	v14 =	vimm.f32 $0.0e+00;
	v12 =	vimm.f32 $0.0e+00;
	s15 =	sshll.u32 s13, $0x1;
	v19 =	vld [tilespmem:s16+$0x340]  }
.LBB2_3:
0x4e: {  	p0 =	sne.s32 s17, $0xC000;
	v21 =	vld [tilespmem:s16+$0x350]  }
0x4f: {  	v22 =	vld [tilespmem:s16+$0x380]  }
0x50: {  	v23 =	vld [tilespmem:s16+$0x390]  }
0x51: {  	v24 =	vld [tilespmem:s16+$0x3C0]  }
0x52: {  	v13 =	vadd.f32 v18, v13;
	v15 =	vadd.f32 v20, v15;
	v18 =	vld [tilespmem:s16+$0x3D0]  }
0x53: {  	v14 =	vadd.f32 v19, v14;
	v19 =	vld [tilespmem:s16+$0x400];
	v12 =	vadd.f32 v21, v12  }
0x54: {  	v13 =	vadd.f32 v17, v13;
	v15 =	vadd.f32 v16, v15;
	v16 =	vld [tilespmem:s16+$0x410]  }
0x55: {  	v14 =	vadd.f32 v22, v14;
	v17 =	vld [tilespmem:s16+$0x440];
	v12 =	vadd.f32 v23, v12  }
0x56: {  	v11 =	vadd.f32 v11, v13;
	v10 =	vadd.f32 v10, v15;
	v13 =	vld [tilespmem:s16+$0x450]  }
0x57: {  	v14 =	vadd.f32 v24, v14;
	v15 =	vld [tilespmem:s16+$0x480];
	v12 =	vadd.f32 v18, v12  }
0x58: {  	v9 =	vadd.f32 v9, v11;
	v8 =	vadd.f32 v8, v10;
	v10 =	vld [tilespmem:s16+$0x490]  }
0x59: {  	v11 =	vadd.f32 v19, v14;
	v14 =	vld [tilespmem:s16+$0x4C0];
	v12 =	vadd.f32 v16, v12  }
0x5a: {  	v6 =	vadd.f32 v6, v9;
	v7 =	vadd.f32 v7, v8;
	v8 =	vld [tilespmem:s16+$0x4D0]  }
0x5b: {  	v9 =	vadd.f32 v17, v11;
	v11 =	vld [tilespmem:s16+$0x500];
	v12 =	vadd.f32 v13, v12  }
0x5c: {  	v4 =	vadd.f32 v4, v6;
	v5 =	vadd.f32 v5, v7;
	v6 =	vld [tilespmem:s16+$0x510];
	s16 =	sshra.s32 s17, $0x2  }
0x5d: {  	v9 =	vadd.f32 v15, v9;
	v7 =	vld [tilespmem:s16+$0x4E0];
	v10 =	vadd.f32 v10, v12  }
0x5e: {  	v4 =	vadd.f32 v2, v4;
	v5 =	vadd.f32 v3, v5;
	v16 =	vld [tilespmem:s16+$0x4F0]  }
0x5f: {  	v9 =	vadd.f32 v14, v9;
	v2 =	vld [tilespmem:s16+$0x4A0];
	v8 =	vadd.f32 v8, v10  }
0x60: {  	v13 =	vadd.f32 v0, v4;
	v15 =	vadd.f32 v1, v5;
	v3 =	vld [tilespmem:s16+$0x4B0]  }
0x61: {  	v14 =	vadd.f32 v11, v9;
	v4 =	vld [tilespmem:s16+$0x460];
	v12 =	vadd.f32 v6, v8  }
0x62: {  	v5 =	vld [tilespmem:s16+$0x470];
	v0 =	vmov v7  }
0x63: {  	v6 =	vld [tilespmem:s16+$0x420];
	v1 =	vmov v16  }
0x64: {  	v7 =	vld [tilespmem:s16+$0x430]  }
0x65: {  	v9 =	vld [tilespmem:s16+$0x3E0]  }
0x66: {  	v8 =	vld [tilespmem:s16+$0x3F0]  }
0x67: {  	v11 =	vld [tilespmem:s16+$0x3A0]  }
0x68: {  	v10 =	vld [tilespmem:s16+$0x3B0]  }
.Ltmp0:
0x69: {  	v17 =	vld [tilespmem:s16+$0x360];
	(pc) =	sbr.rel @p0 .LBB2_3-.Ltmp0, $4  }
0x6a: {  	v16 =	vld [tilespmem:s16+$0x370]  }
0x6b: {  	v18 =	vld [tilespmem:s16+$0x320]  }
0x6c: {  	v20 =	vld [tilespmem:s16+$0x330]  }
0x6d: {  	s17 =	sadd.s32 $0x800, s17;
	v19 =	vld [tilespmem:s16+$0x340]  }
0x6e: {  	v21 =	vld [tilespmem:s16+$0x350]  }
0x6f: {  	v22 =	vld [tilespmem:s16+$0x380]  }
0x70: {  	v23 =	vld [tilespmem:s16+$0x390];
	v13 =	vadd.f32 v18, v13  }
0x71: {  	v18 =	vld [tilespmem:s16+$0x3C0];
	v15 =	vadd.f32 v20, v15  }
0x72: {  	v20 =	vld [tilespmem:s16+$0x3D0];
	v14 =	vadd.f32 v19, v14;
	v13 =	vadd.f32 v17, v13  }
0x73: {  	v17 =	vld [tilespmem:s16+$0x400];
	v12 =	vadd.f32 v21, v12;
	v15 =	vadd.f32 v16, v15  }
0x74: {  	v16 =	vld [tilespmem:s16+$0x410];
	v14 =	vadd.f32 v22, v14;
	v11 =	vadd.f32 v11, v13  }
0x75: {  	v13 =	vld [tilespmem:s16+$0x440];
	v12 =	vadd.f32 v23, v12;
	v10 =	vadd.f32 v10, v15  }
0x76: {  	v15 =	vld [tilespmem:s16+$0x450];
	v14 =	vadd.f32 v18, v14;
	v9 =	vadd.f32 v9, v11  }
0x77: {  	v11 =	vld [tilespmem:s16+$0x480];
	v12 =	vadd.f32 v20, v12;
	v8 =	vadd.f32 v8, v10  }
0x78: {  	v10 =	vld [tilespmem:s16+$0x490];
	v14 =	vadd.f32 v17, v14;
	v6 =	vadd.f32 v6, v9  }
0x79: {  	v9 =	vld [tilespmem:s16+$0x4C0];
	v12 =	vadd.f32 v16, v12;
	v7 =	vadd.f32 v7, v8  }
0x7a: {  	v8 =	vld [tilespmem:s16+$0x4D0];
	v13 =	vadd.f32 v13, v14;
	v4 =	vadd.f32 v4, v6  }
0x7b: {  	v6 =	vld [tilespmem:s16+$0x500];
	v12 =	vadd.f32 v15, v12;
	v5 =	vadd.f32 v5, v7  }
0x7c: {  	v7 =	vld [tilespmem:s16+$0x510];
	v11 =	vadd.f32 v11, v13;
	v2 =	vadd.f32 v2, v4  }
0x7d: {  	v4 =	vadd.f32 v10, v12;
	v3 =	vadd.f32 v3, v5  }
0x7e: {  	s18 =	sshll.u32 s13, $0x8;
	v5 =	vadd.f32 v9, v11;
	v0 =	vadd.f32 v0, v2  }
0x7f: {  	s16 =	sand.u32 $0x3FFFFF00, s18;
	v2 =	vadd.f32 v8, v4;
	v1 =	vadd.f32 v1, v3  }
0x80: {  	v3 =	vadd.f32 v6, v5;
	[tilespmem:s16+$0xCB20] =	vst v0  }
0x81: {  	v0 =	vadd.f32 v7, v2;
	[tilespmem:s16+$0xCB30] =	vst v1  }
0x82: {  	[tilespmem:s16+$0xCB40] =	vst v3  }
0x83: {  	s17 =	simm.s32 $0x0;
	[tilespmem:s16+$0xCB50] =	vst v0  }
0x84: {  	v0 =	vld [tilespmem:s17+$0x36E0]  }
0x85: {  	v1 =	vld [tilespmem:s17+$0x36F0]  }
0x86: {  	v2 =	vld [tilespmem:s17+$0x36A0]  }
0x87: {  	v3 =	vld [tilespmem:s17+$0x36B0]  }
0x88: {  	v4 =	vld [tilespmem:s17+$0x3660]  }
0x89: {  	v5 =	vld [tilespmem:s17+$0x3670]  }
0x8a: {  	v6 =	vld [tilespmem:s17+$0x3620]  }
0x8b: {  	v7 =	vld [tilespmem:s17+$0x3630]  }
0x8c: {  	v9 =	vld [tilespmem:s17+$0x35E0]  }
0x8d: {  	v8 =	vld [tilespmem:s17+$0x35F0]  }
0x8e: {  	v11 =	vld [tilespmem:s17+$0x35A0]  }
0x8f: {  	v10 =	vld [tilespmem:s17+$0x35B0]  }
0x90: {  	v17 =	vld [tilespmem:s17+$0x3560]  }
0x91: {  	v16 =	vld [tilespmem:s17+$0x3570]  }
0x92: {  	v19 =	vld [tilespmem:s17+$0x3520]  }
0x93: {  	v14 =	vimm.f32 $0.0e+00;
	v20 =	vld [tilespmem:s17+$0x3530]  }
0x94: {  	s18 =	simm.s32 $0x800;
	v15 =	vimm.f32 $0.0e+00;
	v13 =	vimm.f32 $0.0e+00;
	v12 =	vimm.f32 $0.0e+00;
	v18 =	vld [tilespmem:s17+$0x3540]  }
.LBB2_5:
0x95: {  	p0 =	sne.s32 s18, $0xC000;
	v21 =	vld [tilespmem:s17+$0x3550]  }
0x96: {  	v22 =	vld [tilespmem:s17+$0x3580]  }
0x97: {  	v23 =	vld [tilespmem:s17+$0x3590]  }
0x98: {  	v24 =	vld [tilespmem:s17+$0x35C0]  }
0x99: {  	v13 =	vadd.f32 v19, v13;
	v15 =	vadd.f32 v20, v15;
	v19 =	vld [tilespmem:s17+$0x35D0]  }
0x9a: {  	v14 =	vadd.f32 v18, v14;
	v18 =	vld [tilespmem:s17+$0x3600];
	v12 =	vadd.f32 v21, v12  }
0x9b: {  	v13 =	vadd.f32 v17, v13;
	v15 =	vadd.f32 v16, v15;
	v16 =	vld [tilespmem:s17+$0x3610]  }
0x9c: {  	v14 =	vadd.f32 v22, v14;
	v17 =	vld [tilespmem:s17+$0x3640];
	v12 =	vadd.f32 v23, v12  }
0x9d: {  	v11 =	vadd.f32 v11, v13;
	v10 =	vadd.f32 v10, v15;
	v13 =	vld [tilespmem:s17+$0x3650]  }
0x9e: {  	v14 =	vadd.f32 v24, v14;
	v15 =	vld [tilespmem:s17+$0x3680];
	v12 =	vadd.f32 v19, v12  }
0x9f: {  	v9 =	vadd.f32 v9, v11;
	v8 =	vadd.f32 v8, v10;
	v10 =	vld [tilespmem:s17+$0x3690]  }
0xa0: {  	v11 =	vadd.f32 v18, v14;
	v14 =	vld [tilespmem:s17+$0x36C0];
	v12 =	vadd.f32 v16, v12  }
0xa1: {  	v6 =	vadd.f32 v6, v9;
	v7 =	vadd.f32 v7, v8;
	v8 =	vld [tilespmem:s17+$0x36D0]  }
0xa2: {  	v9 =	vadd.f32 v17, v11;
	v11 =	vld [tilespmem:s17+$0x3700];
	v12 =	vadd.f32 v13, v12  }
0xa3: {  	v4 =	vadd.f32 v4, v6;
	v5 =	vadd.f32 v5, v7;
	v6 =	vld [tilespmem:s17+$0x3710];
	s17 =	sshra.s32 s18, $0x2  }
0xa4: {  	v9 =	vadd.f32 v15, v9;
	v7 =	vld [tilespmem:s17+$0x36E0];
	v10 =	vadd.f32 v10, v12  }
0xa5: {  	v4 =	vadd.f32 v2, v4;
	v5 =	vadd.f32 v3, v5;
	v16 =	vld [tilespmem:s17+$0x36F0]  }
0xa6: {  	v9 =	vadd.f32 v14, v9;
	v2 =	vld [tilespmem:s17+$0x36A0];
	v8 =	vadd.f32 v8, v10  }
0xa7: {  	v13 =	vadd.f32 v0, v4;
	v15 =	vadd.f32 v1, v5;
	v3 =	vld [tilespmem:s17+$0x36B0]  }
0xa8: {  	v14 =	vadd.f32 v11, v9;
	v4 =	vld [tilespmem:s17+$0x3660];
	v12 =	vadd.f32 v6, v8  }
0xa9: {  	v5 =	vld [tilespmem:s17+$0x3670];
	v0 =	vmov v7  }
0xaa: {  	v6 =	vld [tilespmem:s17+$0x3620];
	v1 =	vmov v16  }
0xab: {  	v7 =	vld [tilespmem:s17+$0x3630]  }
0xac: {  	v9 =	vld [tilespmem:s17+$0x35E0]  }
0xad: {  	v8 =	vld [tilespmem:s17+$0x35F0]  }
0xae: {  	v11 =	vld [tilespmem:s17+$0x35A0]  }
0xaf: {  	v10 =	vld [tilespmem:s17+$0x35B0]  }
.Ltmp1:
0xb0: {  	v17 =	vld [tilespmem:s17+$0x3560];
	(pc) =	sbr.rel @p0 .LBB2_5-.Ltmp1, $4  }
0xb1: {  	v16 =	vld [tilespmem:s17+$0x3570]  }
0xb2: {  	v19 =	vld [tilespmem:s17+$0x3520]  }
0xb3: {  	v20 =	vld [tilespmem:s17+$0x3530]  }
0xb4: {  	s18 =	sadd.s32 $0x800, s18;
	v18 =	vld [tilespmem:s17+$0x3540]  }
0xb5: {  	v21 =	vld [tilespmem:s17+$0x3550]  }
0xb6: {  	v22 =	vld [tilespmem:s17+$0x3580]  }
0xb7: {  	v23 =	vld [tilespmem:s17+$0x3590];
	v13 =	vadd.f32 v19, v13  }
0xb8: {  	v19 =	vld [tilespmem:s17+$0x35C0];
	v15 =	vadd.f32 v20, v15  }
0xb9: {  	v20 =	vld [tilespmem:s17+$0x35D0];
	v14 =	vadd.f32 v18, v14;
	v13 =	vadd.f32 v17, v13  }
0xba: {  	v17 =	vld [tilespmem:s17+$0x3600];
	v12 =	vadd.f32 v21, v12;
	v15 =	vadd.f32 v16, v15  }
0xbb: {  	v16 =	vld [tilespmem:s17+$0x3610];
	v14 =	vadd.f32 v22, v14;
	v11 =	vadd.f32 v11, v13  }
0xbc: {  	v13 =	vld [tilespmem:s17+$0x3640];
	v12 =	vadd.f32 v23, v12;
	v10 =	vadd.f32 v10, v15  }
0xbd: {  	v15 =	vld [tilespmem:s17+$0x3650];
	v14 =	vadd.f32 v19, v14;
	v9 =	vadd.f32 v9, v11  }
0xbe: {  	v11 =	vld [tilespmem:s17+$0x3680];
	v12 =	vadd.f32 v20, v12;
	v8 =	vadd.f32 v8, v10  }
0xbf: {  	v10 =	vld [tilespmem:s17+$0x3690];
	v14 =	vadd.f32 v17, v14;
	v6 =	vadd.f32 v6, v9  }
0xc0: {  	v9 =	vld [tilespmem:s17+$0x36C0];
	v12 =	vadd.f32 v16, v12;
	v7 =	vadd.f32 v7, v8  }
0xc1: {  	v8 =	vld [tilespmem:s17+$0x36D0];
	v13 =	vadd.f32 v13, v14;
	v4 =	vadd.f32 v4, v6  }
0xc2: {  	v6 =	vld [tilespmem:s17+$0x3700];
	v12 =	vadd.f32 v15, v12;
	v5 =	vadd.f32 v5, v7  }
0xc3: {  	v7 =	vld [tilespmem:s17+$0x3710];
	v11 =	vadd.f32 v11, v13;
	v2 =	vadd.f32 v2, v4  }
0xc4: {  	v4 =	vadd.f32 v10, v12;
	v3 =	vadd.f32 v3, v5  }
0xc5: {  	v5 =	vadd.f32 v9, v11;
	v0 =	vadd.f32 v0, v2  }
0xc6: {  	p0 =	seq.s32 s13, $0x7F;
	v2 =	vadd.f32 v8, v4;
	v1 =	vadd.f32 v1, v3  }
0xc7: {  	s15 =	sadd.s32 @!p0 s15, s7;
	v3 =	vadd.f32 v6, v5;
	[tilespmem:s16+$0xCB60] =	vst v0  }
0xc8: {  	s15 =	smul.u32 @!p0 $0x32, s15;
	v0 =	vadd.f32 v7, v2;
	[tilespmem:s16+$0xCB70] =	vst v1  }
0xc9: {  	[tilespmem:s16+$0xCB80] =	vst v3  }
0xca: {  	s15 =	sadd.s32 @!p0 s2, s15;
	[tilespmem:s16+$0xCB90] =	vst v0;
	s16 =	simm.s32 @!p0 $0x0  }
0xcb: {  	[tilespmem:s16], [sflag:$0x3] =	stream.linear.gather @!p0 [hbm4b:s15+s16], $0x190, $0x38;
	[tilespmem:$0x14B20] =	vst v63  }
0xcc: {  	s15 =	simm.s32 @!p0 $0x3  }
0xcd: {  	_ =	swait.ge @!p0 [sflag:s15], $0x190  }
0xce: {  	[sflag:s15] =	ssyncset.done @!p0 $0x0  }
0xcf: {  	s17 =	simm.s32 @!p0 $0x320;
	[sflag:s15] =	ssyncadd.s32 @!p0 $0xFFFFFE70;
	s15 =	simm.s32 @!p0 $0x50  }
0xd0: {  	[tilespmem:s17], [sflag:$0x1] =	stream.indirect.gather @!p0 [hbm4b:s4+s15], $0x40, s16, s15, $0xb8;
	[tilespmem:$0x14B20] =	vst v63  }
0xd1: {  	s16 =	simm.s32 @!p0 $0x1720  }
0xd2: {  	[tilespmem:s16], [sflag:$0x1] =	stream.indirect.gather @!p0 [hbm4b:s4+s15], $0x40, s15, s15, $0xb8;
	[tilespmem:$0x14B20] =	vst v63  }
0xd3: {  	s17 =	simm.s32 @!p0 $0x2B20;
	s16 =	simm.s32 @!p0 $0xA0  }
0xd4: {  	[tilespmem:s17], [sflag:$0x1] =	stream.indirect.gather @!p0 [hbm4b:s4+s15], $0x40, s16, s15, $0xb8;
	[tilespmem:$0x14B20] =	vst v63  }
0xd5: {  	s16 =	simm.s32 @!p0 $0xF0;
	s17 =	simm.s32 @!p0 $0x3F20  }
0xd6: {  	[tilespmem:s17], [sflag:$0x1] =	stream.indirect.gather @!p0 [hbm4b:s4+s15], $0x40, s16, s15, $0xb8;
	[tilespmem:$0x14B20] =	vst v63  }
0xd7: {  	s16 =	simm.s32 @!p0 $0x140;
	s17 =	simm.s32 @!p0 $0x5320  }
0xd8: {  	[tilespmem:s17], [sflag:$0x1] =	stream.indirect.gather @!p0 [hbm4b:s4+s15], $0x40, s16, s15, $0xb8;
	[tilespmem:$0x14B20] =	vst v63  }
0xd9: {  	_ =	swait.ge [sflag:s0], $0x1400  }
0xda: {  	[sflag:s0] =	ssyncset.done $0x0  }
0xdb: {  	[sflag:s0] =	ssyncadd.s32 $0xFFFFEC00  }
0xdc: {  	_ =	swait.ge [sflag:s0], $0x1400  }
0xdd: {  	[sflag:s0] =	ssyncset.done $0x0  }
0xde: {  	[sflag:s0] =	ssyncadd.s32 $0xFFFFEC00  }
0xdf: {  	_ =	swait.ge [sflag:s0], $0x1400  }
0xe0: {  	[sflag:s0] =	ssyncset.done $0x0  }
0xe1: {  	[sflag:s0] =	ssyncadd.s32 $0xFFFFEC00  }
0xe2: {  	_ =	swait.ge [sflag:s0], $0x1400  }
0xe3: {  	[sflag:s0] =	ssyncset.done $0x0  }
0xe4: {  	[sflag:s0] =	ssyncadd.s32 $0xFFFFEC00  }
0xe5: {  	_ =	swait.ge [sflag:s0], $0x1400  }
0xe6: {  	[sflag:s0] =	ssyncset.done $0x0  }
0xe7: {  	s15 =	simm.s32 $0x0;
	[sflag:s0] =	ssyncadd.s32 $0xFFFFEC00  }
0xe8: {  	v0 =	vld [tilespmem:s15+$0x68E0]  }
0xe9: {  	v1 =	vld [tilespmem:s15+$0x68F0]  }
0xea: {  	v2 =	vld [tilespmem:s15+$0x68A0]  }
0xeb: {  	v3 =	vld [tilespmem:s15+$0x68B0]  }
0xec: {  	v4 =	vld [tilespmem:s15+$0x6860]  }
0xed: {  	v5 =	vld [tilespmem:s15+$0x6870]  }
0xee: {  	v6 =	vld [tilespmem:s15+$0x6820]  }
0xef: {  	v7 =	vld [tilespmem:s15+$0x6830]  }
0xf0: {  	v9 =	vld [tilespmem:s15+$0x67E0]  }
0xf1: {  	v8 =	vld [tilespmem:s15+$0x67F0]  }
0xf2: {  	v11 =	vld [tilespmem:s15+$0x67A0]  }
0xf3: {  	v10 =	vld [tilespmem:s15+$0x67B0]  }
0xf4: {  	v17 =	vld [tilespmem:s15+$0x6760]  }
0xf5: {  	v16 =	vld [tilespmem:s15+$0x6770]  }
0xf6: {  	v19 =	vld [tilespmem:s15+$0x6720]  }
0xf7: {  	v14 =	vimm.f32 $0.0e+00;
	v20 =	vld [tilespmem:s15+$0x6730]  }
0xf8: {  	v15 =	vimm.f32 $0.0e+00;
	v13 =	vimm.f32 $0.0e+00;
	v12 =	vimm.f32 $0.0e+00;
	s16 =	simm.s32 $0x800;
	v18 =	vld [tilespmem:s15+$0x6740]  }
.LBB2_7:
0xf9: {  	p0 =	sne.s32 s16, $0xC000;
	v21 =	vld [tilespmem:s15+$0x6750]  }
0xfa: {  	v22 =	vld [tilespmem:s15+$0x6780]  }
0xfb: {  	v23 =	vld [tilespmem:s15+$0x6790]  }
0xfc: {  	v24 =	vld [tilespmem:s15+$0x67C0]  }
0xfd: {  	v13 =	vadd.f32 v19, v13;
	v15 =	vadd.f32 v20, v15;
	v19 =	vld [tilespmem:s15+$0x67D0]  }
0xfe: {  	v14 =	vadd.f32 v18, v14;
	v18 =	vld [tilespmem:s15+$0x6800];
	v12 =	vadd.f32 v21, v12  }
0xff: {  	v13 =	vadd.f32 v17, v13;
	v15 =	vadd.f32 v16, v15;
	v16 =	vld [tilespmem:s15+$0x6810]  }
0x100: {  	v14 =	vadd.f32 v22, v14;
	v17 =	vld [tilespmem:s15+$0x6840];
	v12 =	vadd.f32 v23, v12  }
0x101: {  	v11 =	vadd.f32 v11, v13;
	v10 =	vadd.f32 v10, v15;
	v13 =	vld [tilespmem:s15+$0x6850]  }
0x102: {  	v14 =	vadd.f32 v24, v14;
	v15 =	vld [tilespmem:s15+$0x6880];
	v12 =	vadd.f32 v19, v12  }
0x103: {  	v9 =	vadd.f32 v9, v11;
	v8 =	vadd.f32 v8, v10;
	v10 =	vld [tilespmem:s15+$0x6890]  }
0x104: {  	v11 =	vadd.f32 v18, v14;
	v14 =	vld [tilespmem:s15+$0x68C0];
	v12 =	vadd.f32 v16, v12  }
0x105: {  	v6 =	vadd.f32 v6, v9;
	v7 =	vadd.f32 v7, v8;
	v8 =	vld [tilespmem:s15+$0x68D0]  }
0x106: {  	v9 =	vadd.f32 v17, v11;
	v11 =	vld [tilespmem:s15+$0x6900];
	v12 =	vadd.f32 v13, v12  }
0x107: {  	v4 =	vadd.f32 v4, v6;
	v5 =	vadd.f32 v5, v7;
	v6 =	vld [tilespmem:s15+$0x6910];
	s15 =	sshra.s32 s16, $0x2  }
0x108: {  	v9 =	vadd.f32 v15, v9;
	v7 =	vld [tilespmem:s15+$0x68E0];
	v10 =	vadd.f32 v10, v12  }
0x109: {  	v4 =	vadd.f32 v2, v4;
	v5 =	vadd.f32 v3, v5;
	v16 =	vld [tilespmem:s15+$0x68F0]  }
0x10a: {  	v9 =	vadd.f32 v14, v9;
	v2 =	vld [tilespmem:s15+$0x68A0];
	v8 =	vadd.f32 v8, v10  }
0x10b: {  	v13 =	vadd.f32 v0, v4;
	v15 =	vadd.f32 v1, v5;
	v3 =	vld [tilespmem:s15+$0x68B0]  }
0x10c: {  	v14 =	vadd.f32 v11, v9;
	v4 =	vld [tilespmem:s15+$0x6860];
	v12 =	vadd.f32 v6, v8  }
0x10d: {  	v5 =	vld [tilespmem:s15+$0x6870];
	v0 =	vmov v7  }
0x10e: {  	v6 =	vld [tilespmem:s15+$0x6820];
	v1 =	vmov v16  }
0x10f: {  	v7 =	vld [tilespmem:s15+$0x6830]  }
0x110: {  	v9 =	vld [tilespmem:s15+$0x67E0]  }
0x111: {  	v8 =	vld [tilespmem:s15+$0x67F0]  }
0x112: {  	v11 =	vld [tilespmem:s15+$0x67A0]  }
0x113: {  	v10 =	vld [tilespmem:s15+$0x67B0]  }
.Ltmp2:
0x114: {  	v17 =	vld [tilespmem:s15+$0x6760];
	(pc) =	sbr.rel @p0 .LBB2_7-.Ltmp2, $4  }
0x115: {  	v16 =	vld [tilespmem:s15+$0x6770]  }
0x116: {  	v19 =	vld [tilespmem:s15+$0x6720]  }
0x117: {  	v20 =	vld [tilespmem:s15+$0x6730]  }
0x118: {  	s16 =	sadd.s32 $0x800, s16;
	v18 =	vld [tilespmem:s15+$0x6740]  }
0x119: {  	v21 =	vld [tilespmem:s15+$0x6750]  }
0x11a: {  	v22 =	vld [tilespmem:s15+$0x6780]  }
0x11b: {  	v23 =	vld [tilespmem:s15+$0x6790];
	v13 =	vadd.f32 v19, v13  }
0x11c: {  	v19 =	vld [tilespmem:s15+$0x67C0];
	v15 =	vadd.f32 v20, v15  }
0x11d: {  	v20 =	vld [tilespmem:s15+$0x67D0];
	v14 =	vadd.f32 v18, v14;
	v13 =	vadd.f32 v17, v13  }
0x11e: {  	v17 =	vld [tilespmem:s15+$0x6800];
	v12 =	vadd.f32 v21, v12;
	v15 =	vadd.f32 v16, v15  }
0x11f: {  	v16 =	vld [tilespmem:s15+$0x6810];
	v14 =	vadd.f32 v22, v14;
	v11 =	vadd.f32 v11, v13  }
0x120: {  	v13 =	vld [tilespmem:s15+$0x6840];
	v12 =	vadd.f32 v23, v12;
	v10 =	vadd.f32 v10, v15  }
0x121: {  	v15 =	vld [tilespmem:s15+$0x6850];
	v14 =	vadd.f32 v19, v14;
	v9 =	vadd.f32 v9, v11  }
0x122: {  	v11 =	vld [tilespmem:s15+$0x6880];
	v12 =	vadd.f32 v20, v12;
	v8 =	vadd.f32 v8, v10  }
0x123: {  	v10 =	vld [tilespmem:s15+$0x6890];
	v14 =	vadd.f32 v17, v14;
	v6 =	vadd.f32 v6, v9  }
0x124: {  	v9 =	vld [tilespmem:s15+$0x68C0];
	v12 =	vadd.f32 v16, v12;
	v7 =	vadd.f32 v7, v8  }
0x125: {  	v8 =	vld [tilespmem:s15+$0x68D0];
	v13 =	vadd.f32 v13, v14;
	v4 =	vadd.f32 v4, v6  }
0x126: {  	v6 =	vld [tilespmem:s15+$0x6900];
	v12 =	vadd.f32 v15, v12;
	v5 =	vadd.f32 v5, v7  }
0x127: {  	v7 =	vld [tilespmem:s15+$0x6910];
	v11 =	vadd.f32 v11, v13;
	v2 =	vadd.f32 v2, v4  }
0x128: {  	v4 =	vadd.f32 v10, v12;
	v3 =	vadd.f32 v3, v5  }
0x129: {  	s14 =	sshll.u32 s14, $0x7;
	v5 =	vadd.f32 v9, v11;
	v0 =	vadd.f32 v0, v2  }
0x12a: {  	s14 =	sand.u32 $0x3FFFFF80, s14;
	v2 =	vadd.f32 v8, v4;
	v1 =	vadd.f32 v1, v3  }
0x12b: {  	v3 =	vadd.f32 v6, v5;
	[tilespmem:s14+$0xCB20] =	vst v0  }
0x12c: {  	v0 =	vadd.f32 v7, v2;
	[tilespmem:s14+$0xCB30] =	vst v1  }
0x12d: {  	[tilespmem:s14+$0xCB40] =	vst v3  }
0x12e: {  	s15 =	simm.s32 $0x0;
	[tilespmem:s14+$0xCB50] =	vst v0  }
0x12f: {  	v0 =	vld [tilespmem:s15+$0x9AE0]  }
0x130: {  	v1 =	vld [tilespmem:s15+$0x9AF0]  }
0x131: {  	v2 =	vld [tilespmem:s15+$0x9AA0]  }
0x132: {  	v3 =	vld [tilespmem:s15+$0x9AB0]  }
0x133: {  	v4 =	vld [tilespmem:s15+$0x9A60]  }
0x134: {  	v5 =	vld [tilespmem:s15+$0x9A70]  }
0x135: {  	v6 =	vld [tilespmem:s15+$0x9A20]  }
0x136: {  	v7 =	vld [tilespmem:s15+$0x9A30]  }
0x137: {  	v9 =	vld [tilespmem:s15+$0x99E0]  }
0x138: {  	v8 =	vld [tilespmem:s15+$0x99F0]  }
0x139: {  	v11 =	vld [tilespmem:s15+$0x99A0]  }
0x13a: {  	v10 =	vld [tilespmem:s15+$0x99B0]  }
0x13b: {  	v17 =	vld [tilespmem:s15+$0x9960]  }
0x13c: {  	v16 =	vld [tilespmem:s15+$0x9970]  }
0x13d: {  	v19 =	vld [tilespmem:s15+$0x9920]  }
0x13e: {  	v14 =	vimm.f32 $0.0e+00;
	v20 =	vld [tilespmem:s15+$0x9930]  }
0x13f: {  	s16 =	simm.s32 $0x800;
	v15 =	vimm.f32 $0.0e+00;
	v13 =	vimm.f32 $0.0e+00;
	v12 =	vimm.f32 $0.0e+00;
	v18 =	vld [tilespmem:s15+$0x9940]  }
.LBB2_9:
0x140: {  	p0 =	sne.s32 s16, $0xC000;
	v21 =	vld [tilespmem:s15+$0x9950]  }
0x141: {  	v22 =	vld [tilespmem:s15+$0x9980]  }
0x142: {  	v23 =	vld [tilespmem:s15+$0x9990]  }
0x143: {  	v24 =	vld [tilespmem:s15+$0x99C0]  }
0x144: {  	v13 =	vadd.f32 v19, v13;
	v15 =	vadd.f32 v20, v15;
	v19 =	vld [tilespmem:s15+$0x99D0]  }
0x145: {  	v14 =	vadd.f32 v18, v14;
	v18 =	vld [tilespmem:s15+$0x9A00];
	v12 =	vadd.f32 v21, v12  }
0x146: {  	v13 =	vadd.f32 v17, v13;
	v15 =	vadd.f32 v16, v15;
	v16 =	vld [tilespmem:s15+$0x9A10]  }
0x147: {  	v14 =	vadd.f32 v22, v14;
	v17 =	vld [tilespmem:s15+$0x9A40];
	v12 =	vadd.f32 v23, v12  }
0x148: {  	v11 =	vadd.f32 v11, v13;
	v10 =	vadd.f32 v10, v15;
	v13 =	vld [tilespmem:s15+$0x9A50]  }
0x149: {  	v14 =	vadd.f32 v24, v14;
	v15 =	vld [tilespmem:s15+$0x9A80];
	v12 =	vadd.f32 v19, v12  }
0x14a: {  	v9 =	vadd.f32 v9, v11;
	v8 =	vadd.f32 v8, v10;
	v10 =	vld [tilespmem:s15+$0x9A90]  }
0x14b: {  	v11 =	vadd.f32 v18, v14;
	v14 =	vld [tilespmem:s15+$0x9AC0];
	v12 =	vadd.f32 v16, v12  }
0x14c: {  	v6 =	vadd.f32 v6, v9;
	v7 =	vadd.f32 v7, v8;
	v8 =	vld [tilespmem:s15+$0x9AD0]  }
0x14d: {  	v9 =	vadd.f32 v17, v11;
	v11 =	vld [tilespmem:s15+$0x9B00];
	v12 =	vadd.f32 v13, v12  }
0x14e: {  	v4 =	vadd.f32 v4, v6;
	v5 =	vadd.f32 v5, v7;
	v6 =	vld [tilespmem:s15+$0x9B10];
	s15 =	sshra.s32 s16, $0x2  }
0x14f: {  	v9 =	vadd.f32 v15, v9;
	v7 =	vld [tilespmem:s15+$0x9AE0];
	v10 =	vadd.f32 v10, v12  }
0x150: {  	v4 =	vadd.f32 v2, v4;
	v5 =	vadd.f32 v3, v5;
	v16 =	vld [tilespmem:s15+$0x9AF0]  }
0x151: {  	v9 =	vadd.f32 v14, v9;
	v2 =	vld [tilespmem:s15+$0x9AA0];
	v8 =	vadd.f32 v8, v10  }
0x152: {  	v13 =	vadd.f32 v0, v4;
	v15 =	vadd.f32 v1, v5;
	v3 =	vld [tilespmem:s15+$0x9AB0]  }
0x153: {  	v14 =	vadd.f32 v11, v9;
	v4 =	vld [tilespmem:s15+$0x9A60];
	v12 =	vadd.f32 v6, v8  }
0x154: {  	v5 =	vld [tilespmem:s15+$0x9A70];
	v0 =	vmov v7  }
0x155: {  	v6 =	vld [tilespmem:s15+$0x9A20];
	v1 =	vmov v16  }
0x156: {  	v7 =	vld [tilespmem:s15+$0x9A30]  }
0x157: {  	v9 =	vld [tilespmem:s15+$0x99E0]  }
0x158: {  	v8 =	vld [tilespmem:s15+$0x99F0]  }
0x159: {  	v11 =	vld [tilespmem:s15+$0x99A0]  }
0x15a: {  	v10 =	vld [tilespmem:s15+$0x99B0]  }
.Ltmp3:
0x15b: {  	v17 =	vld [tilespmem:s15+$0x9960];
	(pc) =	sbr.rel @p0 .LBB2_9-.Ltmp3, $4  }
0x15c: {  	v16 =	vld [tilespmem:s15+$0x9970]  }
0x15d: {  	v19 =	vld [tilespmem:s15+$0x9920]  }
0x15e: {  	v20 =	vld [tilespmem:s15+$0x9930]  }
0x15f: {  	s16 =	sadd.s32 $0x800, s16;
	v18 =	vld [tilespmem:s15+$0x9940]  }
0x160: {  	v21 =	vld [tilespmem:s15+$0x9950]  }
0x161: {  	v22 =	vld [tilespmem:s15+$0x9980]  }
0x162: {  	v23 =	vld [tilespmem:s15+$0x9990];
	v13 =	vadd.f32 v19, v13  }
0x163: {  	v47 =	vld [tilespmem:s15+$0x99C0];
	v15 =	vadd.f32 v20, v15  }
0x164: {  	v48 =	vld [tilespmem:s15+$0x99D0];
	v14 =	vadd.f32 v18, v14;
	v13 =	vadd.f32 v17, v13  }
0x165: {  	v49 =	vld [tilespmem:s15+$0x9A00];
	v12 =	vadd.f32 v21, v12;
	v15 =	vadd.f32 v16, v15  }
0x166: {  	v50 =	vld [tilespmem:s15+$0x9A10];
	v14 =	vadd.f32 v22, v14;
	v11 =	vadd.f32 v11, v13  }
0x167: {  	v51 =	vld [tilespmem:s15+$0x9A40];
	v12 =	vadd.f32 v23, v12;
	v10 =	vadd.f32 v10, v15  }
0x168: {  	v52 =	vld [tilespmem:s15+$0x9A50];
	v14 =	vadd.f32 v47, v14;
	v9 =	vadd.f32 v9, v11  }
0x169: {  	v53 =	vld [tilespmem:s15+$0x9A80];
	v12 =	vadd.f32 v48, v12;
	v8 =	vadd.f32 v8, v10  }
0x16a: {  	v54 =	vld [tilespmem:s15+$0x9A90];
	v14 =	vadd.f32 v49, v14;
	v6 =	vadd.f32 v6, v9  }
0x16b: {  	v55 =	vld [tilespmem:s15+$0x9AC0];
	v12 =	vadd.f32 v50, v12;
	v7 =	vadd.f32 v7, v8  }
0x16c: {  	v56 =	vld [tilespmem:s15+$0x9AD0];
	v13 =	vadd.f32 v51, v14;
	v4 =	vadd.f32 v4, v6  }
0x16d: {  	v57 =	vld [tilespmem:s15+$0x9B00];
	v12 =	vadd.f32 v52, v12;
	v5 =	vadd.f32 v5, v7  }
0x16e: {  	v58 =	vld [tilespmem:s15+$0x9B10];
	v11 =	vadd.f32 v53, v13;
	v2 =	vadd.f32 v2, v4  }
0x16f: {  	s13 =	sadd.s32 $0x1, s13;
	v59 =	vadd.f32 v54, v12;
	v3 =	vadd.f32 v3, v5  }
0x170: {  	p0 =	sne.s32 s13, $0x80;
	v60 =	vadd.f32 v55, v11;
	v0 =	vadd.f32 v0, v2  }
.Ltmp4:
0x171: {  	v61 =	vadd.f32 v56, v59;
	v1 =	vadd.f32 v1, v3;
	(pc) =	sbr.rel @p0 .LBB2_2-.Ltmp4, $4  }
0x172: {  	v62 =	vadd.f32 v57, v60;
	[tilespmem:s14+$0xCB60] =	vst v0  }
0x173: {  	v63 =	vadd.f32 v58, v61;
	[tilespmem:s14+$0xCB70] =	vst v1  }
0x174: {  	[tilespmem:s14+$0xCB80] =	vst v62  }
0x175: {  	[tilespmem:s14+$0xCB90] =	vst v63  }
0x176: {  	s12 =	sadd.s32 $0x1, s12  }
0x177: {  	p0 =	sne.s32 s12, s9  }
.Ltmp5:
0x178: {  	_ = 	snop;
	(pc) =	sbr.rel @p0 .LBB2_1-.Ltmp5, $4  }
0x179: {  	[hbm4b:s8+s3] =	stream.linear.scatter [tilespmem:s1], [sflag:$0x3], $0x8000, $0x38;
	[tilespmem:$0x14B20] =	vst v63  }
0x17a: {  	_ =	swait.ge [sflag:s10], $0x8000  }
0x17b: {  	[sflag:s10] =	ssyncset.done $0x0  }
0x17c: {  	[sflag:s10] =	ssyncadd.s32 $0xFFFF8000  }
0x17d: {  	_ =	sfence.sel $0x180000  }
0x17e: {  	[bflag:$0x0] =	sbarrier.arrive $0xFFFF  }
0x17f: {  	_ =	strace $0x90000047  }
0x180: {  	s0 =	stileid.u32;
	[bflag:$0x2] =	sbarrier.arrive $0xFFFF  }
0x181: {  	p0 =	sne.s32 s0, $0x0;
	s0 =	rddreg [dreg:$0x3]  }
0x182: {  	s0 =	sadd.s32 @!p0 $0x100000, s0  }
0x183: {  	[sflag:s0] =	ssyncadd.tile.s32 @!p0 $0x1;
	_ =	shalt  }
.Lfunc_end2:
_tile_overlayer_lowered:
.L_overlay_start_2:
0x184: {  	(tag) =	ssettag $0x2  }
0x185: {  	s0 =	rddreg [dreg:$0x0];
	s2 =	stileid.u32  }
0x186: {  	s1 =	rddreg [dreg:$0x1];
	p0 =	sne.s32 s2, $0x0  }
0x187: {  	s3 =	rddreg [dreg:$0x2];
	[bflag:$0x3] =	sbarrier.arrive $0xFFFF;
	s2 =	simm.s32 @!p0 $0x1C03  }
0x188: {  	[timem:s3], [sflag:s2] =	dma.local @!p0 [hbm:s0], s1  }
0x189: {  	s0 =	simm.s32 @!p0 $0x3  }
0x18a: {  	_ =	swait.ge @!p0 [sflag:s0], s1  }
0x18b: {  	s1 =	ssub.s32 @!p0 $0x0, s1;
	[sflag:s0] =	ssyncset.done @!p0 $0x0  }
0x18c: {  	[sflag:s0] =	ssyncadd.s32 @!p0 s1  }
0x18d: {  	[bflag:$0x3] =	sbarrier.arrive $0xFFFF  }
0x18e: {  	_ =	shalt  }

</sc_bundles>
